<compile_context>
chip_gen: v7x
topology: tpu7x:2x2x1
jax: 0.10.2.dev20260603
libtpu: 0.0.44.dev20260713+nightly
codegen_flags: <defaults>
</compile_context>

<pallas_src>
import functools

import jax
import jax.numpy as jnp
from jax import lax
from jax.experimental import pallas as pl
from jax.experimental.pallas import tpu as pltpu
from jax.experimental.pallas import tpu_sc as plsc

_INTERPRET = False

T = 512
NW = 32
L = 16
RCHUNK = 64



def _pos_body(ch_ref, pos_ref, counts_ref):
    E = 16
    G, B = ch_ref.shape
    chm = ch_ref[...] % E
    tri_b = (jax.lax.broadcasted_iota(jnp.int32, (B, B), 0)
             < jax.lax.broadcasted_iota(jnp.int32, (B, B), 1)).astype(jnp.float32)
    tri_g = (jax.lax.broadcasted_iota(jnp.int32, (G, G), 1)
             < jax.lax.broadcasted_iota(jnp.int32, (G, G), 0)).astype(jnp.float32)
    iota_e = jax.lax.broadcasted_iota(jnp.int32, (1, E), 1)
    pos = jnp.zeros((G, B), jnp.float32)
    counts = jnp.zeros((1, E), jnp.int32)
    run_tot = jnp.float32(0.0)
    for e in range(E):
        m = (chm == e).astype(jnp.float32)
        rank = jnp.dot(m, tri_b, preferred_element_type=jnp.float32)
        cnt = jnp.sum(m, axis=1, keepdims=True)
        row_base = jnp.dot(tri_g, cnt, preferred_element_type=jnp.float32)
        tot = jnp.sum(cnt)
        pos = pos + m * (run_tot + row_base + rank)
        counts = jnp.where(iota_e == e, tot.astype(jnp.int32), counts)
        run_tot = run_tot + tot
    pos_ref[...] = pos.astype(jnp.int32)
    counts_ref[...] = counts


def _pos_tc(ch2d):
    G, B = ch2d.shape
    return pl.pallas_call(
        _pos_body,
        out_shape=[jax.ShapeDtypeStruct((G, B), jnp.int32),
                   jax.ShapeDtypeStruct((1, 16), jnp.int32)],
        interpret=_INTERPRET,
    )(ch2d)


def _shuffle_sc(xv, posm):
    N, DW = xv.shape
    seg = N // NW
    mesh = plsc.VectorSubcoreMesh(core_axis_name="c", subcore_axis_name="s")

    @functools.partial(
        pl.kernel, mesh=mesh,
        out_type=jax.ShapeDtypeStruct((N, DW), jnp.float32),
        scratch_types=[
            pltpu.VMEM((seg // RCHUNK, RCHUNK), jnp.int32),
            pltpu.VMEM((RCHUNK, DW), jnp.float32),
            pltpu.SemaphoreType.DMA,
        ],
    )
    def shuffle(xv_hbm, pos_hbm, xs_hbm, posm_v, rows_v, sem):
        w = lax.axis_index("s") * 2 + lax.axis_index("c")
        pltpu.sync_copy(pos_hbm.at[w], posm_v)
        for c in range(seg // RCHUNK):
            pltpu.sync_copy(xv_hbm.at[pl.ds(w * seg + c * RCHUNK, RCHUNK)], rows_v)
            pltpu.async_copy(rows_v, xs_hbm.at[posm_v.at[c]], sem).wait()

    return shuffle(xv, posm)



def _unsort_sc(prob_sorted, pos):
    N = prob_sorted.shape[0]
    seg = N // NW
    mesh = plsc.VectorSubcoreMesh(core_axis_name="c", subcore_axis_name="s")

    @functools.partial(
        pl.kernel, mesh=mesh,
        out_type=jax.ShapeDtypeStruct((NW, seg), jnp.float32),
        scratch_types=[
            pltpu.VMEM((seg,), jnp.int32),
            pltpu.VMEM((seg,), jnp.float32),
            pltpu.SemaphoreType.DMA,
        ],
    )
    def unsort(prob_hbm, pos_hbm, out_hbm, pos_v, vals_v, sem):
        w = lax.axis_index("s") * 2 + lax.axis_index("c")
        pltpu.sync_copy(pos_hbm.at[w], pos_v)
        pltpu.async_copy(prob_hbm.at[pos_v], vals_v, sem).wait()
        pltpu.sync_copy(vals_v, out_hbm.at[w])

    return unsort(prob_sorted, pos).reshape(N)



def _gmm_body(tile_ids, group_ids, offs, b2s,
              x_ref, w1_ref, b1_ref, w2_ref, out_ref):
    u = pl.program_id(0)
    e = group_ids[u]
    t = tile_ids[u]
    w1 = w1_ref[0].astype(jnp.bfloat16)
    b1r = b1_ref[0, 0, :][None, :]
    F = w1.shape[1]

    def _half(sl):
        h = jnp.tanh(
            jnp.dot(x_ref[sl, :].astype(jnp.bfloat16), w1,
                    preferred_element_type=jnp.float32) + b1r)
        acc = h[:, 0:128] * w2_ref[0, 0, 0:128][None, :]
        for k in range(1, F // 128):
            acc = acc + h[:, k * 128:(k + 1) * 128] * w2_ref[0, 0, k * 128:(k + 1) * 128][None, :]
        return jnp.sum(acc, axis=1, keepdims=True)

    H = T // 4
    logit = jnp.concatenate(
        [_half(pl.ds(i * H, H)) for i in range(4)], axis=0) + b2s[e]
    prob = jax.nn.softplus(logit)
    r = t * T + jax.lax.broadcasted_iota(jnp.int32, (T, 1), 0)
    mask = (r >= offs[e]) & (r < offs[e + 1])
    out_ref[...] = jnp.where(mask, prob, out_ref[...])


def _grouped_mlp(xs, W1, b1, w2, b2, tile_ids, group_ids, offs):
    N, D = xs.shape
    E, _, F = W1.shape
    U = tile_ids.shape[0]
    grid_spec = pltpu.PrefetchScalarGridSpec(
        num_scalar_prefetch=4,
        grid=(U,),
        in_specs=[
            pl.BlockSpec((T, D), lambda u, ti, gi, of, b2s: (ti[u], 0)),
            pl.BlockSpec((1, D, F), lambda u, ti, gi, of, b2s: (gi[u], 0, 0)),
            pl.BlockSpec((1, 1, F), lambda u, ti, gi, of, b2s: (gi[u], 0, 0)),
            pl.BlockSpec((1, 1, F), lambda u, ti, gi, of, b2s: (gi[u], 0, 0)),
        ],
        out_specs=pl.BlockSpec((T, 1), lambda u, ti, gi, of, b2s: (ti[u], 0)),
    )
    out = pl.pallas_call(
        _gmm_body,
        grid_spec=grid_spec,
        out_shape=jax.ShapeDtypeStruct((N, 1), jnp.float32),
        interpret=_INTERPRET,
    )(tile_ids, group_ids, offs, b2,
      xs, W1, b1.reshape(E, 1, F), w2.reshape(E, 1, F))
    return out.reshape(N)


def _metadata(counts, num_tiles):
    E = counts.shape[0]
    U = num_tiles + E - 1
    ends = jnp.cumsum(counts)
    starts = ends - counts
    offs = jnp.concatenate([jnp.zeros((1,), jnp.int32), ends.astype(jnp.int32)])
    start_tile = starts // T
    end_tile = jnp.maximum(ends - 1, 0) // T
    g = jnp.where(counts > 0, end_tile - start_tile + 1, 0)
    gcum = jnp.cumsum(g)
    total = gcum[-1]
    u = jnp.arange(U, dtype=jnp.int32)
    uc = jnp.minimum(u, total - 1)
    grp = jnp.searchsorted(gcum, uc, side="right").astype(jnp.int32)
    before = (gcum[grp] - g[grp]).astype(jnp.int32)
    tile = (start_tile[grp] + (uc - before)).astype(jnp.int32)
    return tile, grp, offs


def kernel(x, channel, W1, b1, w2, b2):
    N, D = x.shape
    E = W1.shape[0]
    seg = N // NW
    pos, counts = _pos_tc(channel.astype(jnp.int32).reshape(N // 128, 128))
    posm = pos.reshape(NW, seg // RCHUNK, RCHUNK)
    xs = _shuffle_sc(x, posm)
    tile_ids, group_ids, offs = _metadata(counts.reshape(E), N // T)
    prob_sorted = _grouped_mlp(xs, W1, b1, w2, b2, tile_ids, group_ids, offs)
    return _unsort_sc(prob_sorted, pos.reshape(NW, seg))

# --- scband reference (transcript-rebuilt; emitter-appended) ---
"""Pipeline reference for scband-integrand-distribution-39625368273227 (READ-ONLY COPY).

The authoritative reference and input builder live on the scoring server;
editing this copy changes nothing except your own understanding.
"""

import jax, jax.numpy as jnp
import numpy as np

E = 16      # num_channels
D = 1024    # d_model
F = 2048    # d_ff of per-channel integrand probability network
N = 8192    # tokens = batch(4) * seq_len(2048)


def setup_inputs(seed: int = 0) -> dict:
    key = jax.random.key(seed)
    ks = jax.random.split(key, 6)
    x = jax.random.normal(ks[0], (N, D), dtype=jnp.float32)
    channel = jax.random.randint(ks[1], (N,), 0, E)
    # learned parameters of the per-channel IntegrandProbability functions
    W1 = jax.random.normal(ks[2], (E, D, F), dtype=jnp.float32) * (1.0 / np.sqrt(D))
    b1 = jnp.zeros((E, F), dtype=jnp.float32)
    w2 = jax.random.normal(ks[3], (E, F), dtype=jnp.float32) * (1.0 / np.sqrt(F))
    b2 = jnp.zeros((E,), dtype=jnp.float32)
    return {"x": x, "channel": channel, "W1": W1, "b1": b1, "w2": w2, "b2": b2}


def reference(x, channel, W1, b1, w2, b2):
    E_ = W1.shape[0]
    # channel_remap_function (modulo remap into [0, E))
    ch = channel % E_
    # sort tokens by channel so each channel gets a contiguous slice
    channel_perm = jnp.argsort(ch)
    x_sorted = x[channel_perm]
    ch_sorted = ch[channel_perm]

    # MultiChannelFunction: evaluate each channel's IntegrandProbability on all
    # sorted tokens and keep each token's own channel's value (fixed-shape
    # masked equivalent of the per-channel contiguous-slice evaluation)
    def body(acc, params):
        e, W1e, b1e, w2e, b2e = params
        h = jnp.tanh(x_sorted @ W1e + b1e)
        logit = h @ w2e + b2e
        prob_e = jax.nn.softplus(logit)
        acc = jnp.where(ch_sorted == e, prob_e, acc)
        return acc, None

    init = jnp.zeros((x_sorted.shape[0],), dtype=x.dtype)
    prob_sorted, _ = jax.lax.scan(
        body, init, (jnp.arange(E_), W1, b1, w2, b2)
    )
    # undo the permutation: prob[channel_perm_inv]
    channel_perm_inv = jnp.argsort(channel_perm)
    return prob_sorted[channel_perm_inv]

if __name__ == "__main__":
    import jax
    _d = setup_inputs()
    print(jax.jit(kernel)(*tuple(_d.values())))

</pallas_src>

<mosaic_0001>
#map = affine_map<(d0, d1) -> (0, 0)>
#map1 = affine_map<(d0, d1) -> (0, 0, 0)>
module attributes {stable_mosaic.version = 14 : i64} {
  func.func @shuffle(%arg0: i32, %arg1: i32, %arg2: memref<8192x1024xf32, #tpu.memory_space<hbm>>, %arg3: memref<32x4x64xi32, #tpu.memory_space<hbm>>, %arg4: memref<8192x1024xf32, #tpu.memory_space<hbm>>, %arg5: memref<4x64xi32, #tpu.memory_space<vmem>>, %arg6: memref<64x1024xf32, #tpu.memory_space<vmem>>, %arg7: memref<!tpu.dma_semaphore, #tpu.memory_space<semaphore_mem>>) attributes {dimension_semantics = [#tpu.dimension_semantics<core_parallel>, #tpu.dimension_semantics<subcore_parallel>], iteration_bounds = array<i64: 2, 16>, scalar_prefetch = 0 : i64, scratch_operands = 3 : i64, tpu.core_type = #tpu.core_type<sc_vector_subcore>, window_params = [{transform_indices = #map}, {transform_indices = #map1}, {transform_indices = #map}]} {
    %mul3A = arith.constant 2 : i32
    %mul3A_0 = arith.muli %arg1, %mul3A : i32
    %add3A = arith.addi %mul3A_0, %arg0 : i32
    "tpu.region"() ({
      %run_scoped3A = tpu.sem_alloc : memref<!tpu.dma_semaphore, #tpu.memory_space<semaphore_mem>>
      %dma_start3A_71 = arith.constant 0 : i32
      %dma_start3A_72 = arith.constant 0 : i32
      %dma_start3A_73 = tpu.memref_slice %arg3[%add3A, %dma_start3A_71, %dma_start3A_72] : memref<32x4x64xi32, #tpu.memory_space<hbm>> -> memref<1x4x64xi32, #tpu.memory_space<hbm>>
      %dma_start3A_74 = tpu.memref_squeeze %dma_start3A_73 : memref<1x4x64xi32, #tpu.memory_space<hbm>> -> memref<4x64xi32, #tpu.memory_space<hbm>>
      %dma_start3A_75 = arith.constant 0 : i32
      %dma_start3A_76 = arith.constant 0 : i32
      %dma_start3A_77 = tpu.memref_slice %arg3[%add3A, %dma_start3A_75, %dma_start3A_76] : memref<32x4x64xi32, #tpu.memory_space<hbm>> -> memref<1x4x64xi32, #tpu.memory_space<hbm>>
      %dma_start3A_78 = tpu.memref_squeeze %dma_start3A_77 : memref<1x4x64xi32, #tpu.memory_space<hbm>> -> memref<4x64xi32, #tpu.memory_space<hbm>>
      tpu.enqueue_dma source(%dma_start3A_78 : memref<4x64xi32, #tpu.memory_space<hbm>>) target(%arg5 : memref<4x64xi32, #tpu.memory_space<vmem>>) target_semaphore(%run_scoped3A : memref<!tpu.dma_semaphore, #tpu.memory_space<semaphore_mem>>)
      %dma_wait3A_79 = arith.constant 0 : i32
      %dma_wait3A_80 = arith.constant 0 : i32
      %dma_wait3A_81 = tpu.memref_slice %arg3[%add3A, %dma_wait3A_79, %dma_wait3A_80] : memref<32x4x64xi32, #tpu.memory_space<hbm>> -> memref<1x4x64xi32, #tpu.memory_space<hbm>>
      %dma_wait3A_82 = tpu.memref_squeeze %dma_wait3A_81 : memref<1x4x64xi32, #tpu.memory_space<hbm>> -> memref<4x64xi32, #tpu.memory_space<hbm>>
      %dma_wait3A_83 = arith.constant 0 : i32
      %dma_wait3A_84 = arith.constant 0 : i32
      %dma_wait3A_85 = tpu.memref_slice %arg3[%add3A, %dma_wait3A_83, %dma_wait3A_84] : memref<32x4x64xi32, #tpu.memory_space<hbm>> -> memref<1x4x64xi32, #tpu.memory_space<hbm>>
      %dma_wait3A_86 = tpu.memref_squeeze %dma_wait3A_85 : memref<1x4x64xi32, #tpu.memory_space<hbm>> -> memref<4x64xi32, #tpu.memory_space<hbm>>
      tpu.wait_dma2 semaphore(%run_scoped3A : memref<!tpu.dma_semaphore, #tpu.memory_space<semaphore_mem>>) src(%dma_wait3A_86 : memref<4x64xi32, #tpu.memory_space<hbm>>) dst(%arg5 : memref<4x64xi32, #tpu.memory_space<vmem>>)
      tpu.yield
    }) : () -> ()
    %mul3A_1 = arith.constant 256 : i32
    %mul3A_2 = arith.muli %add3A, %mul3A_1 : i32
    %add3A_3 = arith.constant 0 : i32
    %add3A_4 = arith.addi %mul3A_2, %add3A_3 : i32
    "tpu.region"() ({
      %run_scoped3A = tpu.sem_alloc : memref<!tpu.dma_semaphore, #tpu.memory_space<semaphore_mem>>
      %dma_start3A_71 = arith.constant 0 : i32
      %dma_start3A_72 = tpu.memref_slice %arg2[%add3A_4, %dma_start3A_71] : memref<8192x1024xf32, #tpu.memory_space<hbm>> -> memref<64x1024xf32, #tpu.memory_space<hbm>>
      %dma_start3A_73 = arith.constant 0 : i32
      %dma_start3A_74 = tpu.memref_slice %arg2[%add3A_4, %dma_start3A_73] : memref<8192x1024xf32, #tpu.memory_space<hbm>> -> memref<64x1024xf32, #tpu.memory_space<hbm>>
      tpu.enqueue_dma source(%dma_start3A_74 : memref<64x1024xf32, #tpu.memory_space<hbm>>) target(%arg6 : memref<64x1024xf32, #tpu.memory_space<vmem>>) target_semaphore(%run_scoped3A : memref<!tpu.dma_semaphore, #tpu.memory_space<semaphore_mem>>)
      %dma_wait3A_75 = arith.constant 0 : i32
      %dma_wait3A_76 = tpu.memref_slice %arg2[%add3A_4, %dma_wait3A_75] : memref<8192x1024xf32, #tpu.memory_space<hbm>> -> memref<64x1024xf32, #tpu.memory_space<hbm>>
      %dma_wait3A_77 = arith.constant 0 : i32
      %dma_wait3A_78 = tpu.memref_slice %arg2[%add3A_4, %dma_wait3A_77] : memref<8192x1024xf32, #tpu.memory_space<hbm>> -> memref<64x1024xf32, #tpu.memory_space<hbm>>
      tpu.wait_dma2 semaphore(%run_scoped3A : memref<!tpu.dma_semaphore, #tpu.memory_space<semaphore_mem>>) src(%dma_wait3A_78 : memref<64x1024xf32, #tpu.memory_space<hbm>>) dst(%arg6 : memref<64x1024xf32, #tpu.memory_space<vmem>>)
      tpu.yield
    }) : () -> ()
    %dma_start3A = arith.constant 0 : i32
    %dma_start3A_5 = arith.constant 0 : i32
    %dma_start3A_6 = tpu.memref_slice %arg5[%dma_start3A, %dma_start3A_5] : memref<4x64xi32, #tpu.memory_space<vmem>> -> memref<1x64xi32, #tpu.memory_space<vmem>>
    %dma_start3A_7 = tpu.memref_squeeze %dma_start3A_6 : memref<1x64xi32, #tpu.memory_space<vmem>> -> memref<64xi32, #tpu.memory_space<vmem>>
    %dma_start3A_8 = arith.constant 0 : i32
    %dma_start3A_9 = arith.constant 0 : i32
    %dma_start3A_10 = tpu.memref_slice %arg4[%dma_start3A_8, %dma_start3A_9] : memref<8192x1024xf32, #tpu.memory_space<hbm>> -> memref<8192x1024xf32, #tpu.memory_space<hbm>>
    tpu.enqueue_indirect_dma source(%arg6 : memref<64x1024xf32, #tpu.memory_space<vmem>>) target(%dma_start3A_10 : memref<8192x1024xf32, #tpu.memory_space<hbm>>) offsets(%dma_start3A_7 : memref<64xi32, #tpu.memory_space<vmem>>) semaphore(%arg7 : memref<!tpu.dma_semaphore, #tpu.memory_space<semaphore_mem>>)
    %dma_wait3A = arith.constant 0 : i32
    %dma_wait3A_11 = arith.constant 0 : i32
    %dma_wait3A_12 = tpu.memref_slice %arg5[%dma_wait3A, %dma_wait3A_11] : memref<4x64xi32, #tpu.memory_space<vmem>> -> memref<1x64xi32, #tpu.memory_space<vmem>>
    %dma_wait3A_13 = tpu.memref_squeeze %dma_wait3A_12 : memref<1x64xi32, #tpu.memory_space<vmem>> -> memref<64xi32, #tpu.memory_space<vmem>>
    %dma_wait3A_14 = arith.constant 0 : i32
    %dma_wait3A_15 = arith.constant 0 : i32
    %dma_wait3A_16 = tpu.memref_slice %arg4[%dma_wait3A_14, %dma_wait3A_15] : memref<8192x1024xf32, #tpu.memory_space<hbm>> -> memref<8192x1024xf32, #tpu.memory_space<hbm>>
    tpu.wait_indirect_dma semaphore(%arg7 : memref<!tpu.dma_semaphore, #tpu.memory_space<semaphore_mem>>) src(%arg6 : memref<64x1024xf32, #tpu.memory_space<vmem>>) dst(%dma_wait3A_16 : memref<8192x1024xf32, #tpu.memory_space<hbm>>)
    %mul3A_17 = arith.constant 256 : i32
    %mul3A_18 = arith.muli %add3A, %mul3A_17 : i32
    %add3A_19 = arith.constant 64 : i32
    %add3A_20 = arith.addi %mul3A_18, %add3A_19 : i32
    "tpu.region"() ({
      %run_scoped3A = tpu.sem_alloc : memref<!tpu.dma_semaphore, #tpu.memory_space<semaphore_mem>>
      %dma_start3A_71 = arith.constant 0 : i32
      %dma_start3A_72 = tpu.memref_slice %arg2[%add3A_20, %dma_start3A_71] : memref<8192x1024xf32, #tpu.memory_space<hbm>> -> memref<64x1024xf32, #tpu.memory_space<hbm>>
      %dma_start3A_73 = arith.constant 0 : i32
      %dma_start3A_74 = tpu.memref_slice %arg2[%add3A_20, %dma_start3A_73] : memref<8192x1024xf32, #tpu.memory_space<hbm>> -> memref<64x1024xf32, #tpu.memory_space<hbm>>
      tpu.enqueue_dma source(%dma_start3A_74 : memref<64x1024xf32, #tpu.memory_space<hbm>>) target(%arg6 : memref<64x1024xf32, #tpu.memory_space<vmem>>) target_semaphore(%run_scoped3A : memref<!tpu.dma_semaphore, #tpu.memory_space<semaphore_mem>>)
      %dma_wait3A_75 = arith.constant 0 : i32
      %dma_wait3A_76 = tpu.memref_slice %arg2[%add3A_20, %dma_wait3A_75] : memref<8192x1024xf32, #tpu.memory_space<hbm>> -> memref<64x1024xf32, #tpu.memory_space<hbm>>
      %dma_wait3A_77 = arith.constant 0 : i32
      %dma_wait3A_78 = tpu.memref_slice %arg2[%add3A_20, %dma_wait3A_77] : memref<8192x1024xf32, #tpu.memory_space<hbm>> -> memref<64x1024xf32, #tpu.memory_space<hbm>>
      tpu.wait_dma2 semaphore(%run_scoped3A : memref<!tpu.dma_semaphore, #tpu.memory_space<semaphore_mem>>) src(%dma_wait3A_78 : memref<64x1024xf32, #tpu.memory_space<hbm>>) dst(%arg6 : memref<64x1024xf32, #tpu.memory_space<vmem>>)
      tpu.yield
    }) : () -> ()
    %dma_start3A_21 = arith.constant 1 : i32
    %dma_start3A_22 = arith.constant 0 : i32
    %dma_start3A_23 = tpu.memref_slice %arg5[%dma_start3A_21, %dma_start3A_22] : memref<4x64xi32, #tpu.memory_space<vmem>> -> memref<1x64xi32, #tpu.memory_space<vmem>>
    %dma_start3A_24 = tpu.memref_squeeze %dma_start3A_23 : memref<1x64xi32, #tpu.memory_space<vmem>> -> memref<64xi32, #tpu.memory_space<vmem>>
    %dma_start3A_25 = arith.constant 0 : i32
    %dma_start3A_26 = arith.constant 0 : i32
    %dma_start3A_27 = tpu.memref_slice %arg4[%dma_start3A_25, %dma_start3A_26] : memref<8192x1024xf32, #tpu.memory_space<hbm>> -> memref<8192x1024xf32, #tpu.memory_space<hbm>>
    tpu.enqueue_indirect_dma source(%arg6 : memref<64x1024xf32, #tpu.memory_space<vmem>>) target(%dma_start3A_27 : memref<8192x1024xf32, #tpu.memory_space<hbm>>) offsets(%dma_start3A_24 : memref<64xi32, #tpu.memory_space<vmem>>) semaphore(%arg7 : memref<!tpu.dma_semaphore, #tpu.memory_space<semaphore_mem>>)
    %dma_wait3A_28 = arith.constant 1 : i32
    %dma_wait3A_29 = arith.constant 0 : i32
    %dma_wait3A_30 = tpu.memref_slice %arg5[%dma_wait3A_28, %dma_wait3A_29] : memref<4x64xi32, #tpu.memory_space<vmem>> -> memref<1x64xi32, #tpu.memory_space<vmem>>
    %dma_wait3A_31 = tpu.memref_squeeze %dma_wait3A_30 : memref<1x64xi32, #tpu.memory_space<vmem>> -> memref<64xi32, #tpu.memory_space<vmem>>
    %dma_wait3A_32 = arith.constant 0 : i32
    %dma_wait3A_33 = arith.constant 0 : i32
    %dma_wait3A_34 = tpu.memref_slice %arg4[%dma_wait3A_32, %dma_wait3A_33] : memref<8192x1024xf32, #tpu.memory_space<hbm>> -> memref<8192x1024xf32, #tpu.memory_space<hbm>>
    tpu.wait_indirect_dma semaphore(%arg7 : memref<!tpu.dma_semaphore, #tpu.memory_space<semaphore_mem>>) src(%arg6 : memref<64x1024xf32, #tpu.memory_space<vmem>>) dst(%dma_wait3A_34 : memref<8192x1024xf32, #tpu.memory_space<hbm>>)
    %mul3A_35 = arith.constant 256 : i32
    %mul3A_36 = arith.muli %add3A, %mul3A_35 : i32
    %add3A_37 = arith.constant 128 : i32
    %add3A_38 = arith.addi %mul3A_36, %add3A_37 : i32
    "tpu.region"() ({
      %run_scoped3A = tpu.sem_alloc : memref<!tpu.dma_semaphore, #tpu.memory_space<semaphore_mem>>
      %dma_start3A_71 = arith.constant 0 : i32
      %dma_start3A_72 = tpu.memref_slice %arg2[%add3A_38, %dma_start3A_71] : memref<8192x1024xf32, #tpu.memory_space<hbm>> -> memref<64x1024xf32, #tpu.memory_space<hbm>>
      %dma_start3A_73 = arith.constant 0 : i32
      %dma_start3A_74 = tpu.memref_slice %arg2[%add3A_38, %dma_start3A_73] : memref<8192x1024xf32, #tpu.memory_space<hbm>> -> memref<64x1024xf32, #tpu.memory_space<hbm>>
      tpu.enqueue_dma source(%dma_start3A_74 : memref<64x1024xf32, #tpu.memory_space<hbm>>) target(%arg6 : memref<64x1024xf32, #tpu.memory_space<vmem>>) target_semaphore(%run_scoped3A : memref<!tpu.dma_semaphore, #tpu.memory_space<semaphore_mem>>)
      %dma_wait3A_75 = arith.constant 0 : i32
      %dma_wait3A_76 = tpu.memref_slice %arg2[%add3A_38, %dma_wait3A_75] : memref<8192x1024xf32, #tpu.memory_space<hbm>> -> memref<64x1024xf32, #tpu.memory_space<hbm>>
      %dma_wait3A_77 = arith.constant 0 : i32
      %dma_wait3A_78 = tpu.memref_slice %arg2[%add3A_38, %dma_wait3A_77] : memref<8192x1024xf32, #tpu.memory_space<hbm>> -> memref<64x1024xf32, #tpu.memory_space<hbm>>
      tpu.wait_dma2 semaphore(%run_scoped3A : memref<!tpu.dma_semaphore, #tpu.memory_space<semaphore_mem>>) src(%dma_wait3A_78 : memref<64x1024xf32, #tpu.memory_space<hbm>>) dst(%arg6 : memref<64x1024xf32, #tpu.memory_space<vmem>>)
      tpu.yield
    }) : () -> ()
    %dma_start3A_39 = arith.constant 2 : i32
    %dma_start3A_40 = arith.constant 0 : i32
    %dma_start3A_41 = tpu.memref_slice %arg5[%dma_start3A_39, %dma_start3A_40] : memref<4x64xi32, #tpu.memory_space<vmem>> -> memref<1x64xi32, #tpu.memory_space<vmem>>
    %dma_start3A_42 = tpu.memref_squeeze %dma_start3A_41 : memref<1x64xi32, #tpu.memory_space<vmem>> -> memref<64xi32, #tpu.memory_space<vmem>>
    %dma_start3A_43 = arith.constant 0 : i32
    %dma_start3A_44 = arith.constant 0 : i32
    %dma_start3A_45 = tpu.memref_slice %arg4[%dma_start3A_43, %dma_start3A_44] : memref<8192x1024xf32, #tpu.memory_space<hbm>> -> memref<8192x1024xf32, #tpu.memory_space<hbm>>
    tpu.enqueue_indirect_dma source(%arg6 : memref<64x1024xf32, #tpu.memory_space<vmem>>) target(%dma_start3A_45 : memref<8192x1024xf32, #tpu.memory_space<hbm>>) offsets(%dma_start3A_42 : memref<64xi32, #tpu.memory_space<vmem>>) semaphore(%arg7 : memref<!tpu.dma_semaphore, #tpu.memory_space<semaphore_mem>>)
    %dma_wait3A_46 = arith.constant 2 : i32
    %dma_wait3A_47 = arith.constant 0 : i32
    %dma_wait3A_48 = tpu.memref_slice %arg5[%dma_wait3A_46, %dma_wait3A_47] : memref<4x64xi32, #tpu.memory_space<vmem>> -> memref<1x64xi32, #tpu.memory_space<vmem>>
    %dma_wait3A_49 = tpu.memref_squeeze %dma_wait3A_48 : memref<1x64xi32, #tpu.memory_space<vmem>> -> memref<64xi32, #tpu.memory_space<vmem>>
    %dma_wait3A_50 = arith.constant 0 : i32
    %dma_wait3A_51 = arith.constant 0 : i32
    %dma_wait3A_52 = tpu.memref_slice %arg4[%dma_wait3A_50, %dma_wait3A_51] : memref<8192x1024xf32, #tpu.memory_space<hbm>> -> memref<8192x1024xf32, #tpu.memory_space<hbm>>
    tpu.wait_indirect_dma semaphore(%arg7 : memref<!tpu.dma_semaphore, #tpu.memory_space<semaphore_mem>>) src(%arg6 : memref<64x1024xf32, #tpu.memory_space<vmem>>) dst(%dma_wait3A_52 : memref<8192x1024xf32, #tpu.memory_space<hbm>>)
    %mul3A_53 = arith.constant 256 : i32
    %mul3A_54 = arith.muli %add3A, %mul3A_53 : i32
    %add3A_55 = arith.constant 192 : i32
    %add3A_56 = arith.addi %mul3A_54, %add3A_55 : i32
    "tpu.region"() ({
      %run_scoped3A = tpu.sem_alloc : memref<!tpu.dma_semaphore, #tpu.memory_space<semaphore_mem>>
      %dma_start3A_71 = arith.constant 0 : i32
      %dma_start3A_72 = tpu.memref_slice %arg2[%add3A_56, %dma_start3A_71] : memref<8192x1024xf32, #tpu.memory_space<hbm>> -> memref<64x1024xf32, #tpu.memory_space<hbm>>
      %dma_start3A_73 = arith.constant 0 : i32
      %dma_start3A_74 = tpu.memref_slice %arg2[%add3A_56, %dma_start3A_73] : memref<8192x1024xf32, #tpu.memory_space<hbm>> -> memref<64x1024xf32, #tpu.memory_space<hbm>>
      tpu.enqueue_dma source(%dma_start3A_74 : memref<64x1024xf32, #tpu.memory_space<hbm>>) target(%arg6 : memref<64x1024xf32, #tpu.memory_space<vmem>>) target_semaphore(%run_scoped3A : memref<!tpu.dma_semaphore, #tpu.memory_space<semaphore_mem>>)
      %dma_wait3A_75 = arith.constant 0 : i32
      %dma_wait3A_76 = tpu.memref_slice %arg2[%add3A_56, %dma_wait3A_75] : memref<8192x1024xf32, #tpu.memory_space<hbm>> -> memref<64x1024xf32, #tpu.memory_space<hbm>>
      %dma_wait3A_77 = arith.constant 0 : i32
      %dma_wait3A_78 = tpu.memref_slice %arg2[%add3A_56, %dma_wait3A_77] : memref<8192x1024xf32, #tpu.memory_space<hbm>> -> memref<64x1024xf32, #tpu.memory_space<hbm>>
      tpu.wait_dma2 semaphore(%run_scoped3A : memref<!tpu.dma_semaphore, #tpu.memory_space<semaphore_mem>>) src(%dma_wait3A_78 : memref<64x1024xf32, #tpu.memory_space<hbm>>) dst(%arg6 : memref<64x1024xf32, #tpu.memory_space<vmem>>)
      tpu.yield
    }) : () -> ()
    %dma_start3A_57 = arith.constant 3 : i32
    %dma_start3A_58 = arith.constant 0 : i32
    %dma_start3A_59 = tpu.memref_slice %arg5[%dma_start3A_57, %dma_start3A_58] : memref<4x64xi32, #tpu.memory_space<vmem>> -> memref<1x64xi32, #tpu.memory_space<vmem>>
    %dma_start3A_60 = tpu.memref_squeeze %dma_start3A_59 : memref<1x64xi32, #tpu.memory_space<vmem>> -> memref<64xi32, #tpu.memory_space<vmem>>
    %dma_start3A_61 = arith.constant 0 : i32
    %dma_start3A_62 = arith.constant 0 : i32
    %dma_start3A_63 = tpu.memref_slice %arg4[%dma_start3A_61, %dma_start3A_62] : memref<8192x1024xf32, #tpu.memory_space<hbm>> -> memref<8192x1024xf32, #tpu.memory_space<hbm>>
    tpu.enqueue_indirect_dma source(%arg6 : memref<64x1024xf32, #tpu.memory_space<vmem>>) target(%dma_start3A_63 : memref<8192x1024xf32, #tpu.memory_space<hbm>>) offsets(%dma_start3A_60 : memref<64xi32, #tpu.memory_space<vmem>>) semaphore(%arg7 : memref<!tpu.dma_semaphore, #tpu.memory_space<semaphore_mem>>)
    %dma_wait3A_64 = arith.constant 3 : i32
    %dma_wait3A_65 = arith.constant 0 : i32
    %dma_wait3A_66 = tpu.memref_slice %arg5[%dma_wait3A_64, %dma_wait3A_65] : memref<4x64xi32, #tpu.memory_space<vmem>> -> memref<1x64xi32, #tpu.memory_space<vmem>>
    %dma_wait3A_67 = tpu.memref_squeeze %dma_wait3A_66 : memref<1x64xi32, #tpu.memory_space<vmem>> -> memref<64xi32, #tpu.memory_space<vmem>>
    %dma_wait3A_68 = arith.constant 0 : i32
    %dma_wait3A_69 = arith.constant 0 : i32
    %dma_wait3A_70 = tpu.memref_slice %arg4[%dma_wait3A_68, %dma_wait3A_69] : memref<8192x1024xf32, #tpu.memory_space<hbm>> -> memref<8192x1024xf32, #tpu.memory_space<hbm>>
    tpu.wait_indirect_dma semaphore(%arg7 : memref<!tpu.dma_semaphore, #tpu.memory_space<semaphore_mem>>) src(%arg6 : memref<64x1024xf32, #tpu.memory_space<vmem>>) dst(%dma_wait3A_70 : memref<8192x1024xf32, #tpu.memory_space<hbm>>)
    return
  }
}

#map = affine_map<(d0, d1) -> (0)>
#map1 = affine_map<(d0, d1) -> (0, 0)>
module attributes {stable_mosaic.version = 14 : i64} {
  func.func @unsort(%arg0: i32, %arg1: i32, %arg2: memref<8192xf32, #tpu.memory_space<hbm>>, %arg3: memref<32x256xi32, #tpu.memory_space<hbm>>, %arg4: memref<32x256xf32, #tpu.memory_space<hbm>>, %arg5: memref<256xi32, #tpu.memory_space<vmem>>, %arg6: memref<256xf32, #tpu.memory_space<vmem>>, %arg7: memref<!tpu.dma_semaphore, #tpu.memory_space<semaphore_mem>>) attributes {dimension_semantics = [#tpu.dimension_semantics<core_parallel>, #tpu.dimension_semantics<subcore_parallel>], iteration_bounds = array<i64: 2, 16>, scalar_prefetch = 0 : i64, scratch_operands = 3 : i64, tpu.core_type = #tpu.core_type<sc_vector_subcore>, window_params = [{transform_indices = #map}, {transform_indices = #map1}, {transform_indices = #map1}]} {
    %mul3A = arith.constant 2 : i32
    %mul3A_0 = arith.muli %arg1, %mul3A : i32
    %add3A = arith.addi %mul3A_0, %arg0 : i32
    "tpu.region"() ({
      %run_scoped3A = tpu.sem_alloc : memref<!tpu.dma_semaphore, #tpu.memory_space<semaphore_mem>>
      %dma_start3A_3 = arith.constant 0 : i32
      %dma_start3A_4 = tpu.memref_slice %arg3[%add3A, %dma_start3A_3] : memref<32x256xi32, #tpu.memory_space<hbm>> -> memref<1x256xi32, #tpu.memory_space<hbm>>
      %dma_start3A_5 = tpu.memref_squeeze %dma_start3A_4 : memref<1x256xi32, #tpu.memory_space<hbm>> -> memref<256xi32, #tpu.memory_space<hbm>>
      %dma_start3A_6 = arith.constant 0 : i32
      %dma_start3A_7 = tpu.memref_slice %arg3[%add3A, %dma_start3A_6] : memref<32x256xi32, #tpu.memory_space<hbm>> -> memref<1x256xi32, #tpu.memory_space<hbm>>
      %dma_start3A_8 = tpu.memref_squeeze %dma_start3A_7 : memref<1x256xi32, #tpu.memory_space<hbm>> -> memref<256xi32, #tpu.memory_space<hbm>>
      tpu.enqueue_dma source(%dma_start3A_8 : memref<256xi32, #tpu.memory_space<hbm>>) target(%arg5 : memref<256xi32, #tpu.memory_space<vmem>>) target_semaphore(%run_scoped3A : memref<!tpu.dma_semaphore, #tpu.memory_space<semaphore_mem>>)
      %dma_wait3A_9 = arith.constant 0 : i32
      %dma_wait3A_10 = tpu.memref_slice %arg3[%add3A, %dma_wait3A_9] : memref<32x256xi32, #tpu.memory_space<hbm>> -> memref<1x256xi32, #tpu.memory_space<hbm>>
      %dma_wait3A_11 = tpu.memref_squeeze %dma_wait3A_10 : memref<1x256xi32, #tpu.memory_space<hbm>> -> memref<256xi32, #tpu.memory_space<hbm>>
      %dma_wait3A_12 = arith.constant 0 : i32
      %dma_wait3A_13 = tpu.memref_slice %arg3[%add3A, %dma_wait3A_12] : memref<32x256xi32, #tpu.memory_space<hbm>> -> memref<1x256xi32, #tpu.memory_space<hbm>>
      %dma_wait3A_14 = tpu.memref_squeeze %dma_wait3A_13 : memref<1x256xi32, #tpu.memory_space<hbm>> -> memref<256xi32, #tpu.memory_space<hbm>>
      tpu.wait_dma2 semaphore(%run_scoped3A : memref<!tpu.dma_semaphore, #tpu.memory_space<semaphore_mem>>) src(%dma_wait3A_14 : memref<256xi32, #tpu.memory_space<hbm>>) dst(%arg5 : memref<256xi32, #tpu.memory_space<vmem>>)
      tpu.yield
    }) : () -> ()
    %dma_start3A = arith.constant 0 : i32
    %dma_start3A_1 = tpu.memref_slice %arg2[%dma_start3A] : memref<8192xf32, #tpu.memory_space<hbm>> -> memref<8192xf32, #tpu.memory_space<hbm>>
    tpu.enqueue_indirect_dma source(%dma_start3A_1 : memref<8192xf32, #tpu.memory_space<hbm>>) target(%arg6 : memref<256xf32, #tpu.memory_space<vmem>>) offsets(%arg5 : memref<256xi32, #tpu.memory_space<vmem>>) semaphore(%arg7 : memref<!tpu.dma_semaphore, #tpu.memory_space<semaphore_mem>>)
    %dma_wait3A = arith.constant 0 : i32
    %dma_wait3A_2 = tpu.memref_slice %arg2[%dma_wait3A] : memref<8192xf32, #tpu.memory_space<hbm>> -> memref<8192xf32, #tpu.memory_space<hbm>>
    tpu.wait_indirect_dma semaphore(%arg7 : memref<!tpu.dma_semaphore, #tpu.memory_space<semaphore_mem>>) src(%dma_wait3A_2 : memref<8192xf32, #tpu.memory_space<hbm>>) dst(%arg6 : memref<256xf32, #tpu.memory_space<vmem>>)
    "tpu.region"() ({
      %run_scoped3A = tpu.sem_alloc : memref<!tpu.dma_semaphore, #tpu.memory_space<semaphore_mem>>
      %dma_start3A_3 = arith.constant 0 : i32
      %dma_start3A_4 = tpu.memref_slice %arg4[%add3A, %dma_start3A_3] : memref<32x256xf32, #tpu.memory_space<hbm>> -> memref<1x256xf32, #tpu.memory_space<hbm>>
      %dma_start3A_5 = tpu.memref_squeeze %dma_start3A_4 : memref<1x256xf32, #tpu.memory_space<hbm>> -> memref<256xf32, #tpu.memory_space<hbm>>
      %dma_start3A_6 = arith.constant 0 : i32
      %dma_start3A_7 = tpu.memref_slice %arg4[%add3A, %dma_start3A_6] : memref<32x256xf32, #tpu.memory_space<hbm>> -> memref<1x256xf32, #tpu.memory_space<hbm>>
      %dma_start3A_8 = tpu.memref_squeeze %dma_start3A_7 : memref<1x256xf32, #tpu.memory_space<hbm>> -> memref<256xf32, #tpu.memory_space<hbm>>
      tpu.enqueue_dma source(%arg6 : memref<256xf32, #tpu.memory_space<vmem>>) target(%dma_start3A_8 : memref<256xf32, #tpu.memory_space<hbm>>) target_semaphore(%run_scoped3A : memref<!tpu.dma_semaphore, #tpu.memory_space<semaphore_mem>>)
      %dma_wait3A_9 = arith.constant 0 : i32
      %dma_wait3A_10 = tpu.memref_slice %arg4[%add3A, %dma_wait3A_9] : memref<32x256xf32, #tpu.memory_space<hbm>> -> memref<1x256xf32, #tpu.memory_space<hbm>>
      %dma_wait3A_11 = tpu.memref_squeeze %dma_wait3A_10 : memref<1x256xf32, #tpu.memory_space<hbm>> -> memref<256xf32, #tpu.memory_space<hbm>>
      %dma_wait3A_12 = arith.constant 0 : i32
      %dma_wait3A_13 = tpu.memref_slice %arg4[%add3A, %dma_wait3A_12] : memref<32x256xf32, #tpu.memory_space<hbm>> -> memref<1x256xf32, #tpu.memory_space<hbm>>
      %dma_wait3A_14 = tpu.memref_squeeze %dma_wait3A_13 : memref<1x256xf32, #tpu.memory_space<hbm>> -> memref<256xf32, #tpu.memory_space<hbm>>
      tpu.wait_dma2 semaphore(%run_scoped3A : memref<!tpu.dma_semaphore, #tpu.memory_space<semaphore_mem>>) src(%arg6 : memref<256xf32, #tpu.memory_space<vmem>>) dst(%dma_wait3A_14 : memref<256xf32, #tpu.memory_space<hbm>>)
      tpu.yield
    }) : () -> ()
    return
  }
}

module attributes {stable_mosaic.version = 14 : i64} {
  func.func @_pos_body(%arg0: memref<64x128xi32, #tpu.memory_space<vmem>>, %arg1: memref<64x128xi32, #tpu.memory_space<vmem>>, %arg2: memref<1x16xi32, #tpu.memory_space<vmem>>) attributes {dimension_semantics = [], scalar_prefetch = 0 : i64, scratch_operands = 0 : i64, tpu.core_type = #tpu.core_type<tc>} {
    %get3A = arith.constant 0 : index
    %get3A_0 = arith.constant 0 : index
    %get3A_1 = vector.load %arg0[%get3A, %get3A_0] : memref<64x128xi32, #tpu.memory_space<vmem>>, vector<64x128xi32>
    %jit3A = arith.constant 16 : i32
    %eq3A = arith.constant 0 : i32
    %eq3A_2 = arith.cmpi eq, %jit3A, %eq3A : i32
    %jit3A_3 = arith.constant 1 : i32
    %select_n3A = arith.select %eq3A_2, %jit3A_3, %jit3A : i32
    %rem3A = vector.broadcast %select_n3A : i32 to vector<64x128xi32>
    %rem3A_4 = arith.remsi %get3A_1, %rem3A : vector<64x128xi32>
    %ne3A = arith.constant 0 : i32
    %ne3A_5 = vector.broadcast %ne3A : i32 to vector<64x128xi32>
    %ne3A_6 = arith.cmpi ne, %rem3A_4, %ne3A_5 : vector<64x128xi32>
    %lt3A = arith.constant 0 : i32
    %lt3A_7 = vector.broadcast %lt3A : i32 to vector<64x128xi32>
    %lt3A_8 = arith.cmpi slt, %rem3A_4, %lt3A_7 : vector<64x128xi32>
    %lt3A_9 = arith.constant 0 : i32
    %lt3A_10 = arith.cmpi slt, %select_n3A, %lt3A_9 : i32
    %ne3A_11 = vector.broadcast %lt3A_10 : i1 to vector<64x128xi1>
    %ne3A_12 = vector.broadcast %ne3A_11 : vector<64x128xi1> to vector<64x128xi1>
    %ne3A_13 = arith.xori %lt3A_8, %ne3A_12 : vector<64x128xi1>
    %and3A = arith.andi %ne3A_13, %ne3A_6 : vector<64x128xi1>
    %add3A = vector.broadcast %select_n3A : i32 to vector<64x128xi32>
    %add3A_14 = arith.addi %rem3A_4, %add3A : vector<64x128xi32>
    %select_n3A_15 = arith.select %and3A, %add3A_14, %rem3A_4 : vector<64x128xi1>, vector<64x128xi32>
    %iota3A = tpu.iota {dimensions = array<i32: 0>} : vector<128x128xi32>
    %iota3A_16 = tpu.iota {dimensions = array<i32: 1>} : vector<128x128xi32>
    %lt3A_17 = arith.cmpi slt, %iota3A, %iota3A_16 : vector<128x128xi32>
    %convert_element_type3A = arith.extui %lt3A_17 : vector<128x128xi1> to vector<128x128xi32>
    %convert_element_type3A_18 = arith.sitofp %convert_element_type3A : vector<128x128xi32> to vector<128x128xf32>
    %iota3A_19 = tpu.iota {dimensions = array<i32: 1>} : vector<64x64xi32>
    %iota3A_20 = tpu.iota {dimensions = array<i32: 0>} : vector<64x64xi32>
    %lt3A_21 = arith.cmpi slt, %iota3A_19, %iota3A_20 : vector<64x64xi32>
    %convert_element_type3A_22 = arith.extui %lt3A_21 : vector<64x64xi1> to vector<64x64xi32>
    %convert_element_type3A_23 = arith.sitofp %convert_element_type3A_22 : vector<64x64xi32> to vector<64x64xf32>
    %iota3A_24 = tpu.iota {dimensions = array<i32: 1>} : vector<1x16xi32>
    %broadcast_in_dim3A = arith.constant 0.000000e+00 : f32
    %broadcast_in_dim3A_25 = vector.broadcast %broadcast_in_dim3A : f32 to vector<64x128xf32>
    %broadcast_in_dim3A_26 = arith.constant 0 : i32
    %broadcast_in_dim3A_27 = vector.broadcast %broadcast_in_dim3A_26 : i32 to vector<1x16xi32>
    %eq3A_28 = arith.constant 0 : i32
    %eq3A_29 = vector.broadcast %eq3A_28 : i32 to vector<64x128xi32>
    %eq3A_30 = arith.cmpi eq, %select_n3A_15, %eq3A_29 : vector<64x128xi32>
    %convert_element_type3A_31 = arith.extui %eq3A_30 : vector<64x128xi1> to vector<64x128xi32>
    %convert_element_type3A_32 = arith.sitofp %convert_element_type3A_31 : vector<64x128xi32> to vector<64x128xf32>
    %dot_general3A = arith.constant dense<0.000000e+00> : vector<64x128xf32>
    %dot_general3A_33 = tpu.matmul %convert_element_type3A_32, %convert_element_type3A_18, %dot_general3A {dimension_numbers = #tpu.dot_dimension_numbers<[1], [0], [0], [1], [0, 0, 1, 1], [], []>, transpose_lhs_hint = false} : vector<64x128xf32>, vector<128x128xf32>, vector<64x128xf32> -> vector<64x128xf32>
    %reduce_sum3A = arith.constant dense<0.000000e+00> : vector<64xf32>
    %reduce_sum3A_34 = vector.multi_reduction <add>, %convert_element_type3A_32, %reduce_sum3A [1] : vector<64x128xf32> to vector<64xf32>
    %broadcast_in_dim3A_35 = vector.shape_cast %reduce_sum3A_34 : vector<64xf32> to vector<64x1xf32>
    %dot_general3A_36 = arith.constant dense<0.000000e+00> : vector<64x1xf32>
    %dot_general3A_37 = tpu.matmul %convert_element_type3A_23, %broadcast_in_dim3A_35, %dot_general3A_36 {dimension_numbers = #tpu.dot_dimension_numbers<[1], [0], [0], [1], [0, 0, 1, 1], [], []>, transpose_lhs_hint = false} : vector<64x64xf32>, vector<64x1xf32>, vector<64x1xf32> -> vector<64x1xf32>
    %reduce_sum3A_38 = vector.shape_cast %broadcast_in_dim3A_35 : vector<64x1xf32> to vector<1x64x1xf32>
    %reduce_sum3A_39 = arith.constant dense<0.000000e+00> : vector<1xf32>
    %reduce_sum3A_40 = vector.multi_reduction <add>, %reduce_sum3A_38, %reduce_sum3A_39 [1, 2] : vector<1x64x1xf32> to vector<1xf32>
    %reduce_sum3A_41 = vector.shape_cast %reduce_sum3A_40 : vector<1xf32> to vector<1x1x1xf32>
    %reduce_sum3A_42 = vector.extract %reduce_sum3A_41[0, 0, 0] : f32 from vector<1x1x1xf32>
    %add3A_43 = arith.constant 0.000000e+00 : f32
    %add3A_44 = vector.broadcast %add3A_43 : f32 to vector<64x1xf32>
    %add3A_45 = arith.addf %add3A_44, %dot_general3A_37 : vector<64x1xf32>
    %add3A_46 = vector.broadcast %add3A_45 : vector<64x1xf32> to vector<64x128xf32>
    %add3A_47 = arith.addf %add3A_46, %dot_general3A_33 : vector<64x128xf32>
    %mul3A = arith.mulf %convert_element_type3A_32, %add3A_47 : vector<64x128xf32>
    %add3A_48 = arith.addf %broadcast_in_dim3A_25, %mul3A : vector<64x128xf32>
    %eq3A_49 = arith.constant 0 : i32
    %eq3A_50 = vector.broadcast %eq3A_49 : i32 to vector<1x16xi32>
    %eq3A_51 = arith.cmpi eq, %iota3A_24, %eq3A_50 : vector<1x16xi32>
    %convert_element_type3A_52 = arith.fptosi %reduce_sum3A_42 : f32 to i32
    %broadcast_in_dim3A_53 = vector.broadcast %convert_element_type3A_52 : i32 to vector<1x16xi32>
    %select_n3A_54 = arith.select %eq3A_51, %broadcast_in_dim3A_53, %broadcast_in_dim3A_27 : vector<1x16xi1>, vector<1x16xi32>
    %add3A_55 = arith.constant 0.000000e+00 : f32
    %add3A_56 = arith.addf %add3A_55, %reduce_sum3A_42 : f32
    %eq3A_57 = arith.constant 1 : i32
    %eq3A_58 = vector.broadcast %eq3A_57 : i32 to vector<64x128xi32>
    %eq3A_59 = arith.cmpi eq, %select_n3A_15, %eq3A_58 : vector<64x128xi32>
    %convert_element_type3A_60 = arith.extui %eq3A_59 : vector<64x128xi1> to vector<64x128xi32>
    %convert_element_type3A_61 = arith.sitofp %convert_element_type3A_60 : vector<64x128xi32> to vector<64x128xf32>
    %dot_general3A_62 = arith.constant dense<0.000000e+00> : vector<64x128xf32>
    %dot_general3A_63 = tpu.matmul %convert_element_type3A_61, %convert_element_type3A_18, %dot_general3A_62 {dimension_numbers = #tpu.dot_dimension_numbers<[1], [0], [0], [1], [0, 0, 1, 1], [], []>, transpose_lhs_hint = false} : vector<64x128xf32>, vector<128x128xf32>, vector<64x128xf32> -> vector<64x128xf32>
    %reduce_sum3A_64 = arith.constant dense<0.000000e+00> : vector<64xf32>
    %reduce_sum3A_65 = vector.multi_reduction <add>, %convert_element_type3A_61, %reduce_sum3A_64 [1] : vector<64x128xf32> to vector<64xf32>
    %broadcast_in_dim3A_66 = vector.shape_cast %reduce_sum3A_65 : vector<64xf32> to vector<64x1xf32>
    %dot_general3A_67 = arith.constant dense<0.000000e+00> : vector<64x1xf32>
    %dot_general3A_68 = tpu.matmul %convert_element_type3A_23, %broadcast_in_dim3A_66, %dot_general3A_67 {dimension_numbers = #tpu.dot_dimension_numbers<[1], [0], [0], [1], [0, 0, 1, 1], [], []>, transpose_lhs_hint = false} : vector<64x64xf32>, vector<64x1xf32>, vector<64x1xf32> -> vector<64x1xf32>
    %reduce_sum3A_69 = vector.shape_cast %broadcast_in_dim3A_66 : vector<64x1xf32> to vector<1x64x1xf32>
    %reduce_sum3A_70 = arith.constant dense<0.000000e+00> : vector<1xf32>
    %reduce_sum3A_71 = vector.multi_reduction <add>, %reduce_sum3A_69, %reduce_sum3A_70 [1, 2] : vector<1x64x1xf32> to vector<1xf32>
    %reduce_sum3A_72 = vector.shape_cast %reduce_sum3A_71 : vector<1xf32> to vector<1x1x1xf32>
    %reduce_sum3A_73 = vector.extract %reduce_sum3A_72[0, 0, 0] : f32 from vector<1x1x1xf32>
    %add3A_74 = vector.broadcast %add3A_56 : f32 to vector<64x1xf32>
    %add3A_75 = arith.addf %add3A_74, %dot_general3A_68 : vector<64x1xf32>
    %add3A_76 = vector.broadcast %add3A_75 : vector<64x1xf32> to vector<64x128xf32>
    %add3A_77 = arith.addf %add3A_76, %dot_general3A_63 : vector<64x128xf32>
    %mul3A_78 = arith.mulf %convert_element_type3A_61, %add3A_77 : vector<64x128xf32>
    %add3A_79 = arith.addf %add3A_48, %mul3A_78 : vector<64x128xf32>
    %eq3A_80 = arith.constant 1 : i32
    %eq3A_81 = vector.broadcast %eq3A_80 : i32 to vector<1x16xi32>
    %eq3A_82 = arith.cmpi eq, %iota3A_24, %eq3A_81 : vector<1x16xi32>
    %convert_element_type3A_83 = arith.fptosi %reduce_sum3A_73 : f32 to i32
    %broadcast_in_dim3A_84 = vector.broadcast %convert_element_type3A_83 : i32 to vector<1x16xi32>
    %select_n3A_85 = arith.select %eq3A_82, %broadcast_in_dim3A_84, %select_n3A_54 : vector<1x16xi1>, vector<1x16xi32>
    %add3A_86 = arith.addf %add3A_56, %reduce_sum3A_73 : f32
    %eq3A_87 = arith.constant 2 : i32
    %eq3A_88 = vector.broadcast %eq3A_87 : i32 to vector<64x128xi32>
    %eq3A_89 = arith.cmpi eq, %select_n3A_15, %eq3A_88 : vector<64x128xi32>
    %convert_element_type3A_90 = arith.extui %eq3A_89 : vector<64x128xi1> to vector<64x128xi32>
    %convert_element_type3A_91 = arith.sitofp %convert_element_type3A_90 : vector<64x128xi32> to vector<64x128xf32>
    %dot_general3A_92 = arith.constant dense<0.000000e+00> : vector<64x128xf32>
    %dot_general3A_93 = tpu.matmul %convert_element_type3A_91, %convert_element_type3A_18, %dot_general3A_92 {dimension_numbers = #tpu.dot_dimension_numbers<[1], [0], [0], [1], [0, 0, 1, 1], [], []>, transpose_lhs_hint = false} : vector<64x128xf32>, vector<128x128xf32>, vector<64x128xf32> -> vector<64x128xf32>
    %reduce_sum3A_94 = arith.constant dense<0.000000e+00> : vector<64xf32>
    %reduce_sum3A_95 = vector.multi_reduction <add>, %convert_element_type3A_91, %reduce_sum3A_94 [1] : vector<64x128xf32> to vector<64xf32>
    %broadcast_in_dim3A_96 = vector.shape_cast %reduce_sum3A_95 : vector<64xf32> to vector<64x1xf32>
    %dot_general3A_97 = arith.constant dense<0.000000e+00> : vector<64x1xf32>
    %dot_general3A_98 = tpu.matmul %convert_element_type3A_23, %broadcast_in_dim3A_96, %dot_general3A_97 {dimension_numbers = #tpu.dot_dimension_numbers<[1], [0], [0], [1], [0, 0, 1, 1], [], []>, transpose_lhs_hint = false} : vector<64x64xf32>, vector<64x1xf32>, vector<64x1xf32> -> vector<64x1xf32>
    %reduce_sum3A_99 = vector.shape_cast %broadcast_in_dim3A_96 : vector<64x1xf32> to vector<1x64x1xf32>
    %reduce_sum3A_100 = arith.constant dense<0.000000e+00> : vector<1xf32>
    %reduce_sum3A_101 = vector.multi_reduction <add>, %reduce_sum3A_99, %reduce_sum3A_100 [1, 2] : vector<1x64x1xf32> to vector<1xf32>
    %reduce_sum3A_102 = vector.shape_cast %reduce_sum3A_101 : vector<1xf32> to vector<1x1x1xf32>
    %reduce_sum3A_103 = vector.extract %reduce_sum3A_102[0, 0, 0] : f32 from vector<1x1x1xf32>
    %add3A_104 = vector.broadcast %add3A_86 : f32 to vector<64x1xf32>
    %add3A_105 = arith.addf %add3A_104, %dot_general3A_98 : vector<64x1xf32>
    %add3A_106 = vector.broadcast %add3A_105 : vector<64x1xf32> to vector<64x128xf32>
    %add3A_107 = arith.addf %add3A_106, %dot_general3A_93 : vector<64x128xf32>
    %mul3A_108 = arith.mulf %convert_element_type3A_91, %add3A_107 : vector<64x128xf32>
    %add3A_109 = arith.addf %add3A_79, %mul3A_108 : vector<64x128xf32>
    %eq3A_110 = arith.constant 2 : i32
    %eq3A_111 = vector.broadcast %eq3A_110 : i32 to vector<1x16xi32>
    %eq3A_112 = arith.cmpi eq, %iota3A_24, %eq3A_111 : vector<1x16xi32>
    %convert_element_type3A_113 = arith.fptosi %reduce_sum3A_103 : f32 to i32
    %broadcast_in_dim3A_114 = vector.broadcast %convert_element_type3A_113 : i32 to vector<1x16xi32>
    %select_n3A_115 = arith.select %eq3A_112, %broadcast_in_dim3A_114, %select_n3A_85 : vector<1x16xi1>, vector<1x16xi32>
    %add3A_116 = arith.addf %add3A_86, %reduce_sum3A_103 : f32
    %eq3A_117 = arith.constant 3 : i32
    %eq3A_118 = vector.broadcast %eq3A_117 : i32 to vector<64x128xi32>
    %eq3A_119 = arith.cmpi eq, %select_n3A_15, %eq3A_118 : vector<64x128xi32>
    %convert_element_type3A_120 = arith.extui %eq3A_119 : vector<64x128xi1> to vector<64x128xi32>
    %convert_element_type3A_121 = arith.sitofp %convert_element_type3A_120 : vector<64x128xi32> to vector<64x128xf32>
    %dot_general3A_122 = arith.constant dense<0.000000e+00> : vector<64x128xf32>
    %dot_general3A_123 = tpu.matmul %convert_element_type3A_121, %convert_element_type3A_18, %dot_general3A_122 {dimension_numbers = #tpu.dot_dimension_numbers<[1], [0], [0], [1], [0, 0, 1, 1], [], []>, transpose_lhs_hint = false} : vector<64x128xf32>, vector<128x128xf32>, vector<64x128xf32> -> vector<64x128xf32>
    %reduce_sum3A_124 = arith.constant dense<0.000000e+00> : vector<64xf32>
    %reduce_sum3A_125 = vector.multi_reduction <add>, %convert_element_type3A_121, %reduce_sum3A_124 [1] : vector<64x128xf32> to vector<64xf32>
    %broadcast_in_dim3A_126 = vector.shape_cast %reduce_sum3A_125 : vector<64xf32> to vector<64x1xf32>
    %dot_general3A_127 = arith.constant dense<0.000000e+00> : vector<64x1xf32>
    %dot_general3A_128 = tpu.matmul %convert_element_type3A_23, %broadcast_in_dim3A_126, %dot_general3A_127 {dimension_numbers = #tpu.dot_dimension_numbers<[1], [0], [0], [1], [0, 0, 1, 1], [], []>, transpose_lhs_hint = false} : vector<64x64xf32>, vector<64x1xf32>, vector<64x1xf32> -> vector<64x1xf32>
    %reduce_sum3A_129 = vector.shape_cast %broadcast_in_dim3A_126 : vector<64x1xf32> to vector<1x64x1xf32>
    %reduce_sum3A_130 = arith.constant dense<0.000000e+00> : vector<1xf32>
    %reduce_sum3A_131 = vector.multi_reduction <add>, %reduce_sum3A_129, %reduce_sum3A_130 [1, 2] : vector<1x64x1xf32> to vector<1xf32>
    %reduce_sum3A_132 = vector.shape_cast %reduce_sum3A_131 : vector<1xf32> to vector<1x1x1xf32>
    %reduce_sum3A_133 = vector.extract %reduce_sum3A_132[0, 0, 0] : f32 from vector<1x1x1xf32>
    %add3A_134 = vector.broadcast %add3A_116 : f32 to vector<64x1xf32>
    %add3A_135 = arith.addf %add3A_134, %dot_general3A_128 : vector<64x1xf32>
    %add3A_136 = vector.broadcast %add3A_135 : vector<64x1xf32> to vector<64x128xf32>
    %add3A_137 = arith.addf %add3A_136, %dot_general3A_123 : vector<64x128xf32>
    %mul3A_138 = arith.mulf %convert_element_type3A_121, %add3A_137 : vector<64x128xf32>
    %add3A_139 = arith.addf %add3A_109, %mul3A_138 : vector<64x128xf32>
    %eq3A_140 = arith.constant 3 : i32
    %eq3A_141 = vector.broadcast %eq3A_140 : i32 to vector<1x16xi32>
    %eq3A_142 = arith.cmpi eq, %iota3A_24, %eq3A_141 : vector<1x16xi32>
    %convert_element_type3A_143 = arith.fptosi %reduce_sum3A_133 : f32 to i32
    %broadcast_in_dim3A_144 = vector.broadcast %convert_element_type3A_143 : i32 to vector<1x16xi32>
    %select_n3A_145 = arith.select %eq3A_142, %broadcast_in_dim3A_144, %select_n3A_115 : vector<1x16xi1>, vector<1x16xi32>
    %add3A_146 = arith.addf %add3A_116, %reduce_sum3A_133 : f32
    %eq3A_147 = arith.constant 4 : i32
    %eq3A_148 = vector.broadcast %eq3A_147 : i32 to vector<64x128xi32>
    %eq3A_149 = arith.cmpi eq, %select_n3A_15, %eq3A_148 : vector<64x128xi32>
    %convert_element_type3A_150 = arith.extui %eq3A_149 : vector<64x128xi1> to vector<64x128xi32>
    %convert_element_type3A_151 = arith.sitofp %convert_element_type3A_150 : vector<64x128xi32> to vector<64x128xf32>
    %dot_general3A_152 = arith.constant dense<0.000000e+00> : vector<64x128xf32>
    %dot_general3A_153 = tpu.matmul %convert_element_type3A_151, %convert_element_type3A_18, %dot_general3A_152 {dimension_numbers = #tpu.dot_dimension_numbers<[1], [0], [0], [1], [0, 0, 1, 1], [], []>, transpose_lhs_hint = false} : vector<64x128xf32>, vector<128x128xf32>, vector<64x128xf32> -> vector<64x128xf32>
    %reduce_sum3A_154 = arith.constant dense<0.000000e+00> : vector<64xf32>
    %reduce_sum3A_155 = vector.multi_reduction <add>, %convert_element_type3A_151, %reduce_sum3A_154 [1] : vector<64x128xf32> to vector<64xf32>
    %broadcast_in_dim3A_156 = vector.shape_cast %reduce_sum3A_155 : vector<64xf32> to vector<64x1xf32>
    %dot_general3A_157 = arith.constant dense<0.000000e+00> : vector<64x1xf32>
    %dot_general3A_158 = tpu.matmul %convert_element_type3A_23, %broadcast_in_dim3A_156, %dot_general3A_157 {dimension_numbers = #tpu.dot_dimension_numbers<[1], [0], [0], [1], [0, 0, 1, 1], [], []>, transpose_lhs_hint = false} : vector<64x64xf32>, vector<64x1xf32>, vector<64x1xf32> -> vector<64x1xf32>
    %reduce_sum3A_159 = vector.shape_cast %broadcast_in_dim3A_156 : vector<64x1xf32> to vector<1x64x1xf32>
    %reduce_sum3A_160 = arith.constant dense<0.000000e+00> : vector<1xf32>
    %reduce_sum3A_161 = vector.multi_reduction <add>, %reduce_sum3A_159, %reduce_sum3A_160 [1, 2] : vector<1x64x1xf32> to vector<1xf32>
    %reduce_sum3A_162 = vector.shape_cast %reduce_sum3A_161 : vector<1xf32> to vector<1x1x1xf32>
    %reduce_sum3A_163 = vector.extract %reduce_sum3A_162[0, 0, 0] : f32 from vector<1x1x1xf32>
    %add3A_164 = vector.broadcast %add3A_146 : f32 to vector<64x1xf32>
    %add3A_165 = arith.addf %add3A_164, %dot_general3A_158 : vector<64x1xf32>
    %add3A_166 = vector.broadcast %add3A_165 : vector<64x1xf32> to vector<64x128xf32>
    %add3A_167 = arith.addf %add3A_166, %dot_general3A_153 : vector<64x128xf32>
    %mul3A_168 = arith.mulf %convert_element_type3A_151, %add3A_167 : vector<64x128xf32>
    %add3A_169 = arith.addf %add3A_139, %mul3A_168 : vector<64x128xf32>
    %eq3A_170 = arith.constant 4 : i32
    %eq3A_171 = vector.broadcast %eq3A_170 : i32 to vector<1x16xi32>
    %eq3A_172 = arith.cmpi eq, %iota3A_24, %eq3A_171 : vector<1x16xi32>
    %convert_element_type3A_173 = arith.fptosi %reduce_sum3A_163 : f32 to i32
    %broadcast_in_dim3A_174 = vector.broadcast %convert_element_type3A_173 : i32 to vector<1x16xi32>
    %select_n3A_175 = arith.select %eq3A_172, %broadcast_in_dim3A_174, %select_n3A_145 : vector<1x16xi1>, vector<1x16xi32>
    %add3A_176 = arith.addf %add3A_146, %reduce_sum3A_163 : f32
    %eq3A_177 = arith.constant 5 : i32
    %eq3A_178 = vector.broadcast %eq3A_177 : i32 to vector<64x128xi32>
    %eq3A_179 = arith.cmpi eq, %select_n3A_15, %eq3A_178 : vector<64x128xi32>
    %convert_element_type3A_180 = arith.extui %eq3A_179 : vector<64x128xi1> to vector<64x128xi32>
    %convert_element_type3A_181 = arith.sitofp %convert_element_type3A_180 : vector<64x128xi32> to vector<64x128xf32>
    %dot_general3A_182 = arith.constant dense<0.000000e+00> : vector<64x128xf32>
    %dot_general3A_183 = tpu.matmul %convert_element_type3A_181, %convert_element_type3A_18, %dot_general3A_182 {dimension_numbers = #tpu.dot_dimension_numbers<[1], [0], [0], [1], [0, 0, 1, 1], [], []>, transpose_lhs_hint = false} : vector<64x128xf32>, vector<128x128xf32>, vector<64x128xf32> -> vector<64x128xf32>
    %reduce_sum3A_184 = arith.constant dense<0.000000e+00> : vector<64xf32>
    %reduce_sum3A_185 = vector.multi_reduction <add>, %convert_element_type3A_181, %reduce_sum3A_184 [1] : vector<64x128xf32> to vector<64xf32>
    %broadcast_in_dim3A_186 = vector.shape_cast %reduce_sum3A_185 : vector<64xf32> to vector<64x1xf32>
    %dot_general3A_187 = arith.constant dense<0.000000e+00> : vector<64x1xf32>
    %dot_general3A_188 = tpu.matmul %convert_element_type3A_23, %broadcast_in_dim3A_186, %dot_general3A_187 {dimension_numbers = #tpu.dot_dimension_numbers<[1], [0], [0], [1], [0, 0, 1, 1], [], []>, transpose_lhs_hint = false} : vector<64x64xf32>, vector<64x1xf32>, vector<64x1xf32> -> vector<64x1xf32>
    %reduce_sum3A_189 = vector.shape_cast %broadcast_in_dim3A_186 : vector<64x1xf32> to vector<1x64x1xf32>
    %reduce_sum3A_190 = arith.constant dense<0.000000e+00> : vector<1xf32>
    %reduce_sum3A_191 = vector.multi_reduction <add>, %reduce_sum3A_189, %reduce_sum3A_190 [1, 2] : vector<1x64x1xf32> to vector<1xf32>
    %reduce_sum3A_192 = vector.shape_cast %reduce_sum3A_191 : vector<1xf32> to vector<1x1x1xf32>
    %reduce_sum3A_193 = vector.extract %reduce_sum3A_192[0, 0, 0] : f32 from vector<1x1x1xf32>
    %add3A_194 = vector.broadcast %add3A_176 : f32 to vector<64x1xf32>
    %add3A_195 = arith.addf %add3A_194, %dot_general3A_188 : vector<64x1xf32>
    %add3A_196 = vector.broadcast %add3A_195 : vector<64x1xf32> to vector<64x128xf32>
    %add3A_197 = arith.addf %add3A_196, %dot_general3A_183 : vector<64x128xf32>
    %mul3A_198 = arith.mulf %convert_element_type3A_181, %add3A_197 : vector<64x128xf32>
    %add3A_199 = arith.addf %add3A_169, %mul3A_198 : vector<64x128xf32>
    %eq3A_200 = arith.constant 5 : i32
    %eq3A_201 = vector.broadcast %eq3A_200 : i32 to vector<1x16xi32>
    %eq3A_202 = arith.cmpi eq, %iota3A_24, %eq3A_201 : vector<1x16xi32>
    %convert_element_type3A_203 = arith.fptosi %reduce_sum3A_193 : f32 to i32
    %broadcast_in_dim3A_204 = vector.broadcast %convert_element_type3A_203 : i32 to vector<1x16xi32>
    %select_n3A_205 = arith.select %eq3A_202, %broadcast_in_dim3A_204, %select_n3A_175 : vector<1x16xi1>, vector<1x16xi32>
    %add3A_206 = arith.addf %add3A_176, %reduce_sum3A_193 : f32
    %eq3A_207 = arith.constant 6 : i32
    %eq3A_208 = vector.broadcast %eq3A_207 : i32 to vector<64x128xi32>
    %eq3A_209 = arith.cmpi eq, %select_n3A_15, %eq3A_208 : vector<64x128xi32>
    %convert_element_type3A_210 = arith.extui %eq3A_209 : vector<64x128xi1> to vector<64x128xi32>
    %convert_element_type3A_211 = arith.sitofp %convert_element_type3A_210 : vector<64x128xi32> to vector<64x128xf32>
    %dot_general3A_212 = arith.constant dense<0.000000e+00> : vector<64x128xf32>
    %dot_general3A_213 = tpu.matmul %convert_element_type3A_211, %convert_element_type3A_18, %dot_general3A_212 {dimension_numbers = #tpu.dot_dimension_numbers<[1], [0], [0], [1], [0, 0, 1, 1], [], []>, transpose_lhs_hint = false} : vector<64x128xf32>, vector<128x128xf32>, vector<64x128xf32> -> vector<64x128xf32>
    %reduce_sum3A_214 = arith.constant dense<0.000000e+00> : vector<64xf32>
    %reduce_sum3A_215 = vector.multi_reduction <add>, %convert_element_type3A_211, %reduce_sum3A_214 [1] : vector<64x128xf32> to vector<64xf32>
    %broadcast_in_dim3A_216 = vector.shape_cast %reduce_sum3A_215 : vector<64xf32> to vector<64x1xf32>
    %dot_general3A_217 = arith.constant dense<0.000000e+00> : vector<64x1xf32>
    %dot_general3A_218 = tpu.matmul %convert_element_type3A_23, %broadcast_in_dim3A_216, %dot_general3A_217 {dimension_numbers = #tpu.dot_dimension_numbers<[1], [0], [0], [1], [0, 0, 1, 1], [], []>, transpose_lhs_hint = false} : vector<64x64xf32>, vector<64x1xf32>, vector<64x1xf32> -> vector<64x1xf32>
    %reduce_sum3A_219 = vector.shape_cast %broadcast_in_dim3A_216 : vector<64x1xf32> to vector<1x64x1xf32>
    %reduce_sum3A_220 = arith.constant dense<0.000000e+00> : vector<1xf32>
    %reduce_sum3A_221 = vector.multi_reduction <add>, %reduce_sum3A_219, %reduce_sum3A_220 [1, 2] : vector<1x64x1xf32> to vector<1xf32>
    %reduce_sum3A_222 = vector.shape_cast %reduce_sum3A_221 : vector<1xf32> to vector<1x1x1xf32>
    %reduce_sum3A_223 = vector.extract %reduce_sum3A_222[0, 0, 0] : f32 from vector<1x1x1xf32>
    %add3A_224 = vector.broadcast %add3A_206 : f32 to vector<64x1xf32>
    %add3A_225 = arith.addf %add3A_224, %dot_general3A_218 : vector<64x1xf32>
    %add3A_226 = vector.broadcast %add3A_225 : vector<64x1xf32> to vector<64x128xf32>
    %add3A_227 = arith.addf %add3A_226, %dot_general3A_213 : vector<64x128xf32>
    %mul3A_228 = arith.mulf %convert_element_type3A_211, %add3A_227 : vector<64x128xf32>
    %add3A_229 = arith.addf %add3A_199, %mul3A_228 : vector<64x128xf32>
    %eq3A_230 = arith.constant 6 : i32
    %eq3A_231 = vector.broadcast %eq3A_230 : i32 to vector<1x16xi32>
    %eq3A_232 = arith.cmpi eq, %iota3A_24, %eq3A_231 : vector<1x16xi32>
    %convert_element_type3A_233 = arith.fptosi %reduce_sum3A_223 : f32 to i32
    %broadcast_in_dim3A_234 = vector.broadcast %convert_element_type3A_233 : i32 to vector<1x16xi32>
    %select_n3A_235 = arith.select %eq3A_232, %broadcast_in_dim3A_234, %select_n3A_205 : vector<1x16xi1>, vector<1x16xi32>
    %add3A_236 = arith.addf %add3A_206, %reduce_sum3A_223 : f32
    %eq3A_237 = arith.constant 7 : i32
    %eq3A_238 = vector.broadcast %eq3A_237 : i32 to vector<64x128xi32>
    %eq3A_239 = arith.cmpi eq, %select_n3A_15, %eq3A_238 : vector<64x128xi32>
    %convert_element_type3A_240 = arith.extui %eq3A_239 : vector<64x128xi1> to vector<64x128xi32>
    %convert_element_type3A_241 = arith.sitofp %convert_element_type3A_240 : vector<64x128xi32> to vector<64x128xf32>
    %dot_general3A_242 = arith.constant dense<0.000000e+00> : vector<64x128xf32>
    %dot_general3A_243 = tpu.matmul %convert_element_type3A_241, %convert_element_type3A_18, %dot_general3A_242 {dimension_numbers = #tpu.dot_dimension_numbers<[1], [0], [0], [1], [0, 0, 1, 1], [], []>, transpose_lhs_hint = false} : vector<64x128xf32>, vector<128x128xf32>, vector<64x128xf32> -> vector<64x128xf32>
    %reduce_sum3A_244 = arith.constant dense<0.000000e+00> : vector<64xf32>
    %reduce_sum3A_245 = vector.multi_reduction <add>, %convert_element_type3A_241, %reduce_sum3A_244 [1] : vector<64x128xf32> to vector<64xf32>
    %broadcast_in_dim3A_246 = vector.shape_cast %reduce_sum3A_245 : vector<64xf32> to vector<64x1xf32>
    %dot_general3A_247 = arith.constant dense<0.000000e+00> : vector<64x1xf32>
    %dot_general3A_248 = tpu.matmul %convert_element_type3A_23, %broadcast_in_dim3A_246, %dot_general3A_247 {dimension_numbers = #tpu.dot_dimension_numbers<[1], [0], [0], [1], [0, 0, 1, 1], [], []>, transpose_lhs_hint = false} : vector<64x64xf32>, vector<64x1xf32>, vector<64x1xf32> -> vector<64x1xf32>
    %reduce_sum3A_249 = vector.shape_cast %broadcast_in_dim3A_246 : vector<64x1xf32> to vector<1x64x1xf32>
    %reduce_sum3A_250 = arith.constant dense<0.000000e+00> : vector<1xf32>
    %reduce_sum3A_251 = vector.multi_reduction <add>, %reduce_sum3A_249, %reduce_sum3A_250 [1, 2] : vector<1x64x1xf32> to vector<1xf32>
    %reduce_sum3A_252 = vector.shape_cast %reduce_sum3A_251 : vector<1xf32> to vector<1x1x1xf32>
    %reduce_sum3A_253 = vector.extract %reduce_sum3A_252[0, 0, 0] : f32 from vector<1x1x1xf32>
    %add3A_254 = vector.broadcast %add3A_236 : f32 to vector<64x1xf32>
    %add3A_255 = arith.addf %add3A_254, %dot_general3A_248 : vector<64x1xf32>
    %add3A_256 = vector.broadcast %add3A_255 : vector<64x1xf32> to vector<64x128xf32>
    %add3A_257 = arith.addf %add3A_256, %dot_general3A_243 : vector<64x128xf32>
    %mul3A_258 = arith.mulf %convert_element_type3A_241, %add3A_257 : vector<64x128xf32>
    %add3A_259 = arith.addf %add3A_229, %mul3A_258 : vector<64x128xf32>
    %eq3A_260 = arith.constant 7 : i32
    %eq3A_261 = vector.broadcast %eq3A_260 : i32 to vector<1x16xi32>
    %eq3A_262 = arith.cmpi eq, %iota3A_24, %eq3A_261 : vector<1x16xi32>
    %convert_element_type3A_263 = arith.fptosi %reduce_sum3A_253 : f32 to i32
    %broadcast_in_dim3A_264 = vector.broadcast %convert_element_type3A_263 : i32 to vector<1x16xi32>
    %select_n3A_265 = arith.select %eq3A_262, %broadcast_in_dim3A_264, %select_n3A_235 : vector<1x16xi1>, vector<1x16xi32>
    %add3A_266 = arith.addf %add3A_236, %reduce_sum3A_253 : f32
    %eq3A_267 = arith.constant 8 : i32
    %eq3A_268 = vector.broadcast %eq3A_267 : i32 to vector<64x128xi32>
    %eq3A_269 = arith.cmpi eq, %select_n3A_15, %eq3A_268 : vector<64x128xi32>
    %convert_element_type3A_270 = arith.extui %eq3A_269 : vector<64x128xi1> to vector<64x128xi32>
    %convert_element_type3A_271 = arith.sitofp %convert_element_type3A_270 : vector<64x128xi32> to vector<64x128xf32>
    %dot_general3A_272 = arith.constant dense<0.000000e+00> : vector<64x128xf32>
    %dot_general3A_273 = tpu.matmul %convert_element_type3A_271, %convert_element_type3A_18, %dot_general3A_272 {dimension_numbers = #tpu.dot_dimension_numbers<[1], [0], [0], [1], [0, 0, 1, 1], [], []>, transpose_lhs_hint = false} : vector<64x128xf32>, vector<128x128xf32>, vector<64x128xf32> -> vector<64x128xf32>
    %reduce_sum3A_274 = arith.constant dense<0.000000e+00> : vector<64xf32>
    %reduce_sum3A_275 = vector.multi_reduction <add>, %convert_element_type3A_271, %reduce_sum3A_274 [1] : vector<64x128xf32> to vector<64xf32>
    %broadcast_in_dim3A_276 = vector.shape_cast %reduce_sum3A_275 : vector<64xf32> to vector<64x1xf32>
    %dot_general3A_277 = arith.constant dense<0.000000e+00> : vector<64x1xf32>
    %dot_general3A_278 = tpu.matmul %convert_element_type3A_23, %broadcast_in_dim3A_276, %dot_general3A_277 {dimension_numbers = #tpu.dot_dimension_numbers<[1], [0], [0], [1], [0, 0, 1, 1], [], []>, transpose_lhs_hint = false} : vector<64x64xf32>, vector<64x1xf32>, vector<64x1xf32> -> vector<64x1xf32>
    %reduce_sum3A_279 = vector.shape_cast %broadcast_in_dim3A_276 : vector<64x1xf32> to vector<1x64x1xf32>
    %reduce_sum3A_280 = arith.constant dense<0.000000e+00> : vector<1xf32>
    %reduce_sum3A_281 = vector.multi_reduction <add>, %reduce_sum3A_279, %reduce_sum3A_280 [1, 2] : vector<1x64x1xf32> to vector<1xf32>
    %reduce_sum3A_282 = vector.shape_cast %reduce_sum3A_281 : vector<1xf32> to vector<1x1x1xf32>
    %reduce_sum3A_283 = vector.extract %reduce_sum3A_282[0, 0, 0] : f32 from vector<1x1x1xf32>
    %add3A_284 = vector.broadcast %add3A_266 : f32 to vector<64x1xf32>
    %add3A_285 = arith.addf %add3A_284, %dot_general3A_278 : vector<64x1xf32>
    %add3A_286 = vector.broadcast %add3A_285 : vector<64x1xf32> to vector<64x128xf32>
    %add3A_287 = arith.addf %add3A_286, %dot_general3A_273 : vector<64x128xf32>
    %mul3A_288 = arith.mulf %convert_element_type3A_271, %add3A_287 : vector<64x128xf32>
    %add3A_289 = arith.addf %add3A_259, %mul3A_288 : vector<64x128xf32>
    %eq3A_290 = arith.constant 8 : i32
    %eq3A_291 = vector.broadcast %eq3A_290 : i32 to vector<1x16xi32>
    %eq3A_292 = arith.cmpi eq, %iota3A_24, %eq3A_291 : vector<1x16xi32>
    %convert_element_type3A_293 = arith.fptosi %reduce_sum3A_283 : f32 to i32
    %broadcast_in_dim3A_294 = vector.broadcast %convert_element_type3A_293 : i32 to vector<1x16xi32>
    %select_n3A_295 = arith.select %eq3A_292, %broadcast_in_dim3A_294, %select_n3A_265 : vector<1x16xi1>, vector<1x16xi32>
    %add3A_296 = arith.addf %add3A_266, %reduce_sum3A_283 : f32
    %eq3A_297 = arith.constant 9 : i32
    %eq3A_298 = vector.broadcast %eq3A_297 : i32 to vector<64x128xi32>
    %eq3A_299 = arith.cmpi eq, %select_n3A_15, %eq3A_298 : vector<64x128xi32>
    %convert_element_type3A_300 = arith.extui %eq3A_299 : vector<64x128xi1> to vector<64x128xi32>
    %convert_element_type3A_301 = arith.sitofp %convert_element_type3A_300 : vector<64x128xi32> to vector<64x128xf32>
    %dot_general3A_302 = arith.constant dense<0.000000e+00> : vector<64x128xf32>
    %dot_general3A_303 = tpu.matmul %convert_element_type3A_301, %convert_element_type3A_18, %dot_general3A_302 {dimension_numbers = #tpu.dot_dimension_numbers<[1], [0], [0], [1], [0, 0, 1, 1], [], []>, transpose_lhs_hint = false} : vector<64x128xf32>, vector<128x128xf32>, vector<64x128xf32> -> vector<64x128xf32>
    %reduce_sum3A_304 = arith.constant dense<0.000000e+00> : vector<64xf32>
    %reduce_sum3A_305 = vector.multi_reduction <add>, %convert_element_type3A_301, %reduce_sum3A_304 [1] : vector<64x128xf32> to vector<64xf32>
    %broadcast_in_dim3A_306 = vector.shape_cast %reduce_sum3A_305 : vector<64xf32> to vector<64x1xf32>
    %dot_general3A_307 = arith.constant dense<0.000000e+00> : vector<64x1xf32>
    %dot_general3A_308 = tpu.matmul %convert_element_type3A_23, %broadcast_in_dim3A_306, %dot_general3A_307 {dimension_numbers = #tpu.dot_dimension_numbers<[1], [0], [0], [1], [0, 0, 1, 1], [], []>, transpose_lhs_hint = false} : vector<64x64xf32>, vector<64x1xf32>, vector<64x1xf32> -> vector<64x1xf32>
    %reduce_sum3A_309 = vector.shape_cast %broadcast_in_dim3A_306 : vector<64x1xf32> to vector<1x64x1xf32>
    %reduce_sum3A_310 = arith.constant dense<0.000000e+00> : vector<1xf32>
    %reduce_sum3A_311 = vector.multi_reduction <add>, %reduce_sum3A_309, %reduce_sum3A_310 [1, 2] : vector<1x64x1xf32> to vector<1xf32>
    %reduce_sum3A_312 = vector.shape_cast %reduce_sum3A_311 : vector<1xf32> to vector<1x1x1xf32>
    %reduce_sum3A_313 = vector.extract %reduce_sum3A_312[0, 0, 0] : f32 from vector<1x1x1xf32>
    %add3A_314 = vector.broadcast %add3A_296 : f32 to vector<64x1xf32>
    %add3A_315 = arith.addf %add3A_314, %dot_general3A_308 : vector<64x1xf32>
    %add3A_316 = vector.broadcast %add3A_315 : vector<64x1xf32> to vector<64x128xf32>
    %add3A_317 = arith.addf %add3A_316, %dot_general3A_303 : vector<64x128xf32>
    %mul3A_318 = arith.mulf %convert_element_type3A_301, %add3A_317 : vector<64x128xf32>
    %add3A_319 = arith.addf %add3A_289, %mul3A_318 : vector<64x128xf32>
    %eq3A_320 = arith.constant 9 : i32
    %eq3A_321 = vector.broadcast %eq3A_320 : i32 to vector<1x16xi32>
    %eq3A_322 = arith.cmpi eq, %iota3A_24, %eq3A_321 : vector<1x16xi32>
    %convert_element_type3A_323 = arith.fptosi %reduce_sum3A_313 : f32 to i32
    %broadcast_in_dim3A_324 = vector.broadcast %convert_element_type3A_323 : i32 to vector<1x16xi32>
    %select_n3A_325 = arith.select %eq3A_322, %broadcast_in_dim3A_324, %select_n3A_295 : vector<1x16xi1>, vector<1x16xi32>
    %add3A_326 = arith.addf %add3A_296, %reduce_sum3A_313 : f32
    %eq3A_327 = arith.constant 10 : i32
    %eq3A_328 = vector.broadcast %eq3A_327 : i32 to vector<64x128xi32>
    %eq3A_329 = arith.cmpi eq, %select_n3A_15, %eq3A_328 : vector<64x128xi32>
    %convert_element_type3A_330 = arith.extui %eq3A_329 : vector<64x128xi1> to vector<64x128xi32>
    %convert_element_type3A_331 = arith.sitofp %convert_element_type3A_330 : vector<64x128xi32> to vector<64x128xf32>
    %dot_general3A_332 = arith.constant dense<0.000000e+00> : vector<64x128xf32>
    %dot_general3A_333 = tpu.matmul %convert_element_type3A_331, %convert_element_type3A_18, %dot_general3A_332 {dimension_numbers = #tpu.dot_dimension_numbers<[1], [0], [0], [1], [0, 0, 1, 1], [], []>, transpose_lhs_hint = false} : vector<64x128xf32>, vector<128x128xf32>, vector<64x128xf32> -> vector<64x128xf32>
    %reduce_sum3A_334 = arith.constant dense<0.000000e+00> : vector<64xf32>
    %reduce_sum3A_335 = vector.multi_reduction <add>, %convert_element_type3A_331, %reduce_sum3A_334 [1] : vector<64x128xf32> to vector<64xf32>
    %broadcast_in_dim3A_336 = vector.shape_cast %reduce_sum3A_335 : vector<64xf32> to vector<64x1xf32>
    %dot_general3A_337 = arith.constant dense<0.000000e+00> : vector<64x1xf32>
    %dot_general3A_338 = tpu.matmul %convert_element_type3A_23, %broadcast_in_dim3A_336, %dot_general3A_337 {dimension_numbers = #tpu.dot_dimension_numbers<[1], [0], [0], [1], [0, 0, 1, 1], [], []>, transpose_lhs_hint = false} : vector<64x64xf32>, vector<64x1xf32>, vector<64x1xf32> -> vector<64x1xf32>
    %reduce_sum3A_339 = vector.shape_cast %broadcast_in_dim3A_336 : vector<64x1xf32> to vector<1x64x1xf32>
    %reduce_sum3A_340 = arith.constant dense<0.000000e+00> : vector<1xf32>
    %reduce_sum3A_341 = vector.multi_reduction <add>, %reduce_sum3A_339, %reduce_sum3A_340 [1, 2] : vector<1x64x1xf32> to vector<1xf32>
    %reduce_sum3A_342 = vector.shape_cast %reduce_sum3A_341 : vector<1xf32> to vector<1x1x1xf32>
    %reduce_sum3A_343 = vector.extract %reduce_sum3A_342[0, 0, 0] : f32 from vector<1x1x1xf32>
    %add3A_344 = vector.broadcast %add3A_326 : f32 to vector<64x1xf32>
    %add3A_345 = arith.addf %add3A_344, %dot_general3A_338 : vector<64x1xf32>
    %add3A_346 = vector.broadcast %add3A_345 : vector<64x1xf32> to vector<64x128xf32>
    %add3A_347 = arith.addf %add3A_346, %dot_general3A_333 : vector<64x128xf32>
    %mul3A_348 = arith.mulf %convert_element_type3A_331, %add3A_347 : vector<64x128xf32>
    %add3A_349 = arith.addf %add3A_319, %mul3A_348 : vector<64x128xf32>
    %eq3A_350 = arith.constant 10 : i32
    %eq3A_351 = vector.broadcast %eq3A_350 : i32 to vector<1x16xi32>
    %eq3A_352 = arith.cmpi eq, %iota3A_24, %eq3A_351 : vector<1x16xi32>
    %convert_element_type3A_353 = arith.fptosi %reduce_sum3A_343 : f32 to i32
    %broadcast_in_dim3A_354 = vector.broadcast %convert_element_type3A_353 : i32 to vector<1x16xi32>
    %select_n3A_355 = arith.select %eq3A_352, %broadcast_in_dim3A_354, %select_n3A_325 : vector<1x16xi1>, vector<1x16xi32>
    %add3A_356 = arith.addf %add3A_326, %reduce_sum3A_343 : f32
    %eq3A_357 = arith.constant 11 : i32
    %eq3A_358 = vector.broadcast %eq3A_357 : i32 to vector<64x128xi32>
    %eq3A_359 = arith.cmpi eq, %select_n3A_15, %eq3A_358 : vector<64x128xi32>
    %convert_element_type3A_360 = arith.extui %eq3A_359 : vector<64x128xi1> to vector<64x128xi32>
    %convert_element_type3A_361 = arith.sitofp %convert_element_type3A_360 : vector<64x128xi32> to vector<64x128xf32>
    %dot_general3A_362 = arith.constant dense<0.000000e+00> : vector<64x128xf32>
    %dot_general3A_363 = tpu.matmul %convert_element_type3A_361, %convert_element_type3A_18, %dot_general3A_362 {dimension_numbers = #tpu.dot_dimension_numbers<[1], [0], [0], [1], [0, 0, 1, 1], [], []>, transpose_lhs_hint = false} : vector<64x128xf32>, vector<128x128xf32>, vector<64x128xf32> -> vector<64x128xf32>
    %reduce_sum3A_364 = arith.constant dense<0.000000e+00> : vector<64xf32>
    %reduce_sum3A_365 = vector.multi_reduction <add>, %convert_element_type3A_361, %reduce_sum3A_364 [1] : vector<64x128xf32> to vector<64xf32>
    %broadcast_in_dim3A_366 = vector.shape_cast %reduce_sum3A_365 : vector<64xf32> to vector<64x1xf32>
    %dot_general3A_367 = arith.constant dense<0.000000e+00> : vector<64x1xf32>
    %dot_general3A_368 = tpu.matmul %convert_element_type3A_23, %broadcast_in_dim3A_366, %dot_general3A_367 {dimension_numbers = #tpu.dot_dimension_numbers<[1], [0], [0], [1], [0, 0, 1, 1], [], []>, transpose_lhs_hint = false} : vector<64x64xf32>, vector<64x1xf32>, vector<64x1xf32> -> vector<64x1xf32>
    %reduce_sum3A_369 = vector.shape_cast %broadcast_in_dim3A_366 : vector<64x1xf32> to vector<1x64x1xf32>
    %reduce_sum3A_370 = arith.constant dense<0.000000e+00> : vector<1xf32>
    %reduce_sum3A_371 = vector.multi_reduction <add>, %reduce_sum3A_369, %reduce_sum3A_370 [1, 2] : vector<1x64x1xf32> to vector<1xf32>
    %reduce_sum3A_372 = vector.shape_cast %reduce_sum3A_371 : vector<1xf32> to vector<1x1x1xf32>
    %reduce_sum3A_373 = vector.extract %reduce_sum3A_372[0, 0, 0] : f32 from vector<1x1x1xf32>
    %add3A_374 = vector.broadcast %add3A_356 : f32 to vector<64x1xf32>
    %add3A_375 = arith.addf %add3A_374, %dot_general3A_368 : vector<64x1xf32>
    %add3A_376 = vector.broadcast %add3A_375 : vector<64x1xf32> to vector<64x128xf32>
    %add3A_377 = arith.addf %add3A_376, %dot_general3A_363 : vector<64x128xf32>
    %mul3A_378 = arith.mulf %convert_element_type3A_361, %add3A_377 : vector<64x128xf32>
    %add3A_379 = arith.addf %add3A_349, %mul3A_378 : vector<64x128xf32>
    %eq3A_380 = arith.constant 11 : i32
    %eq3A_381 = vector.broadcast %eq3A_380 : i32 to vector<1x16xi32>
    %eq3A_382 = arith.cmpi eq, %iota3A_24, %eq3A_381 : vector<1x16xi32>
    %convert_element_type3A_383 = arith.fptosi %reduce_sum3A_373 : f32 to i32
    %broadcast_in_dim3A_384 = vector.broadcast %convert_element_type3A_383 : i32 to vector<1x16xi32>
    %select_n3A_385 = arith.select %eq3A_382, %broadcast_in_dim3A_384, %select_n3A_355 : vector<1x16xi1>, vector<1x16xi32>
    %add3A_386 = arith.addf %add3A_356, %reduce_sum3A_373 : f32
    %eq3A_387 = arith.constant 12 : i32
    %eq3A_388 = vector.broadcast %eq3A_387 : i32 to vector<64x128xi32>
    %eq3A_389 = arith.cmpi eq, %select_n3A_15, %eq3A_388 : vector<64x128xi32>
    %convert_element_type3A_390 = arith.extui %eq3A_389 : vector<64x128xi1> to vector<64x128xi32>
    %convert_element_type3A_391 = arith.sitofp %convert_element_type3A_390 : vector<64x128xi32> to vector<64x128xf32>
    %dot_general3A_392 = arith.constant dense<0.000000e+00> : vector<64x128xf32>
    %dot_general3A_393 = tpu.matmul %convert_element_type3A_391, %convert_element_type3A_18, %dot_general3A_392 {dimension_numbers = #tpu.dot_dimension_numbers<[1], [0], [0], [1], [0, 0, 1, 1], [], []>, transpose_lhs_hint = false} : vector<64x128xf32>, vector<128x128xf32>, vector<64x128xf32> -> vector<64x128xf32>
    %reduce_sum3A_394 = arith.constant dense<0.000000e+00> : vector<64xf32>
    %reduce_sum3A_395 = vector.multi_reduction <add>, %convert_element_type3A_391, %reduce_sum3A_394 [1] : vector<64x128xf32> to vector<64xf32>
    %broadcast_in_dim3A_396 = vector.shape_cast %reduce_sum3A_395 : vector<64xf32> to vector<64x1xf32>
    %dot_general3A_397 = arith.constant dense<0.000000e+00> : vector<64x1xf32>
    %dot_general3A_398 = tpu.matmul %convert_element_type3A_23, %broadcast_in_dim3A_396, %dot_general3A_397 {dimension_numbers = #tpu.dot_dimension_numbers<[1], [0], [0], [1], [0, 0, 1, 1], [], []>, transpose_lhs_hint = false} : vector<64x64xf32>, vector<64x1xf32>, vector<64x1xf32> -> vector<64x1xf32>
    %reduce_sum3A_399 = vector.shape_cast %broadcast_in_dim3A_396 : vector<64x1xf32> to vector<1x64x1xf32>
    %reduce_sum3A_400 = arith.constant dense<0.000000e+00> : vector<1xf32>
    %reduce_sum3A_401 = vector.multi_reduction <add>, %reduce_sum3A_399, %reduce_sum3A_400 [1, 2] : vector<1x64x1xf32> to vector<1xf32>
    %reduce_sum3A_402 = vector.shape_cast %reduce_sum3A_401 : vector<1xf32> to vector<1x1x1xf32>
    %reduce_sum3A_403 = vector.extract %reduce_sum3A_402[0, 0, 0] : f32 from vector<1x1x1xf32>
    %add3A_404 = vector.broadcast %add3A_386 : f32 to vector<64x1xf32>
    %add3A_405 = arith.addf %add3A_404, %dot_general3A_398 : vector<64x1xf32>
    %add3A_406 = vector.broadcast %add3A_405 : vector<64x1xf32> to vector<64x128xf32>
    %add3A_407 = arith.addf %add3A_406, %dot_general3A_393 : vector<64x128xf32>
    %mul3A_408 = arith.mulf %convert_element_type3A_391, %add3A_407 : vector<64x128xf32>
    %add3A_409 = arith.addf %add3A_379, %mul3A_408 : vector<64x128xf32>
    %eq3A_410 = arith.constant 12 : i32
    %eq3A_411 = vector.broadcast %eq3A_410 : i32 to vector<1x16xi32>
    %eq3A_412 = arith.cmpi eq, %iota3A_24, %eq3A_411 : vector<1x16xi32>
    %convert_element_type3A_413 = arith.fptosi %reduce_sum3A_403 : f32 to i32
    %broadcast_in_dim3A_414 = vector.broadcast %convert_element_type3A_413 : i32 to vector<1x16xi32>
    %select_n3A_415 = arith.select %eq3A_412, %broadcast_in_dim3A_414, %select_n3A_385 : vector<1x16xi1>, vector<1x16xi32>
    %add3A_416 = arith.addf %add3A_386, %reduce_sum3A_403 : f32
    %eq3A_417 = arith.constant 13 : i32
    %eq3A_418 = vector.broadcast %eq3A_417 : i32 to vector<64x128xi32>
    %eq3A_419 = arith.cmpi eq, %select_n3A_15, %eq3A_418 : vector<64x128xi32>
    %convert_element_type3A_420 = arith.extui %eq3A_419 : vector<64x128xi1> to vector<64x128xi32>
    %convert_element_type3A_421 = arith.sitofp %convert_element_type3A_420 : vector<64x128xi32> to vector<64x128xf32>
    %dot_general3A_422 = arith.constant dense<0.000000e+00> : vector<64x128xf32>
    %dot_general3A_423 = tpu.matmul %convert_element_type3A_421, %convert_element_type3A_18, %dot_general3A_422 {dimension_numbers = #tpu.dot_dimension_numbers<[1], [0], [0], [1], [0, 0, 1, 1], [], []>, transpose_lhs_hint = false} : vector<64x128xf32>, vector<128x128xf32>, vector<64x128xf32> -> vector<64x128xf32>
    %reduce_sum3A_424 = arith.constant dense<0.000000e+00> : vector<64xf32>
    %reduce_sum3A_425 = vector.multi_reduction <add>, %convert_element_type3A_421, %reduce_sum3A_424 [1] : vector<64x128xf32> to vector<64xf32>
    %broadcast_in_dim3A_426 = vector.shape_cast %reduce_sum3A_425 : vector<64xf32> to vector<64x1xf32>
    %dot_general3A_427 = arith.constant dense<0.000000e+00> : vector<64x1xf32>
    %dot_general3A_428 = tpu.matmul %convert_element_type3A_23, %broadcast_in_dim3A_426, %dot_general3A_427 {dimension_numbers = #tpu.dot_dimension_numbers<[1], [0], [0], [1], [0, 0, 1, 1], [], []>, transpose_lhs_hint = false} : vector<64x64xf32>, vector<64x1xf32>, vector<64x1xf32> -> vector<64x1xf32>
    %reduce_sum3A_429 = vector.shape_cast %broadcast_in_dim3A_426 : vector<64x1xf32> to vector<1x64x1xf32>
    %reduce_sum3A_430 = arith.constant dense<0.000000e+00> : vector<1xf32>
    %reduce_sum3A_431 = vector.multi_reduction <add>, %reduce_sum3A_429, %reduce_sum3A_430 [1, 2] : vector<1x64x1xf32> to vector<1xf32>
    %reduce_sum3A_432 = vector.shape_cast %reduce_sum3A_431 : vector<1xf32> to vector<1x1x1xf32>
    %reduce_sum3A_433 = vector.extract %reduce_sum3A_432[0, 0, 0] : f32 from vector<1x1x1xf32>
    %add3A_434 = vector.broadcast %add3A_416 : f32 to vector<64x1xf32>
    %add3A_435 = arith.addf %add3A_434, %dot_general3A_428 : vector<64x1xf32>
    %add3A_436 = vector.broadcast %add3A_435 : vector<64x1xf32> to vector<64x128xf32>
    %add3A_437 = arith.addf %add3A_436, %dot_general3A_423 : vector<64x128xf32>
    %mul3A_438 = arith.mulf %convert_element_type3A_421, %add3A_437 : vector<64x128xf32>
    %add3A_439 = arith.addf %add3A_409, %mul3A_438 : vector<64x128xf32>
    %eq3A_440 = arith.constant 13 : i32
    %eq3A_441 = vector.broadcast %eq3A_440 : i32 to vector<1x16xi32>
    %eq3A_442 = arith.cmpi eq, %iota3A_24, %eq3A_441 : vector<1x16xi32>
    %convert_element_type3A_443 = arith.fptosi %reduce_sum3A_433 : f32 to i32
    %broadcast_in_dim3A_444 = vector.broadcast %convert_element_type3A_443 : i32 to vector<1x16xi32>
    %select_n3A_445 = arith.select %eq3A_442, %broadcast_in_dim3A_444, %select_n3A_415 : vector<1x16xi1>, vector<1x16xi32>
    %add3A_446 = arith.addf %add3A_416, %reduce_sum3A_433 : f32
    %eq3A_447 = arith.constant 14 : i32
    %eq3A_448 = vector.broadcast %eq3A_447 : i32 to vector<64x128xi32>
    %eq3A_449 = arith.cmpi eq, %select_n3A_15, %eq3A_448 : vector<64x128xi32>
    %convert_element_type3A_450 = arith.extui %eq3A_449 : vector<64x128xi1> to vector<64x128xi32>
    %convert_element_type3A_451 = arith.sitofp %convert_element_type3A_450 : vector<64x128xi32> to vector<64x128xf32>
    %dot_general3A_452 = arith.constant dense<0.000000e+00> : vector<64x128xf32>
    %dot_general3A_453 = tpu.matmul %convert_element_type3A_451, %convert_element_type3A_18, %dot_general3A_452 {dimension_numbers = #tpu.dot_dimension_numbers<[1], [0], [0], [1], [0, 0, 1, 1], [], []>, transpose_lhs_hint = false} : vector<64x128xf32>, vector<128x128xf32>, vector<64x128xf32> -> vector<64x128xf32>
    %reduce_sum3A_454 = arith.constant dense<0.000000e+00> : vector<64xf32>
    %reduce_sum3A_455 = vector.multi_reduction <add>, %convert_element_type3A_451, %reduce_sum3A_454 [1] : vector<64x128xf32> to vector<64xf32>
    %broadcast_in_dim3A_456 = vector.shape_cast %reduce_sum3A_455 : vector<64xf32> to vector<64x1xf32>
    %dot_general3A_457 = arith.constant dense<0.000000e+00> : vector<64x1xf32>
    %dot_general3A_458 = tpu.matmul %convert_element_type3A_23, %broadcast_in_dim3A_456, %dot_general3A_457 {dimension_numbers = #tpu.dot_dimension_numbers<[1], [0], [0], [1], [0, 0, 1, 1], [], []>, transpose_lhs_hint = false} : vector<64x64xf32>, vector<64x1xf32>, vector<64x1xf32> -> vector<64x1xf32>
    %reduce_sum3A_459 = vector.shape_cast %broadcast_in_dim3A_456 : vector<64x1xf32> to vector<1x64x1xf32>
    %reduce_sum3A_460 = arith.constant dense<0.000000e+00> : vector<1xf32>
    %reduce_sum3A_461 = vector.multi_reduction <add>, %reduce_sum3A_459, %reduce_sum3A_460 [1, 2] : vector<1x64x1xf32> to vector<1xf32>
    %reduce_sum3A_462 = vector.shape_cast %reduce_sum3A_461 : vector<1xf32> to vector<1x1x1xf32>
    %reduce_sum3A_463 = vector.extract %reduce_sum3A_462[0, 0, 0] : f32 from vector<1x1x1xf32>
    %add3A_464 = vector.broadcast %add3A_446 : f32 to vector<64x1xf32>
    %add3A_465 = arith.addf %add3A_464, %dot_general3A_458 : vector<64x1xf32>
    %add3A_466 = vector.broadcast %add3A_465 : vector<64x1xf32> to vector<64x128xf32>
    %add3A_467 = arith.addf %add3A_466, %dot_general3A_453 : vector<64x128xf32>
    %mul3A_468 = arith.mulf %convert_element_type3A_451, %add3A_467 : vector<64x128xf32>
    %add3A_469 = arith.addf %add3A_439, %mul3A_468 : vector<64x128xf32>
    %eq3A_470 = arith.constant 14 : i32
    %eq3A_471 = vector.broadcast %eq3A_470 : i32 to vector<1x16xi32>
    %eq3A_472 = arith.cmpi eq, %iota3A_24, %eq3A_471 : vector<1x16xi32>
    %convert_element_type3A_473 = arith.fptosi %reduce_sum3A_463 : f32 to i32
    %broadcast_in_dim3A_474 = vector.broadcast %convert_element_type3A_473 : i32 to vector<1x16xi32>
    %select_n3A_475 = arith.select %eq3A_472, %broadcast_in_dim3A_474, %select_n3A_445 : vector<1x16xi1>, vector<1x16xi32>
    %add3A_476 = arith.addf %add3A_446, %reduce_sum3A_463 : f32
    %eq3A_477 = arith.constant 15 : i32
    %eq3A_478 = vector.broadcast %eq3A_477 : i32 to vector<64x128xi32>
    %eq3A_479 = arith.cmpi eq, %select_n3A_15, %eq3A_478 : vector<64x128xi32>
    %convert_element_type3A_480 = arith.extui %eq3A_479 : vector<64x128xi1> to vector<64x128xi32>
    %convert_element_type3A_481 = arith.sitofp %convert_element_type3A_480 : vector<64x128xi32> to vector<64x128xf32>
    %dot_general3A_482 = arith.constant dense<0.000000e+00> : vector<64x128xf32>
    %dot_general3A_483 = tpu.matmul %convert_element_type3A_481, %convert_element_type3A_18, %dot_general3A_482 {dimension_numbers = #tpu.dot_dimension_numbers<[1], [0], [0], [1], [0, 0, 1, 1], [], []>, transpose_lhs_hint = false} : vector<64x128xf32>, vector<128x128xf32>, vector<64x128xf32> -> vector<64x128xf32>
    %reduce_sum3A_484 = arith.constant dense<0.000000e+00> : vector<64xf32>
    %reduce_sum3A_485 = vector.multi_reduction <add>, %convert_element_type3A_481, %reduce_sum3A_484 [1] : vector<64x128xf32> to vector<64xf32>
    %broadcast_in_dim3A_486 = vector.shape_cast %reduce_sum3A_485 : vector<64xf32> to vector<64x1xf32>
    %dot_general3A_487 = arith.constant dense<0.000000e+00> : vector<64x1xf32>
    %dot_general3A_488 = tpu.matmul %convert_element_type3A_23, %broadcast_in_dim3A_486, %dot_general3A_487 {dimension_numbers = #tpu.dot_dimension_numbers<[1], [0], [0], [1], [0, 0, 1, 1], [], []>, transpose_lhs_hint = false} : vector<64x64xf32>, vector<64x1xf32>, vector<64x1xf32> -> vector<64x1xf32>
    %reduce_sum3A_489 = vector.shape_cast %broadcast_in_dim3A_486 : vector<64x1xf32> to vector<1x64x1xf32>
    %reduce_sum3A_490 = arith.constant dense<0.000000e+00> : vector<1xf32>
    %reduce_sum3A_491 = vector.multi_reduction <add>, %reduce_sum3A_489, %reduce_sum3A_490 [1, 2] : vector<1x64x1xf32> to vector<1xf32>
    %reduce_sum3A_492 = vector.shape_cast %reduce_sum3A_491 : vector<1xf32> to vector<1x1x1xf32>
    %reduce_sum3A_493 = vector.extract %reduce_sum3A_492[0, 0, 0] : f32 from vector<1x1x1xf32>
    %add3A_494 = vector.broadcast %add3A_476 : f32 to vector<64x1xf32>
    %add3A_495 = arith.addf %add3A_494, %dot_general3A_488 : vector<64x1xf32>
    %add3A_496 = vector.broadcast %add3A_495 : vector<64x1xf32> to vector<64x128xf32>
    %add3A_497 = arith.addf %add3A_496, %dot_general3A_483 : vector<64x128xf32>
    %mul3A_498 = arith.mulf %convert_element_type3A_481, %add3A_497 : vector<64x128xf32>
    %add3A_499 = arith.addf %add3A_469, %mul3A_498 : vector<64x128xf32>
    %eq3A_500 = arith.constant 15 : i32
    %eq3A_501 = vector.broadcast %eq3A_500 : i32 to vector<1x16xi32>
    %eq3A_502 = arith.cmpi eq, %iota3A_24, %eq3A_501 : vector<1x16xi32>
    %convert_element_type3A_503 = arith.fptosi %reduce_sum3A_493 : f32 to i32
    %broadcast_in_dim3A_504 = vector.broadcast %convert_element_type3A_503 : i32 to vector<1x16xi32>
    %select_n3A_505 = arith.select %eq3A_502, %broadcast_in_dim3A_504, %select_n3A_475 : vector<1x16xi1>, vector<1x16xi32>
    %convert_element_type3A_506 = arith.fptosi %add3A_499 : vector<64x128xf32> to vector<64x128xi32>
    %swap3A = arith.constant 0 : index
    %swap3A_507 = arith.constant 0 : index
    %swap3A_508 = vector.load %arg1[%swap3A, %swap3A_507] : memref<64x128xi32, #tpu.memory_space<vmem>>, vector<64x128xi32>
    tpu.vector_store %arg1[%swap3A, %swap3A_507], %convert_element_type3A_506 {strides = array<i32>} : memref<64x128xi32, #tpu.memory_space<vmem>>, vector<64x128xi32>,
    %swap3A_509 = arith.constant 0 : index
    %swap3A_510 = arith.constant 0 : index
    %swap3A_511 = vector.load %arg2[%swap3A_509, %swap3A_510] : memref<1x16xi32, #tpu.memory_space<vmem>>, vector<1x16xi32>
    tpu.vector_store %arg2[%swap3A_509, %swap3A_510], %select_n3A_505 {strides = array<i32>} : memref<1x16xi32, #tpu.memory_space<vmem>>, vector<1x16xi32>,
    return
  }
}

module attributes {stable_mosaic.version = 14 : i64} {
  func.func @_gmm_body(%arg0: i32, %arg1: memref<31xi32, #tpu.memory_space<smem>>, %arg2: memref<31xi32, #tpu.memory_space<smem>>, %arg3: memref<17xi32, #tpu.memory_space<smem>>, %arg4: memref<16xf32, #tpu.memory_space<smem>>, %arg5: memref<512x1024xf32, #tpu.memory_space<vmem>>, %arg6: memref<1x1024x2048xf32, #tpu.memory_space<vmem>>, %arg7: memref<1x1x2048xf32, #tpu.memory_space<vmem>>, %arg8: memref<1x1x2048xf32, #tpu.memory_space<vmem>>, %arg9: memref<512x1xf32, #tpu.memory_space<vmem>>) attributes {dimension_semantics = [#tpu.dimension_semantics<arbitrary>], iteration_bounds = array<i64: 31>, scalar_prefetch = 4 : i64, scratch_operands = 0 : i64, tpu.core_type = #tpu.core_type<tc>, window_params = [{transform_indices = @transform_0, window_bounds = array<i64: 512, 1024>}, {transform_indices = @transform_1, window_bounds = array<i64: 1, 1024, 2048>}, {transform_indices = @transform_2, window_bounds = array<i64: 1, 1, 2048>}, {transform_indices = @transform_3, window_bounds = array<i64: 1, 1, 2048>}, {transform_indices = @transform_4, window_bounds = array<i64: 512, 1>}]} {
    %get3A = arith.index_cast %arg0 : i32 to index
    %get3A_0 = memref.load %arg2[%get3A] : memref<31xi32, #tpu.memory_space<smem>>
    %get3A_1 = arith.index_cast %arg0 : i32 to index
    %get3A_2 = memref.load %arg1[%get3A_1] : memref<31xi32, #tpu.memory_space<smem>>
    %get3A_3 = arith.constant 0 : index
    %get3A_4 = arith.constant 0 : index
    %get3A_5 = arith.constant 0 : index
    %get3A_6 = vector.load %arg6[%get3A_3, %get3A_4, %get3A_5] : memref<1x1024x2048xf32, #tpu.memory_space<vmem>>, vector<1x1024x2048xf32>
    %get3A_7 = vector.shape_cast %get3A_6 : vector<1x1024x2048xf32> to vector<1024x2048xf32>
    %convert_element_type3A = arith.truncf %get3A_7 : vector<1024x2048xf32> to vector<1024x2048xbf16>
    %get3A_8 = arith.constant 0 : index
    %get3A_9 = arith.constant 0 : index
    %get3A_10 = arith.constant 0 : index
    %get3A_11 = vector.load %arg7[%get3A_8, %get3A_9, %get3A_10] : memref<1x1x2048xf32, #tpu.memory_space<vmem>>, vector<1x1x2048xf32>
    %get3A_12 = vector.shape_cast %get3A_11 : vector<1x1x2048xf32> to vector<2048xf32>
    %broadcast_in_dim3A = vector.shape_cast %get3A_12 : vector<2048xf32> to vector<1x2048xf32>
    %get3A_13 = arith.constant 0 : index
    %get3A_14 = arith.constant 0 : index
    %get3A_15 = vector.load %arg5[%get3A_13, %get3A_14] : memref<512x1024xf32, #tpu.memory_space<vmem>>, vector<128x1024xf32>
    %convert_element_type3A_16 = arith.truncf %get3A_15 : vector<128x1024xf32> to vector<128x1024xbf16>
    %dot_general3A = arith.constant dense<0.000000e+00> : vector<128x2048xf32>
    %dot_general3A_17 = tpu.matmul %convert_element_type3A_16, %convert_element_type3A, %dot_general3A {dimension_numbers = #tpu.dot_dimension_numbers<[1], [0], [0], [1], [0, 0, 1, 1], [], []>, transpose_lhs_hint = false} : vector<128x1024xbf16>, vector<1024x2048xbf16>, vector<128x2048xf32> -> vector<128x2048xf32>
    %add3A = vector.broadcast %broadcast_in_dim3A : vector<1x2048xf32> to vector<128x2048xf32>
    %add3A_18 = arith.addf %dot_general3A_17, %add3A : vector<128x2048xf32>
    %tanh3A = math.tanh %add3A_18 : vector<128x2048xf32>
    %slice3A = vector.extract_strided_slice %tanh3A {offsets = [0, 0], sizes = [128, 128], strides = [1, 1]} : vector<128x2048xf32> to vector<128x128xf32>
    %get3A_19 = arith.constant 0 : index
    %get3A_20 = arith.constant 0 : index
    %get3A_21 = arith.constant 0 : index
    %get3A_22 = vector.load %arg8[%get3A_19, %get3A_20, %get3A_21] : memref<1x1x2048xf32, #tpu.memory_space<vmem>>, vector<1x1x128xf32>
    %get3A_23 = vector.shape_cast %get3A_22 : vector<1x1x128xf32> to vector<128xf32>
    %broadcast_in_dim3A_24 = vector.shape_cast %get3A_23 : vector<128xf32> to vector<1x128xf32>
    %mul3A = vector.broadcast %broadcast_in_dim3A_24 : vector<1x128xf32> to vector<128x128xf32>
    %mul3A_25 = arith.mulf %slice3A, %mul3A : vector<128x128xf32>
    %slice3A_26 = vector.extract_strided_slice %tanh3A {offsets = [0, 128], sizes = [128, 128], strides = [1, 1]} : vector<128x2048xf32> to vector<128x128xf32>
    %get3A_27 = arith.constant 0 : index
    %get3A_28 = arith.constant 0 : index
    %get3A_29 = arith.constant 128 : index
    %get3A_30 = vector.load %arg8[%get3A_27, %get3A_28, %get3A_29] : memref<1x1x2048xf32, #tpu.memory_space<vmem>>, vector<1x1x128xf32>
    %get3A_31 = vector.shape_cast %get3A_30 : vector<1x1x128xf32> to vector<128xf32>
    %broadcast_in_dim3A_32 = vector.shape_cast %get3A_31 : vector<128xf32> to vector<1x128xf32>
    %mul3A_33 = vector.broadcast %broadcast_in_dim3A_32 : vector<1x128xf32> to vector<128x128xf32>
    %mul3A_34 = arith.mulf %slice3A_26, %mul3A_33 : vector<128x128xf32>
    %add3A_35 = arith.addf %mul3A_25, %mul3A_34 : vector<128x128xf32>
    %slice3A_36 = vector.extract_strided_slice %tanh3A {offsets = [0, 256], sizes = [128, 128], strides = [1, 1]} : vector<128x2048xf32> to vector<128x128xf32>
    %get3A_37 = arith.constant 0 : index
    %get3A_38 = arith.constant 0 : index
    %get3A_39 = arith.constant 256 : index
    %get3A_40 = vector.load %arg8[%get3A_37, %get3A_38, %get3A_39] : memref<1x1x2048xf32, #tpu.memory_space<vmem>>, vector<1x1x128xf32>
    %get3A_41 = vector.shape_cast %get3A_40 : vector<1x1x128xf32> to vector<128xf32>
    %broadcast_in_dim3A_42 = vector.shape_cast %get3A_41 : vector<128xf32> to vector<1x128xf32>
    %mul3A_43 = vector.broadcast %broadcast_in_dim3A_42 : vector<1x128xf32> to vector<128x128xf32>
    %mul3A_44 = arith.mulf %slice3A_36, %mul3A_43 : vector<128x128xf32>
    %add3A_45 = arith.addf %add3A_35, %mul3A_44 : vector<128x128xf32>
    %slice3A_46 = vector.extract_strided_slice %tanh3A {offsets = [0, 384], sizes = [128, 128], strides = [1, 1]} : vector<128x2048xf32> to vector<128x128xf32>
    %get3A_47 = arith.constant 0 : index
    %get3A_48 = arith.constant 0 : index
    %get3A_49 = arith.constant 384 : index
    %get3A_50 = vector.load %arg8[%get3A_47, %get3A_48, %get3A_49] : memref<1x1x2048xf32, #tpu.memory_space<vmem>>, vector<1x1x128xf32>
    %get3A_51 = vector.shape_cast %get3A_50 : vector<1x1x128xf32> to vector<128xf32>
    %broadcast_in_dim3A_52 = vector.shape_cast %get3A_51 : vector<128xf32> to vector<1x128xf32>
    %mul3A_53 = vector.broadcast %broadcast_in_dim3A_52 : vector<1x128xf32> to vector<128x128xf32>
    %mul3A_54 = arith.mulf %slice3A_46, %mul3A_53 : vector<128x128xf32>
    %add3A_55 = arith.addf %add3A_45, %mul3A_54 : vector<128x128xf32>
    %slice3A_56 = vector.extract_strided_slice %tanh3A {offsets = [0, 512], sizes = [128, 128], strides = [1, 1]} : vector<128x2048xf32> to vector<128x128xf32>
    %get3A_57 = arith.constant 0 : index
    %get3A_58 = arith.constant 0 : index
    %get3A_59 = arith.constant 512 : index
    %get3A_60 = vector.load %arg8[%get3A_57, %get3A_58, %get3A_59] : memref<1x1x2048xf32, #tpu.memory_space<vmem>>, vector<1x1x128xf32>
    %get3A_61 = vector.shape_cast %get3A_60 : vector<1x1x128xf32> to vector<128xf32>
    %broadcast_in_dim3A_62 = vector.shape_cast %get3A_61 : vector<128xf32> to vector<1x128xf32>
    %mul3A_63 = vector.broadcast %broadcast_in_dim3A_62 : vector<1x128xf32> to vector<128x128xf32>
    %mul3A_64 = arith.mulf %slice3A_56, %mul3A_63 : vector<128x128xf32>
    %add3A_65 = arith.addf %add3A_55, %mul3A_64 : vector<128x128xf32>
    %slice3A_66 = vector.extract_strided_slice %tanh3A {offsets = [0, 640], sizes = [128, 128], strides = [1, 1]} : vector<128x2048xf32> to vector<128x128xf32>
    %get3A_67 = arith.constant 0 : index
    %get3A_68 = arith.constant 0 : index
    %get3A_69 = arith.constant 640 : index
    %get3A_70 = vector.load %arg8[%get3A_67, %get3A_68, %get3A_69] : memref<1x1x2048xf32, #tpu.memory_space<vmem>>, vector<1x1x128xf32>
    %get3A_71 = vector.shape_cast %get3A_70 : vector<1x1x128xf32> to vector<128xf32>
    %broadcast_in_dim3A_72 = vector.shape_cast %get3A_71 : vector<128xf32> to vector<1x128xf32>
    %mul3A_73 = vector.broadcast %broadcast_in_dim3A_72 : vector<1x128xf32> to vector<128x128xf32>
    %mul3A_74 = arith.mulf %slice3A_66, %mul3A_73 : vector<128x128xf32>
    %add3A_75 = arith.addf %add3A_65, %mul3A_74 : vector<128x128xf32>
    %slice3A_76 = vector.extract_strided_slice %tanh3A {offsets = [0, 768], sizes = [128, 128], strides = [1, 1]} : vector<128x2048xf32> to vector<128x128xf32>
    %get3A_77 = arith.constant 0 : index
    %get3A_78 = arith.constant 0 : index
    %get3A_79 = arith.constant 768 : index
    %get3A_80 = vector.load %arg8[%get3A_77, %get3A_78, %get3A_79] : memref<1x1x2048xf32, #tpu.memory_space<vmem>>, vector<1x1x128xf32>
    %get3A_81 = vector.shape_cast %get3A_80 : vector<1x1x128xf32> to vector<128xf32>
    %broadcast_in_dim3A_82 = vector.shape_cast %get3A_81 : vector<128xf32> to vector<1x128xf32>
    %mul3A_83 = vector.broadcast %broadcast_in_dim3A_82 : vector<1x128xf32> to vector<128x128xf32>
    %mul3A_84 = arith.mulf %slice3A_76, %mul3A_83 : vector<128x128xf32>
    %add3A_85 = arith.addf %add3A_75, %mul3A_84 : vector<128x128xf32>
    %slice3A_86 = vector.extract_strided_slice %tanh3A {offsets = [0, 896], sizes = [128, 128], strides = [1, 1]} : vector<128x2048xf32> to vector<128x128xf32>
    %get3A_87 = arith.constant 0 : index
    %get3A_88 = arith.constant 0 : index
    %get3A_89 = arith.constant 896 : index
    %get3A_90 = vector.load %arg8[%get3A_87, %get3A_88, %get3A_89] : memref<1x1x2048xf32, #tpu.memory_space<vmem>>, vector<1x1x128xf32>
    %get3A_91 = vector.shape_cast %get3A_90 : vector<1x1x128xf32> to vector<128xf32>
    %broadcast_in_dim3A_92 = vector.shape_cast %get3A_91 : vector<128xf32> to vector<1x128xf32>
    %mul3A_93 = vector.broadcast %broadcast_in_dim3A_92 : vector<1x128xf32> to vector<128x128xf32>
    %mul3A_94 = arith.mulf %slice3A_86, %mul3A_93 : vector<128x128xf32>
    %add3A_95 = arith.addf %add3A_85, %mul3A_94 : vector<128x128xf32>
    %slice3A_96 = vector.extract_strided_slice %tanh3A {offsets = [0, 1024], sizes = [128, 128], strides = [1, 1]} : vector<128x2048xf32> to vector<128x128xf32>
    %get3A_97 = arith.constant 0 : index
    %get3A_98 = arith.constant 0 : index
    %get3A_99 = arith.constant 1024 : index
    %get3A_100 = vector.load %arg8[%get3A_97, %get3A_98, %get3A_99] : memref<1x1x2048xf32, #tpu.memory_space<vmem>>, vector<1x1x128xf32>
    %get3A_101 = vector.shape_cast %get3A_100 : vector<1x1x128xf32> to vector<128xf32>
    %broadcast_in_dim3A_102 = vector.shape_cast %get3A_101 : vector<128xf32> to vector<1x128xf32>
    %mul3A_103 = vector.broadcast %broadcast_in_dim3A_102 : vector<1x128xf32> to vector<128x128xf32>
    %mul3A_104 = arith.mulf %slice3A_96, %mul3A_103 : vector<128x128xf32>
    %add3A_105 = arith.addf %add3A_95, %mul3A_104 : vector<128x128xf32>
    %slice3A_106 = vector.extract_strided_slice %tanh3A {offsets = [0, 1152], sizes = [128, 128], strides = [1, 1]} : vector<128x2048xf32> to vector<128x128xf32>
    %get3A_107 = arith.constant 0 : index
    %get3A_108 = arith.constant 0 : index
    %get3A_109 = arith.constant 1152 : index
    %get3A_110 = vector.load %arg8[%get3A_107, %get3A_108, %get3A_109] : memref<1x1x2048xf32, #tpu.memory_space<vmem>>, vector<1x1x128xf32>
    %get3A_111 = vector.shape_cast %get3A_110 : vector<1x1x128xf32> to vector<128xf32>
    %broadcast_in_dim3A_112 = vector.shape_cast %get3A_111 : vector<128xf32> to vector<1x128xf32>
    %mul3A_113 = vector.broadcast %broadcast_in_dim3A_112 : vector<1x128xf32> to vector<128x128xf32>
    %mul3A_114 = arith.mulf %slice3A_106, %mul3A_113 : vector<128x128xf32>
    %add3A_115 = arith.addf %add3A_105, %mul3A_114 : vector<128x128xf32>
    %slice3A_116 = vector.extract_strided_slice %tanh3A {offsets = [0, 1280], sizes = [128, 128], strides = [1, 1]} : vector<128x2048xf32> to vector<128x128xf32>
    %get3A_117 = arith.constant 0 : index
    %get3A_118 = arith.constant 0 : index
    %get3A_119 = arith.constant 1280 : index
    %get3A_120 = vector.load %arg8[%get3A_117, %get3A_118, %get3A_119] : memref<1x1x2048xf32, #tpu.memory_space<vmem>>, vector<1x1x128xf32>
    %get3A_121 = vector.shape_cast %get3A_120 : vector<1x1x128xf32> to vector<128xf32>
    %broadcast_in_dim3A_122 = vector.shape_cast %get3A_121 : vector<128xf32> to vector<1x128xf32>
    %mul3A_123 = vector.broadcast %broadcast_in_dim3A_122 : vector<1x128xf32> to vector<128x128xf32>
    %mul3A_124 = arith.mulf %slice3A_116, %mul3A_123 : vector<128x128xf32>
    %add3A_125 = arith.addf %add3A_115, %mul3A_124 : vector<128x128xf32>
    %slice3A_126 = vector.extract_strided_slice %tanh3A {offsets = [0, 1408], sizes = [128, 128], strides = [1, 1]} : vector<128x2048xf32> to vector<128x128xf32>
    %get3A_127 = arith.constant 0 : index
    %get3A_128 = arith.constant 0 : index
    %get3A_129 = arith.constant 1408 : index
    %get3A_130 = vector.load %arg8[%get3A_127, %get3A_128, %get3A_129] : memref<1x1x2048xf32, #tpu.memory_space<vmem>>, vector<1x1x128xf32>
    %get3A_131 = vector.shape_cast %get3A_130 : vector<1x1x128xf32> to vector<128xf32>
    %broadcast_in_dim3A_132 = vector.shape_cast %get3A_131 : vector<128xf32> to vector<1x128xf32>
    %mul3A_133 = vector.broadcast %broadcast_in_dim3A_132 : vector<1x128xf32> to vector<128x128xf32>
    %mul3A_134 = arith.mulf %slice3A_126, %mul3A_133 : vector<128x128xf32>
    %add3A_135 = arith.addf %add3A_125, %mul3A_134 : vector<128x128xf32>
    %slice3A_136 = vector.extract_strided_slice %tanh3A {offsets = [0, 1536], sizes = [128, 128], strides = [1, 1]} : vector<128x2048xf32> to vector<128x128xf32>
    %get3A_137 = arith.constant 0 : index
    %get3A_138 = arith.constant 0 : index
    %get3A_139 = arith.constant 1536 : index
    %get3A_140 = vector.load %arg8[%get3A_137, %get3A_138, %get3A_139] : memref<1x1x2048xf32, #tpu.memory_space<vmem>>, vector<1x1x128xf32>
    %get3A_141 = vector.shape_cast %get3A_140 : vector<1x1x128xf32> to vector<128xf32>
    %broadcast_in_dim3A_142 = vector.shape_cast %get3A_141 : vector<128xf32> to vector<1x128xf32>
    %mul3A_143 = vector.broadcast %broadcast_in_dim3A_142 : vector<1x128xf32> to vector<128x128xf32>
    %mul3A_144 = arith.mulf %slice3A_136, %mul3A_143 : vector<128x128xf32>
    %add3A_145 = arith.addf %add3A_135, %mul3A_144 : vector<128x128xf32>
    %slice3A_146 = vector.extract_strided_slice %tanh3A {offsets = [0, 1664], sizes = [128, 128], strides = [1, 1]} : vector<128x2048xf32> to vector<128x128xf32>
    %get3A_147 = arith.constant 0 : index
    %get3A_148 = arith.constant 0 : index
    %get3A_149 = arith.constant 1664 : index
    %get3A_150 = vector.load %arg8[%get3A_147, %get3A_148, %get3A_149] : memref<1x1x2048xf32, #tpu.memory_space<vmem>>, vector<1x1x128xf32>
    %get3A_151 = vector.shape_cast %get3A_150 : vector<1x1x128xf32> to vector<128xf32>
    %broadcast_in_dim3A_152 = vector.shape_cast %get3A_151 : vector<128xf32> to vector<1x128xf32>
    %mul3A_153 = vector.broadcast %broadcast_in_dim3A_152 : vector<1x128xf32> to vector<128x128xf32>
    %mul3A_154 = arith.mulf %slice3A_146, %mul3A_153 : vector<128x128xf32>
    %add3A_155 = arith.addf %add3A_145, %mul3A_154 : vector<128x128xf32>
    %slice3A_156 = vector.extract_strided_slice %tanh3A {offsets = [0, 1792], sizes = [128, 128], strides = [1, 1]} : vector<128x2048xf32> to vector<128x128xf32>
    %get3A_157 = arith.constant 0 : index
    %get3A_158 = arith.constant 0 : index
    %get3A_159 = arith.constant 1792 : index
    %get3A_160 = vector.load %arg8[%get3A_157, %get3A_158, %get3A_159] : memref<1x1x2048xf32, #tpu.memory_space<vmem>>, vector<1x1x128xf32>
    %get3A_161 = vector.shape_cast %get3A_160 : vector<1x1x128xf32> to vector<128xf32>
    %broadcast_in_dim3A_162 = vector.shape_cast %get3A_161 : vector<128xf32> to vector<1x128xf32>
    %mul3A_163 = vector.broadcast %broadcast_in_dim3A_162 : vector<1x128xf32> to vector<128x128xf32>
    %mul3A_164 = arith.mulf %slice3A_156, %mul3A_163 : vector<128x128xf32>
    %add3A_165 = arith.addf %add3A_155, %mul3A_164 : vector<128x128xf32>
    %slice3A_166 = vector.extract_strided_slice %tanh3A {offsets = [0, 1920], sizes = [128, 128], strides = [1, 1]} : vector<128x2048xf32> to vector<128x128xf32>
    %get3A_167 = arith.constant 0 : index
    %get3A_168 = arith.constant 0 : index
    %get3A_169 = arith.constant 1920 : index
    %get3A_170 = vector.load %arg8[%get3A_167, %get3A_168, %get3A_169] : memref<1x1x2048xf32, #tpu.memory_space<vmem>>, vector<1x1x128xf32>
    %get3A_171 = vector.shape_cast %get3A_170 : vector<1x1x128xf32> to vector<128xf32>
    %broadcast_in_dim3A_172 = vector.shape_cast %get3A_171 : vector<128xf32> to vector<1x128xf32>
    %mul3A_173 = vector.broadcast %broadcast_in_dim3A_172 : vector<1x128xf32> to vector<128x128xf32>
    %mul3A_174 = arith.mulf %slice3A_166, %mul3A_173 : vector<128x128xf32>
    %add3A_175 = arith.addf %add3A_165, %mul3A_174 : vector<128x128xf32>
    %reduce_sum3A = arith.constant dense<0.000000e+00> : vector<128xf32>
    %reduce_sum3A_176 = vector.multi_reduction <add>, %add3A_175, %reduce_sum3A [1] : vector<128x128xf32> to vector<128xf32>
    %broadcast_in_dim3A_177 = vector.shape_cast %reduce_sum3A_176 : vector<128xf32> to vector<128x1xf32>
    %get3A_178 = arith.constant 128 : index
    %get3A_179 = arith.constant 0 : index
    %get3A_180 = vector.load %arg5[%get3A_178, %get3A_179] : memref<512x1024xf32, #tpu.memory_space<vmem>>, vector<128x1024xf32>
    %convert_element_type3A_181 = arith.truncf %get3A_180 : vector<128x1024xf32> to vector<128x1024xbf16>
    %dot_general3A_182 = arith.constant dense<0.000000e+00> : vector<128x2048xf32>
    %dot_general3A_183 = tpu.matmul %convert_element_type3A_181, %convert_element_type3A, %dot_general3A_182 {dimension_numbers = #tpu.dot_dimension_numbers<[1], [0], [0], [1], [0, 0, 1, 1], [], []>, transpose_lhs_hint = false} : vector<128x1024xbf16>, vector<1024x2048xbf16>, vector<128x2048xf32> -> vector<128x2048xf32>
    %add3A_184 = vector.broadcast %broadcast_in_dim3A : vector<1x2048xf32> to vector<128x2048xf32>
    %add3A_185 = arith.addf %dot_general3A_183, %add3A_184 : vector<128x2048xf32>
    %tanh3A_186 = math.tanh %add3A_185 : vector<128x2048xf32>
    %slice3A_187 = vector.extract_strided_slice %tanh3A_186 {offsets = [0, 0], sizes = [128, 128], strides = [1, 1]} : vector<128x2048xf32> to vector<128x128xf32>
    %get3A_188 = arith.constant 0 : index
    %get3A_189 = arith.constant 0 : index
    %get3A_190 = arith.constant 0 : index
    %get3A_191 = vector.load %arg8[%get3A_188, %get3A_189, %get3A_190] : memref<1x1x2048xf32, #tpu.memory_space<vmem>>, vector<1x1x128xf32>
    %get3A_192 = vector.shape_cast %get3A_191 : vector<1x1x128xf32> to vector<128xf32>
    %broadcast_in_dim3A_193 = vector.shape_cast %get3A_192 : vector<128xf32> to vector<1x128xf32>
    %mul3A_194 = vector.broadcast %broadcast_in_dim3A_193 : vector<1x128xf32> to vector<128x128xf32>
    %mul3A_195 = arith.mulf %slice3A_187, %mul3A_194 : vector<128x128xf32>
    %slice3A_196 = vector.extract_strided_slice %tanh3A_186 {offsets = [0, 128], sizes = [128, 128], strides = [1, 1]} : vector<128x2048xf32> to vector<128x128xf32>
    %get3A_197 = arith.constant 0 : index
    %get3A_198 = arith.constant 0 : index
    %get3A_199 = arith.constant 128 : index
    %get3A_200 = vector.load %arg8[%get3A_197, %get3A_198, %get3A_199] : memref<1x1x2048xf32, #tpu.memory_space<vmem>>, vector<1x1x128xf32>
    %get3A_201 = vector.shape_cast %get3A_200 : vector<1x1x128xf32> to vector<128xf32>
    %broadcast_in_dim3A_202 = vector.shape_cast %get3A_201 : vector<128xf32> to vector<1x128xf32>
    %mul3A_203 = vector.broadcast %broadcast_in_dim3A_202 : vector<1x128xf32> to vector<128x128xf32>
    %mul3A_204 = arith.mulf %slice3A_196, %mul3A_203 : vector<128x128xf32>
    %add3A_205 = arith.addf %mul3A_195, %mul3A_204 : vector<128x128xf32>
    %slice3A_206 = vector.extract_strided_slice %tanh3A_186 {offsets = [0, 256], sizes = [128, 128], strides = [1, 1]} : vector<128x2048xf32> to vector<128x128xf32>
    %get3A_207 = arith.constant 0 : index
    %get3A_208 = arith.constant 0 : index
    %get3A_209 = arith.constant 256 : index
    %get3A_210 = vector.load %arg8[%get3A_207, %get3A_208, %get3A_209] : memref<1x1x2048xf32, #tpu.memory_space<vmem>>, vector<1x1x128xf32>
    %get3A_211 = vector.shape_cast %get3A_210 : vector<1x1x128xf32> to vector<128xf32>
    %broadcast_in_dim3A_212 = vector.shape_cast %get3A_211 : vector<128xf32> to vector<1x128xf32>
    %mul3A_213 = vector.broadcast %broadcast_in_dim3A_212 : vector<1x128xf32> to vector<128x128xf32>
    %mul3A_214 = arith.mulf %slice3A_206, %mul3A_213 : vector<128x128xf32>
    %add3A_215 = arith.addf %add3A_205, %mul3A_214 : vector<128x128xf32>
    %slice3A_216 = vector.extract_strided_slice %tanh3A_186 {offsets = [0, 384], sizes = [128, 128], strides = [1, 1]} : vector<128x2048xf32> to vector<128x128xf32>
    %get3A_217 = arith.constant 0 : index
    %get3A_218 = arith.constant 0 : index
    %get3A_219 = arith.constant 384 : index
    %get3A_220 = vector.load %arg8[%get3A_217, %get3A_218, %get3A_219] : memref<1x1x2048xf32, #tpu.memory_space<vmem>>, vector<1x1x128xf32>
    %get3A_221 = vector.shape_cast %get3A_220 : vector<1x1x128xf32> to vector<128xf32>
    %broadcast_in_dim3A_222 = vector.shape_cast %get3A_221 : vector<128xf32> to vector<1x128xf32>
    %mul3A_223 = vector.broadcast %broadcast_in_dim3A_222 : vector<1x128xf32> to vector<128x128xf32>
    %mul3A_224 = arith.mulf %slice3A_216, %mul3A_223 : vector<128x128xf32>
    %add3A_225 = arith.addf %add3A_215, %mul3A_224 : vector<128x128xf32>
    %slice3A_226 = vector.extract_strided_slice %tanh3A_186 {offsets = [0, 512], sizes = [128, 128], strides = [1, 1]} : vector<128x2048xf32> to vector<128x128xf32>
    %get3A_227 = arith.constant 0 : index
    %get3A_228 = arith.constant 0 : index
    %get3A_229 = arith.constant 512 : index
    %get3A_230 = vector.load %arg8[%get3A_227, %get3A_228, %get3A_229] : memref<1x1x2048xf32, #tpu.memory_space<vmem>>, vector<1x1x128xf32>
    %get3A_231 = vector.shape_cast %get3A_230 : vector<1x1x128xf32> to vector<128xf32>
    %broadcast_in_dim3A_232 = vector.shape_cast %get3A_231 : vector<128xf32> to vector<1x128xf32>
    %mul3A_233 = vector.broadcast %broadcast_in_dim3A_232 : vector<1x128xf32> to vector<128x128xf32>
    %mul3A_234 = arith.mulf %slice3A_226, %mul3A_233 : vector<128x128xf32>
    %add3A_235 = arith.addf %add3A_225, %mul3A_234 : vector<128x128xf32>
    %slice3A_236 = vector.extract_strided_slice %tanh3A_186 {offsets = [0, 640], sizes = [128, 128], strides = [1, 1]} : vector<128x2048xf32> to vector<128x128xf32>
    %get3A_237 = arith.constant 0 : index
    %get3A_238 = arith.constant 0 : index
    %get3A_239 = arith.constant 640 : index
    %get3A_240 = vector.load %arg8[%get3A_237, %get3A_238, %get3A_239] : memref<1x1x2048xf32, #tpu.memory_space<vmem>>, vector<1x1x128xf32>
    %get3A_241 = vector.shape_cast %get3A_240 : vector<1x1x128xf32> to vector<128xf32>
    %broadcast_in_dim3A_242 = vector.shape_cast %get3A_241 : vector<128xf32> to vector<1x128xf32>
    %mul3A_243 = vector.broadcast %broadcast_in_dim3A_242 : vector<1x128xf32> to vector<128x128xf32>
    %mul3A_244 = arith.mulf %slice3A_236, %mul3A_243 : vector<128x128xf32>
    %add3A_245 = arith.addf %add3A_235, %mul3A_244 : vector<128x128xf32>
    %slice3A_246 = vector.extract_strided_slice %tanh3A_186 {offsets = [0, 768], sizes = [128, 128], strides = [1, 1]} : vector<128x2048xf32> to vector<128x128xf32>
    %get3A_247 = arith.constant 0 : index
    %get3A_248 = arith.constant 0 : index
    %get3A_249 = arith.constant 768 : index
    %get3A_250 = vector.load %arg8[%get3A_247, %get3A_248, %get3A_249] : memref<1x1x2048xf32, #tpu.memory_space<vmem>>, vector<1x1x128xf32>
    %get3A_251 = vector.shape_cast %get3A_250 : vector<1x1x128xf32> to vector<128xf32>
    %broadcast_in_dim3A_252 = vector.shape_cast %get3A_251 : vector<128xf32> to vector<1x128xf32>
    %mul3A_253 = vector.broadcast %broadcast_in_dim3A_252 : vector<1x128xf32> to vector<128x128xf32>
    %mul3A_254 = arith.mulf %slice3A_246, %mul3A_253 : vector<128x128xf32>
    %add3A_255 = arith.addf %add3A_245, %mul3A_254 : vector<128x128xf32>
    %slice3A_256 = vector.extract_strided_slice %tanh3A_186 {offsets = [0, 896], sizes = [128, 128], strides = [1, 1]} : vector<128x2048xf32> to vector<128x128xf32>
    %get3A_257 = arith.constant 0 : index
    %get3A_258 = arith.constant 0 : index
    %get3A_259 = arith.constant 896 : index
    %get3A_260 = vector.load %arg8[%get3A_257, %get3A_258, %get3A_259] : memref<1x1x2048xf32, #tpu.memory_space<vmem>>, vector<1x1x128xf32>
    %get3A_261 = vector.shape_cast %get3A_260 : vector<1x1x128xf32> to vector<128xf32>
    %broadcast_in_dim3A_262 = vector.shape_cast %get3A_261 : vector<128xf32> to vector<1x128xf32>
    %mul3A_263 = vector.broadcast %broadcast_in_dim3A_262 : vector<1x128xf32> to vector<128x128xf32>
    %mul3A_264 = arith.mulf %slice3A_256, %mul3A_263 : vector<128x128xf32>
    %add3A_265 = arith.addf %add3A_255, %mul3A_264 : vector<128x128xf32>
    %slice3A_266 = vector.extract_strided_slice %tanh3A_186 {offsets = [0, 1024], sizes = [128, 128], strides = [1, 1]} : vector<128x2048xf32> to vector<128x128xf32>
    %get3A_267 = arith.constant 0 : index
    %get3A_268 = arith.constant 0 : index
    %get3A_269 = arith.constant 1024 : index
    %get3A_270 = vector.load %arg8[%get3A_267, %get3A_268, %get3A_269] : memref<1x1x2048xf32, #tpu.memory_space<vmem>>, vector<1x1x128xf32>
    %get3A_271 = vector.shape_cast %get3A_270 : vector<1x1x128xf32> to vector<128xf32>
    %broadcast_in_dim3A_272 = vector.shape_cast %get3A_271 : vector<128xf32> to vector<1x128xf32>
    %mul3A_273 = vector.broadcast %broadcast_in_dim3A_272 : vector<1x128xf32> to vector<128x128xf32>
    %mul3A_274 = arith.mulf %slice3A_266, %mul3A_273 : vector<128x128xf32>
    %add3A_275 = arith.addf %add3A_265, %mul3A_274 : vector<128x128xf32>
    %slice3A_276 = vector.extract_strided_slice %tanh3A_186 {offsets = [0, 1152], sizes = [128, 128], strides = [1, 1]} : vector<128x2048xf32> to vector<128x128xf32>
    %get3A_277 = arith.constant 0 : index
    %get3A_278 = arith.constant 0 : index
    %get3A_279 = arith.constant 1152 : index
    %get3A_280 = vector.load %arg8[%get3A_277, %get3A_278, %get3A_279] : memref<1x1x2048xf32, #tpu.memory_space<vmem>>, vector<1x1x128xf32>
    %get3A_281 = vector.shape_cast %get3A_280 : vector<1x1x128xf32> to vector<128xf32>
    %broadcast_in_dim3A_282 = vector.shape_cast %get3A_281 : vector<128xf32> to vector<1x128xf32>
    %mul3A_283 = vector.broadcast %broadcast_in_dim3A_282 : vector<1x128xf32> to vector<128x128xf32>
    %mul3A_284 = arith.mulf %slice3A_276, %mul3A_283 : vector<128x128xf32>
    %add3A_285 = arith.addf %add3A_275, %mul3A_284 : vector<128x128xf32>
    %slice3A_286 = vector.extract_strided_slice %tanh3A_186 {offsets = [0, 1280], sizes = [128, 128], strides = [1, 1]} : vector<128x2048xf32> to vector<128x128xf32>
    %get3A_287 = arith.constant 0 : index
    %get3A_288 = arith.constant 0 : index
    %get3A_289 = arith.constant 1280 : index
    %get3A_290 = vector.load %arg8[%get3A_287, %get3A_288, %get3A_289] : memref<1x1x2048xf32, #tpu.memory_space<vmem>>, vector<1x1x128xf32>
    %get3A_291 = vector.shape_cast %get3A_290 : vector<1x1x128xf32> to vector<128xf32>
    %broadcast_in_dim3A_292 = vector.shape_cast %get3A_291 : vector<128xf32> to vector<1x128xf32>
    %mul3A_293 = vector.broadcast %broadcast_in_dim3A_292 : vector<1x128xf32> to vector<128x128xf32>
    %mul3A_294 = arith.mulf %slice3A_286, %mul3A_293 : vector<128x128xf32>
    %add3A_295 = arith.addf %add3A_285, %mul3A_294 : vector<128x128xf32>
    %slice3A_296 = vector.extract_strided_slice %tanh3A_186 {offsets = [0, 1408], sizes = [128, 128], strides = [1, 1]} : vector<128x2048xf32> to vector<128x128xf32>
    %get3A_297 = arith.constant 0 : index
    %get3A_298 = arith.constant 0 : index
    %get3A_299 = arith.constant 1408 : index
    %get3A_300 = vector.load %arg8[%get3A_297, %get3A_298, %get3A_299] : memref<1x1x2048xf32, #tpu.memory_space<vmem>>, vector<1x1x128xf32>
    %get3A_301 = vector.shape_cast %get3A_300 : vector<1x1x128xf32> to vector<128xf32>
    %broadcast_in_dim3A_302 = vector.shape_cast %get3A_301 : vector<128xf32> to vector<1x128xf32>
    %mul3A_303 = vector.broadcast %broadcast_in_dim3A_302 : vector<1x128xf32> to vector<128x128xf32>
    %mul3A_304 = arith.mulf %slice3A_296, %mul3A_303 : vector<128x128xf32>
    %add3A_305 = arith.addf %add3A_295, %mul3A_304 : vector<128x128xf32>
    %slice3A_306 = vector.extract_strided_slice %tanh3A_186 {offsets = [0, 1536], sizes = [128, 128], strides = [1, 1]} : vector<128x2048xf32> to vector<128x128xf32>
    %get3A_307 = arith.constant 0 : index
    %get3A_308 = arith.constant 0 : index
    %get3A_309 = arith.constant 1536 : index
    %get3A_310 = vector.load %arg8[%get3A_307, %get3A_308, %get3A_309] : memref<1x1x2048xf32, #tpu.memory_space<vmem>>, vector<1x1x128xf32>
    %get3A_311 = vector.shape_cast %get3A_310 : vector<1x1x128xf32> to vector<128xf32>
    %broadcast_in_dim3A_312 = vector.shape_cast %get3A_311 : vector<128xf32> to vector<1x128xf32>
    %mul3A_313 = vector.broadcast %broadcast_in_dim3A_312 : vector<1x128xf32> to vector<128x128xf32>
    %mul3A_314 = arith.mulf %slice3A_306, %mul3A_313 : vector<128x128xf32>
    %add3A_315 = arith.addf %add3A_305, %mul3A_314 : vector<128x128xf32>
    %slice3A_316 = vector.extract_strided_slice %tanh3A_186 {offsets = [0, 1664], sizes = [128, 128], strides = [1, 1]} : vector<128x2048xf32> to vector<128x128xf32>
    %get3A_317 = arith.constant 0 : index
    %get3A_318 = arith.constant 0 : index
    %get3A_319 = arith.constant 1664 : index
    %get3A_320 = vector.load %arg8[%get3A_317, %get3A_318, %get3A_319] : memref<1x1x2048xf32, #tpu.memory_space<vmem>>, vector<1x1x128xf32>
    %get3A_321 = vector.shape_cast %get3A_320 : vector<1x1x128xf32> to vector<128xf32>
    %broadcast_in_dim3A_322 = vector.shape_cast %get3A_321 : vector<128xf32> to vector<1x128xf32>
    %mul3A_323 = vector.broadcast %broadcast_in_dim3A_322 : vector<1x128xf32> to vector<128x128xf32>
    %mul3A_324 = arith.mulf %slice3A_316, %mul3A_323 : vector<128x128xf32>
    %add3A_325 = arith.addf %add3A_315, %mul3A_324 : vector<128x128xf32>
    %slice3A_326 = vector.extract_strided_slice %tanh3A_186 {offsets = [0, 1792], sizes = [128, 128], strides = [1, 1]} : vector<128x2048xf32> to vector<128x128xf32>
    %get3A_327 = arith.constant 0 : index
    %get3A_328 = arith.constant 0 : index
    %get3A_329 = arith.constant 1792 : index
    %get3A_330 = vector.load %arg8[%get3A_327, %get3A_328, %get3A_329] : memref<1x1x2048xf32, #tpu.memory_space<vmem>>, vector<1x1x128xf32>
    %get3A_331 = vector.shape_cast %get3A_330 : vector<1x1x128xf32> to vector<128xf32>
    %broadcast_in_dim3A_332 = vector.shape_cast %get3A_331 : vector<128xf32> to vector<1x128xf32>
    %mul3A_333 = vector.broadcast %broadcast_in_dim3A_332 : vector<1x128xf32> to vector<128x128xf32>
    %mul3A_334 = arith.mulf %slice3A_326, %mul3A_333 : vector<128x128xf32>
    %add3A_335 = arith.addf %add3A_325, %mul3A_334 : vector<128x128xf32>
    %slice3A_336 = vector.extract_strided_slice %tanh3A_186 {offsets = [0, 1920], sizes = [128, 128], strides = [1, 1]} : vector<128x2048xf32> to vector<128x128xf32>
    %get3A_337 = arith.constant 0 : index
    %get3A_338 = arith.constant 0 : index
    %get3A_339 = arith.constant 1920 : index
    %get3A_340 = vector.load %arg8[%get3A_337, %get3A_338, %get3A_339] : memref<1x1x2048xf32, #tpu.memory_space<vmem>>, vector<1x1x128xf32>
    %get3A_341 = vector.shape_cast %get3A_340 : vector<1x1x128xf32> to vector<128xf32>
    %broadcast_in_dim3A_342 = vector.shape_cast %get3A_341 : vector<128xf32> to vector<1x128xf32>
    %mul3A_343 = vector.broadcast %broadcast_in_dim3A_342 : vector<1x128xf32> to vector<128x128xf32>
    %mul3A_344 = arith.mulf %slice3A_336, %mul3A_343 : vector<128x128xf32>
    %add3A_345 = arith.addf %add3A_335, %mul3A_344 : vector<128x128xf32>
    %reduce_sum3A_346 = arith.constant dense<0.000000e+00> : vector<128xf32>
    %reduce_sum3A_347 = vector.multi_reduction <add>, %add3A_345, %reduce_sum3A_346 [1] : vector<128x128xf32> to vector<128xf32>
    %broadcast_in_dim3A_348 = vector.shape_cast %reduce_sum3A_347 : vector<128xf32> to vector<128x1xf32>
    %get3A_349 = arith.constant 256 : index
    %get3A_350 = arith.constant 0 : index
    %get3A_351 = vector.load %arg5[%get3A_349, %get3A_350] : memref<512x1024xf32, #tpu.memory_space<vmem>>, vector<128x1024xf32>
    %convert_element_type3A_352 = arith.truncf %get3A_351 : vector<128x1024xf32> to vector<128x1024xbf16>
    %dot_general3A_353 = arith.constant dense<0.000000e+00> : vector<128x2048xf32>
    %dot_general3A_354 = tpu.matmul %convert_element_type3A_352, %convert_element_type3A, %dot_general3A_353 {dimension_numbers = #tpu.dot_dimension_numbers<[1], [0], [0], [1], [0, 0, 1, 1], [], []>, transpose_lhs_hint = false} : vector<128x1024xbf16>, vector<1024x2048xbf16>, vector<128x2048xf32> -> vector<128x2048xf32>
    %add3A_355 = vector.broadcast %broadcast_in_dim3A : vector<1x2048xf32> to vector<128x2048xf32>
    %add3A_356 = arith.addf %dot_general3A_354, %add3A_355 : vector<128x2048xf32>
    %tanh3A_357 = math.tanh %add3A_356 : vector<128x2048xf32>
    %slice3A_358 = vector.extract_strided_slice %tanh3A_357 {offsets = [0, 0], sizes = [128, 128], strides = [1, 1]} : vector<128x2048xf32> to vector<128x128xf32>
    %get3A_359 = arith.constant 0 : index
    %get3A_360 = arith.constant 0 : index
    %get3A_361 = arith.constant 0 : index
    %get3A_362 = vector.load %arg8[%get3A_359, %get3A_360, %get3A_361] : memref<1x1x2048xf32, #tpu.memory_space<vmem>>, vector<1x1x128xf32>
    %get3A_363 = vector.shape_cast %get3A_362 : vector<1x1x128xf32> to vector<128xf32>
    %broadcast_in_dim3A_364 = vector.shape_cast %get3A_363 : vector<128xf32> to vector<1x128xf32>
    %mul3A_365 = vector.broadcast %broadcast_in_dim3A_364 : vector<1x128xf32> to vector<128x128xf32>
    %mul3A_366 = arith.mulf %slice3A_358, %mul3A_365 : vector<128x128xf32>
    %slice3A_367 = vector.extract_strided_slice %tanh3A_357 {offsets = [0, 128], sizes = [128, 128], strides = [1, 1]} : vector<128x2048xf32> to vector<128x128xf32>
    %get3A_368 = arith.constant 0 : index
    %get3A_369 = arith.constant 0 : index
    %get3A_370 = arith.constant 128 : index
    %get3A_371 = vector.load %arg8[%get3A_368, %get3A_369, %get3A_370] : memref<1x1x2048xf32, #tpu.memory_space<vmem>>, vector<1x1x128xf32>
    %get3A_372 = vector.shape_cast %get3A_371 : vector<1x1x128xf32> to vector<128xf32>
    %broadcast_in_dim3A_373 = vector.shape_cast %get3A_372 : vector<128xf32> to vector<1x128xf32>
    %mul3A_374 = vector.broadcast %broadcast_in_dim3A_373 : vector<1x128xf32> to vector<128x128xf32>
    %mul3A_375 = arith.mulf %slice3A_367, %mul3A_374 : vector<128x128xf32>
    %add3A_376 = arith.addf %mul3A_366, %mul3A_375 : vector<128x128xf32>
    %slice3A_377 = vector.extract_strided_slice %tanh3A_357 {offsets = [0, 256], sizes = [128, 128], strides = [1, 1]} : vector<128x2048xf32> to vector<128x128xf32>
    %get3A_378 = arith.constant 0 : index
    %get3A_379 = arith.constant 0 : index
    %get3A_380 = arith.constant 256 : index
    %get3A_381 = vector.load %arg8[%get3A_378, %get3A_379, %get3A_380] : memref<1x1x2048xf32, #tpu.memory_space<vmem>>, vector<1x1x128xf32>
    %get3A_382 = vector.shape_cast %get3A_381 : vector<1x1x128xf32> to vector<128xf32>
    %broadcast_in_dim3A_383 = vector.shape_cast %get3A_382 : vector<128xf32> to vector<1x128xf32>
    %mul3A_384 = vector.broadcast %broadcast_in_dim3A_383 : vector<1x128xf32> to vector<128x128xf32>
    %mul3A_385 = arith.mulf %slice3A_377, %mul3A_384 : vector<128x128xf32>
    %add3A_386 = arith.addf %add3A_376, %mul3A_385 : vector<128x128xf32>
    %slice3A_387 = vector.extract_strided_slice %tanh3A_357 {offsets = [0, 384], sizes = [128, 128], strides = [1, 1]} : vector<128x2048xf32> to vector<128x128xf32>
    %get3A_388 = arith.constant 0 : index
    %get3A_389 = arith.constant 0 : index
    %get3A_390 = arith.constant 384 : index
    %get3A_391 = vector.load %arg8[%get3A_388, %get3A_389, %get3A_390] : memref<1x1x2048xf32, #tpu.memory_space<vmem>>, vector<1x1x128xf32>
    %get3A_392 = vector.shape_cast %get3A_391 : vector<1x1x128xf32> to vector<128xf32>
    %broadcast_in_dim3A_393 = vector.shape_cast %get3A_392 : vector<128xf32> to vector<1x128xf32>
    %mul3A_394 = vector.broadcast %broadcast_in_dim3A_393 : vector<1x128xf32> to vector<128x128xf32>
    %mul3A_395 = arith.mulf %slice3A_387, %mul3A_394 : vector<128x128xf32>
    %add3A_396 = arith.addf %add3A_386, %mul3A_395 : vector<128x128xf32>
    %slice3A_397 = vector.extract_strided_slice %tanh3A_357 {offsets = [0, 512], sizes = [128, 128], strides = [1, 1]} : vector<128x2048xf32> to vector<128x128xf32>
    %get3A_398 = arith.constant 0 : index
    %get3A_399 = arith.constant 0 : index
    %get3A_400 = arith.constant 512 : index
    %get3A_401 = vector.load %arg8[%get3A_398, %get3A_399, %get3A_400] : memref<1x1x2048xf32, #tpu.memory_space<vmem>>, vector<1x1x128xf32>
    %get3A_402 = vector.shape_cast %get3A_401 : vector<1x1x128xf32> to vector<128xf32>
    %broadcast_in_dim3A_403 = vector.shape_cast %get3A_402 : vector<128xf32> to vector<1x128xf32>
    %mul3A_404 = vector.broadcast %broadcast_in_dim3A_403 : vector<1x128xf32> to vector<128x128xf32>
    %mul3A_405 = arith.mulf %slice3A_397, %mul3A_404 : vector<128x128xf32>
    %add3A_406 = arith.addf %add3A_396, %mul3A_405 : vector<128x128xf32>
    %slice3A_407 = vector.extract_strided_slice %tanh3A_357 {offsets = [0, 640], sizes = [128, 128], strides = [1, 1]} : vector<128x2048xf32> to vector<128x128xf32>
    %get3A_408 = arith.constant 0 : index
    %get3A_409 = arith.constant 0 : index
    %get3A_410 = arith.constant 640 : index
    %get3A_411 = vector.load %arg8[%get3A_408, %get3A_409, %get3A_410] : memref<1x1x2048xf32, #tpu.memory_space<vmem>>, vector<1x1x128xf32>
    %get3A_412 = vector.shape_cast %get3A_411 : vector<1x1x128xf32> to vector<128xf32>
    %broadcast_in_dim3A_413 = vector.shape_cast %get3A_412 : vector<128xf32> to vector<1x128xf32>
    %mul3A_414 = vector.broadcast %broadcast_in_dim3A_413 : vector<1x128xf32> to vector<128x128xf32>
    %mul3A_415 = arith.mulf %slice3A_407, %mul3A_414 : vector<128x128xf32>
    %add3A_416 = arith.addf %add3A_406, %mul3A_415 : vector<128x128xf32>
    %slice3A_417 = vector.extract_strided_slice %tanh3A_357 {offsets = [0, 768], sizes = [128, 128], strides = [1, 1]} : vector<128x2048xf32> to vector<128x128xf32>
    %get3A_418 = arith.constant 0 : index
    %get3A_419 = arith.constant 0 : index
    %get3A_420 = arith.constant 768 : index
    %get3A_421 = vector.load %arg8[%get3A_418, %get3A_419, %get3A_420] : memref<1x1x2048xf32, #tpu.memory_space<vmem>>, vector<1x1x128xf32>
    %get3A_422 = vector.shape_cast %get3A_421 : vector<1x1x128xf32> to vector<128xf32>
    %broadcast_in_dim3A_423 = vector.shape_cast %get3A_422 : vector<128xf32> to vector<1x128xf32>
    %mul3A_424 = vector.broadcast %broadcast_in_dim3A_423 : vector<1x128xf32> to vector<128x128xf32>
    %mul3A_425 = arith.mulf %slice3A_417, %mul3A_424 : vector<128x128xf32>
    %add3A_426 = arith.addf %add3A_416, %mul3A_425 : vector<128x128xf32>
    %slice3A_427 = vector.extract_strided_slice %tanh3A_357 {offsets = [0, 896], sizes = [128, 128], strides = [1, 1]} : vector<128x2048xf32> to vector<128x128xf32>
    %get3A_428 = arith.constant 0 : index
    %get3A_429 = arith.constant 0 : index
    %get3A_430 = arith.constant 896 : index
    %get3A_431 = vector.load %arg8[%get3A_428, %get3A_429, %get3A_430] : memref<1x1x2048xf32, #tpu.memory_space<vmem>>, vector<1x1x128xf32>
    %get3A_432 = vector.shape_cast %get3A_431 : vector<1x1x128xf32> to vector<128xf32>
    %broadcast_in_dim3A_433 = vector.shape_cast %get3A_432 : vector<128xf32> to vector<1x128xf32>
    %mul3A_434 = vector.broadcast %broadcast_in_dim3A_433 : vector<1x128xf32> to vector<128x128xf32>
    %mul3A_435 = arith.mulf %slice3A_427, %mul3A_434 : vector<128x128xf32>
    %add3A_436 = arith.addf %add3A_426, %mul3A_435 : vector<128x128xf32>
    %slice3A_437 = vector.extract_strided_slice %tanh3A_357 {offsets = [0, 1024], sizes = [128, 128], strides = [1, 1]} : vector<128x2048xf32> to vector<128x128xf32>
    %get3A_438 = arith.constant 0 : index
    %get3A_439 = arith.constant 0 : index
    %get3A_440 = arith.constant 1024 : index
    %get3A_441 = vector.load %arg8[%get3A_438, %get3A_439, %get3A_440] : memref<1x1x2048xf32, #tpu.memory_space<vmem>>, vector<1x1x128xf32>
    %get3A_442 = vector.shape_cast %get3A_441 : vector<1x1x128xf32> to vector<128xf32>
    %broadcast_in_dim3A_443 = vector.shape_cast %get3A_442 : vector<128xf32> to vector<1x128xf32>
    %mul3A_444 = vector.broadcast %broadcast_in_dim3A_443 : vector<1x128xf32> to vector<128x128xf32>
    %mul3A_445 = arith.mulf %slice3A_437, %mul3A_444 : vector<128x128xf32>
    %add3A_446 = arith.addf %add3A_436, %mul3A_445 : vector<128x128xf32>
    %slice3A_447 = vector.extract_strided_slice %tanh3A_357 {offsets = [0, 1152], sizes = [128, 128], strides = [1, 1]} : vector<128x2048xf32> to vector<128x128xf32>
    %get3A_448 = arith.constant 0 : index
    %get3A_449 = arith.constant 0 : index
    %get3A_450 = arith.constant 1152 : index
    %get3A_451 = vector.load %arg8[%get3A_448, %get3A_449, %get3A_450] : memref<1x1x2048xf32, #tpu.memory_space<vmem>>, vector<1x1x128xf32>
    %get3A_452 = vector.shape_cast %get3A_451 : vector<1x1x128xf32> to vector<128xf32>
    %broadcast_in_dim3A_453 = vector.shape_cast %get3A_452 : vector<128xf32> to vector<1x128xf32>
    %mul3A_454 = vector.broadcast %broadcast_in_dim3A_453 : vector<1x128xf32> to vector<128x128xf32>
    %mul3A_455 = arith.mulf %slice3A_447, %mul3A_454 : vector<128x128xf32>
    %add3A_456 = arith.addf %add3A_446, %mul3A_455 : vector<128x128xf32>
    %slice3A_457 = vector.extract_strided_slice %tanh3A_357 {offsets = [0, 1280], sizes = [128, 128], strides = [1, 1]} : vector<128x2048xf32> to vector<128x128xf32>
    %get3A_458 = arith.constant 0 : index
    %get3A_459 = arith.constant 0 : index
    %get3A_460 = arith.constant 1280 : index
    %get3A_461 = vector.load %arg8[%get3A_458, %get3A_459, %get3A_460] : memref<1x1x2048xf32, #tpu.memory_space<vmem>>, vector<1x1x128xf32>
    %get3A_462 = vector.shape_cast %get3A_461 : vector<1x1x128xf32> to vector<128xf32>
    %broadcast_in_dim3A_463 = vector.shape_cast %get3A_462 : vector<128xf32> to vector<1x128xf32>
    %mul3A_464 = vector.broadcast %broadcast_in_dim3A_463 : vector<1x128xf32> to vector<128x128xf32>
    %mul3A_465 = arith.mulf %slice3A_457, %mul3A_464 : vector<128x128xf32>
    %add3A_466 = arith.addf %add3A_456, %mul3A_465 : vector<128x128xf32>
    %slice3A_467 = vector.extract_strided_slice %tanh3A_357 {offsets = [0, 1408], sizes = [128, 128], strides = [1, 1]} : vector<128x2048xf32> to vector<128x128xf32>
    %get3A_468 = arith.constant 0 : index
    %get3A_469 = arith.constant 0 : index
    %get3A_470 = arith.constant 1408 : index
    %get3A_471 = vector.load %arg8[%get3A_468, %get3A_469, %get3A_470] : memref<1x1x2048xf32, #tpu.memory_space<vmem>>, vector<1x1x128xf32>
    %get3A_472 = vector.shape_cast %get3A_471 : vector<1x1x128xf32> to vector<128xf32>
    %broadcast_in_dim3A_473 = vector.shape_cast %get3A_472 : vector<128xf32> to vector<1x128xf32>
    %mul3A_474 = vector.broadcast %broadcast_in_dim3A_473 : vector<1x128xf32> to vector<128x128xf32>
    %mul3A_475 = arith.mulf %slice3A_467, %mul3A_474 : vector<128x128xf32>
    %add3A_476 = arith.addf %add3A_466, %mul3A_475 : vector<128x128xf32>
    %slice3A_477 = vector.extract_strided_slice %tanh3A_357 {offsets = [0, 1536], sizes = [128, 128], strides = [1, 1]} : vector<128x2048xf32> to vector<128x128xf32>
    %get3A_478 = arith.constant 0 : index
    %get3A_479 = arith.constant 0 : index
    %get3A_480 = arith.constant 1536 : index
    %get3A_481 = vector.load %arg8[%get3A_478, %get3A_479, %get3A_480] : memref<1x1x2048xf32, #tpu.memory_space<vmem>>, vector<1x1x128xf32>
    %get3A_482 = vector.shape_cast %get3A_481 : vector<1x1x128xf32> to vector<128xf32>
    %broadcast_in_dim3A_483 = vector.shape_cast %get3A_482 : vector<128xf32> to vector<1x128xf32>
    %mul3A_484 = vector.broadcast %broadcast_in_dim3A_483 : vector<1x128xf32> to vector<128x128xf32>
    %mul3A_485 = arith.mulf %slice3A_477, %mul3A_484 : vector<128x128xf32>
    %add3A_486 = arith.addf %add3A_476, %mul3A_485 : vector<128x128xf32>
    %slice3A_487 = vector.extract_strided_slice %tanh3A_357 {offsets = [0, 1664], sizes = [128, 128], strides = [1, 1]} : vector<128x2048xf32> to vector<128x128xf32>
    %get3A_488 = arith.constant 0 : index
    %get3A_489 = arith.constant 0 : index
    %get3A_490 = arith.constant 1664 : index
    %get3A_491 = vector.load %arg8[%get3A_488, %get3A_489, %get3A_490] : memref<1x1x2048xf32, #tpu.memory_space<vmem>>, vector<1x1x128xf32>
    %get3A_492 = vector.shape_cast %get3A_491 : vector<1x1x128xf32> to vector<128xf32>
    %broadcast_in_dim3A_493 = vector.shape_cast %get3A_492 : vector<128xf32> to vector<1x128xf32>
    %mul3A_494 = vector.broadcast %broadcast_in_dim3A_493 : vector<1x128xf32> to vector<128x128xf32>
    %mul3A_495 = arith.mulf %slice3A_487, %mul3A_494 : vector<128x128xf32>
    %add3A_496 = arith.addf %add3A_486, %mul3A_495 : vector<128x128xf32>
    %slice3A_497 = vector.extract_strided_slice %tanh3A_357 {offsets = [0, 1792], sizes = [128, 128], strides = [1, 1]} : vector<128x2048xf32> to vector<128x128xf32>
    %get3A_498 = arith.constant 0 : index
    %get3A_499 = arith.constant 0 : index
    %get3A_500 = arith.constant 1792 : index
    %get3A_501 = vector.load %arg8[%get3A_498, %get3A_499, %get3A_500] : memref<1x1x2048xf32, #tpu.memory_space<vmem>>, vector<1x1x128xf32>
    %get3A_502 = vector.shape_cast %get3A_501 : vector<1x1x128xf32> to vector<128xf32>
    %broadcast_in_dim3A_503 = vector.shape_cast %get3A_502 : vector<128xf32> to vector<1x128xf32>
    %mul3A_504 = vector.broadcast %broadcast_in_dim3A_503 : vector<1x128xf32> to vector<128x128xf32>
    %mul3A_505 = arith.mulf %slice3A_497, %mul3A_504 : vector<128x128xf32>
    %add3A_506 = arith.addf %add3A_496, %mul3A_505 : vector<128x128xf32>
    %slice3A_507 = vector.extract_strided_slice %tanh3A_357 {offsets = [0, 1920], sizes = [128, 128], strides = [1, 1]} : vector<128x2048xf32> to vector<128x128xf32>
    %get3A_508 = arith.constant 0 : index
    %get3A_509 = arith.constant 0 : index
    %get3A_510 = arith.constant 1920 : index
    %get3A_511 = vector.load %arg8[%get3A_508, %get3A_509, %get3A_510] : memref<1x1x2048xf32, #tpu.memory_space<vmem>>, vector<1x1x128xf32>
    %get3A_512 = vector.shape_cast %get3A_511 : vector<1x1x128xf32> to vector<128xf32>
    %broadcast_in_dim3A_513 = vector.shape_cast %get3A_512 : vector<128xf32> to vector<1x128xf32>
    %mul3A_514 = vector.broadcast %broadcast_in_dim3A_513 : vector<1x128xf32> to vector<128x128xf32>
    %mul3A_515 = arith.mulf %slice3A_507, %mul3A_514 : vector<128x128xf32>
    %add3A_516 = arith.addf %add3A_506, %mul3A_515 : vector<128x128xf32>
    %reduce_sum3A_517 = arith.constant dense<0.000000e+00> : vector<128xf32>
    %reduce_sum3A_518 = vector.multi_reduction <add>, %add3A_516, %reduce_sum3A_517 [1] : vector<128x128xf32> to vector<128xf32>
    %broadcast_in_dim3A_519 = vector.shape_cast %reduce_sum3A_518 : vector<128xf32> to vector<128x1xf32>
    %get3A_520 = arith.constant 384 : index
    %get3A_521 = arith.constant 0 : index
    %get3A_522 = vector.load %arg5[%get3A_520, %get3A_521] : memref<512x1024xf32, #tpu.memory_space<vmem>>, vector<128x1024xf32>
    %convert_element_type3A_523 = arith.truncf %get3A_522 : vector<128x1024xf32> to vector<128x1024xbf16>
    %dot_general3A_524 = arith.constant dense<0.000000e+00> : vector<128x2048xf32>
    %dot_general3A_525 = tpu.matmul %convert_element_type3A_523, %convert_element_type3A, %dot_general3A_524 {dimension_numbers = #tpu.dot_dimension_numbers<[1], [0], [0], [1], [0, 0, 1, 1], [], []>, transpose_lhs_hint = false} : vector<128x1024xbf16>, vector<1024x2048xbf16>, vector<128x2048xf32> -> vector<128x2048xf32>
    %add3A_526 = vector.broadcast %broadcast_in_dim3A : vector<1x2048xf32> to vector<128x2048xf32>
    %add3A_527 = arith.addf %dot_general3A_525, %add3A_526 : vector<128x2048xf32>
    %tanh3A_528 = math.tanh %add3A_527 : vector<128x2048xf32>
    %slice3A_529 = vector.extract_strided_slice %tanh3A_528 {offsets = [0, 0], sizes = [128, 128], strides = [1, 1]} : vector<128x2048xf32> to vector<128x128xf32>
    %get3A_530 = arith.constant 0 : index
    %get3A_531 = arith.constant 0 : index
    %get3A_532 = arith.constant 0 : index
    %get3A_533 = vector.load %arg8[%get3A_530, %get3A_531, %get3A_532] : memref<1x1x2048xf32, #tpu.memory_space<vmem>>, vector<1x1x128xf32>
    %get3A_534 = vector.shape_cast %get3A_533 : vector<1x1x128xf32> to vector<128xf32>
    %broadcast_in_dim3A_535 = vector.shape_cast %get3A_534 : vector<128xf32> to vector<1x128xf32>
    %mul3A_536 = vector.broadcast %broadcast_in_dim3A_535 : vector<1x128xf32> to vector<128x128xf32>
    %mul3A_537 = arith.mulf %slice3A_529, %mul3A_536 : vector<128x128xf32>
    %slice3A_538 = vector.extract_strided_slice %tanh3A_528 {offsets = [0, 128], sizes = [128, 128], strides = [1, 1]} : vector<128x2048xf32> to vector<128x128xf32>
    %get3A_539 = arith.constant 0 : index
    %get3A_540 = arith.constant 0 : index
    %get3A_541 = arith.constant 128 : index
    %get3A_542 = vector.load %arg8[%get3A_539, %get3A_540, %get3A_541] : memref<1x1x2048xf32, #tpu.memory_space<vmem>>, vector<1x1x128xf32>
    %get3A_543 = vector.shape_cast %get3A_542 : vector<1x1x128xf32> to vector<128xf32>
    %broadcast_in_dim3A_544 = vector.shape_cast %get3A_543 : vector<128xf32> to vector<1x128xf32>
    %mul3A_545 = vector.broadcast %broadcast_in_dim3A_544 : vector<1x128xf32> to vector<128x128xf32>
    %mul3A_546 = arith.mulf %slice3A_538, %mul3A_545 : vector<128x128xf32>
    %add3A_547 = arith.addf %mul3A_537, %mul3A_546 : vector<128x128xf32>
    %slice3A_548 = vector.extract_strided_slice %tanh3A_528 {offsets = [0, 256], sizes = [128, 128], strides = [1, 1]} : vector<128x2048xf32> to vector<128x128xf32>
    %get3A_549 = arith.constant 0 : index
    %get3A_550 = arith.constant 0 : index
    %get3A_551 = arith.constant 256 : index
    %get3A_552 = vector.load %arg8[%get3A_549, %get3A_550, %get3A_551] : memref<1x1x2048xf32, #tpu.memory_space<vmem>>, vector<1x1x128xf32>
    %get3A_553 = vector.shape_cast %get3A_552 : vector<1x1x128xf32> to vector<128xf32>
    %broadcast_in_dim3A_554 = vector.shape_cast %get3A_553 : vector<128xf32> to vector<1x128xf32>
    %mul3A_555 = vector.broadcast %broadcast_in_dim3A_554 : vector<1x128xf32> to vector<128x128xf32>
    %mul3A_556 = arith.mulf %slice3A_548, %mul3A_555 : vector<128x128xf32>
    %add3A_557 = arith.addf %add3A_547, %mul3A_556 : vector<128x128xf32>
    %slice3A_558 = vector.extract_strided_slice %tanh3A_528 {offsets = [0, 384], sizes = [128, 128], strides = [1, 1]} : vector<128x2048xf32> to vector<128x128xf32>
    %get3A_559 = arith.constant 0 : index
    %get3A_560 = arith.constant 0 : index
    %get3A_561 = arith.constant 384 : index
    %get3A_562 = vector.load %arg8[%get3A_559, %get3A_560, %get3A_561] : memref<1x1x2048xf32, #tpu.memory_space<vmem>>, vector<1x1x128xf32>
    %get3A_563 = vector.shape_cast %get3A_562 : vector<1x1x128xf32> to vector<128xf32>
    %broadcast_in_dim3A_564 = vector.shape_cast %get3A_563 : vector<128xf32> to vector<1x128xf32>
    %mul3A_565 = vector.broadcast %broadcast_in_dim3A_564 : vector<1x128xf32> to vector<128x128xf32>
    %mul3A_566 = arith.mulf %slice3A_558, %mul3A_565 : vector<128x128xf32>
    %add3A_567 = arith.addf %add3A_557, %mul3A_566 : vector<128x128xf32>
    %slice3A_568 = vector.extract_strided_slice %tanh3A_528 {offsets = [0, 512], sizes = [128, 128], strides = [1, 1]} : vector<128x2048xf32> to vector<128x128xf32>
    %get3A_569 = arith.constant 0 : index
    %get3A_570 = arith.constant 0 : index
    %get3A_571 = arith.constant 512 : index
    %get3A_572 = vector.load %arg8[%get3A_569, %get3A_570, %get3A_571] : memref<1x1x2048xf32, #tpu.memory_space<vmem>>, vector<1x1x128xf32>
    %get3A_573 = vector.shape_cast %get3A_572 : vector<1x1x128xf32> to vector<128xf32>
    %broadcast_in_dim3A_574 = vector.shape_cast %get3A_573 : vector<128xf32> to vector<1x128xf32>
    %mul3A_575 = vector.broadcast %broadcast_in_dim3A_574 : vector<1x128xf32> to vector<128x128xf32>
    %mul3A_576 = arith.mulf %slice3A_568, %mul3A_575 : vector<128x128xf32>
    %add3A_577 = arith.addf %add3A_567, %mul3A_576 : vector<128x128xf32>
    %slice3A_578 = vector.extract_strided_slice %tanh3A_528 {offsets = [0, 640], sizes = [128, 128], strides = [1, 1]} : vector<128x2048xf32> to vector<128x128xf32>
    %get3A_579 = arith.constant 0 : index
    %get3A_580 = arith.constant 0 : index
    %get3A_581 = arith.constant 640 : index
    %get3A_582 = vector.load %arg8[%get3A_579, %get3A_580, %get3A_581] : memref<1x1x2048xf32, #tpu.memory_space<vmem>>, vector<1x1x128xf32>
    %get3A_583 = vector.shape_cast %get3A_582 : vector<1x1x128xf32> to vector<128xf32>
    %broadcast_in_dim3A_584 = vector.shape_cast %get3A_583 : vector<128xf32> to vector<1x128xf32>
    %mul3A_585 = vector.broadcast %broadcast_in_dim3A_584 : vector<1x128xf32> to vector<128x128xf32>
    %mul3A_586 = arith.mulf %slice3A_578, %mul3A_585 : vector<128x128xf32>
    %add3A_587 = arith.addf %add3A_577, %mul3A_586 : vector<128x128xf32>
    %slice3A_588 = vector.extract_strided_slice %tanh3A_528 {offsets = [0, 768], sizes = [128, 128], strides = [1, 1]} : vector<128x2048xf32> to vector<128x128xf32>
    %get3A_589 = arith.constant 0 : index
    %get3A_590 = arith.constant 0 : index
    %get3A_591 = arith.constant 768 : index
    %get3A_592 = vector.load %arg8[%get3A_589, %get3A_590, %get3A_591] : memref<1x1x2048xf32, #tpu.memory_space<vmem>>, vector<1x1x128xf32>
    %get3A_593 = vector.shape_cast %get3A_592 : vector<1x1x128xf32> to vector<128xf32>
    %broadcast_in_dim3A_594 = vector.shape_cast %get3A_593 : vector<128xf32> to vector<1x128xf32>
    %mul3A_595 = vector.broadcast %broadcast_in_dim3A_594 : vector<1x128xf32> to vector<128x128xf32>
    %mul3A_596 = arith.mulf %slice3A_588, %mul3A_595 : vector<128x128xf32>
    %add3A_597 = arith.addf %add3A_587, %mul3A_596 : vector<128x128xf32>
    %slice3A_598 = vector.extract_strided_slice %tanh3A_528 {offsets = [0, 896], sizes = [128, 128], strides = [1, 1]} : vector<128x2048xf32> to vector<128x128xf32>
    %get3A_599 = arith.constant 0 : index
    %get3A_600 = arith.constant 0 : index
    %get3A_601 = arith.constant 896 : index
    %get3A_602 = vector.load %arg8[%get3A_599, %get3A_600, %get3A_601] : memref<1x1x2048xf32, #tpu.memory_space<vmem>>, vector<1x1x128xf32>
    %get3A_603 = vector.shape_cast %get3A_602 : vector<1x1x128xf32> to vector<128xf32>
    %broadcast_in_dim3A_604 = vector.shape_cast %get3A_603 : vector<128xf32> to vector<1x128xf32>
    %mul3A_605 = vector.broadcast %broadcast_in_dim3A_604 : vector<1x128xf32> to vector<128x128xf32>
    %mul3A_606 = arith.mulf %slice3A_598, %mul3A_605 : vector<128x128xf32>
    %add3A_607 = arith.addf %add3A_597, %mul3A_606 : vector<128x128xf32>
    %slice3A_608 = vector.extract_strided_slice %tanh3A_528 {offsets = [0, 1024], sizes = [128, 128], strides = [1, 1]} : vector<128x2048xf32> to vector<128x128xf32>
    %get3A_609 = arith.constant 0 : index
    %get3A_610 = arith.constant 0 : index
    %get3A_611 = arith.constant 1024 : index
    %get3A_612 = vector.load %arg8[%get3A_609, %get3A_610, %get3A_611] : memref<1x1x2048xf32, #tpu.memory_space<vmem>>, vector<1x1x128xf32>
    %get3A_613 = vector.shape_cast %get3A_612 : vector<1x1x128xf32> to vector<128xf32>
    %broadcast_in_dim3A_614 = vector.shape_cast %get3A_613 : vector<128xf32> to vector<1x128xf32>
    %mul3A_615 = vector.broadcast %broadcast_in_dim3A_614 : vector<1x128xf32> to vector<128x128xf32>
    %mul3A_616 = arith.mulf %slice3A_608, %mul3A_615 : vector<128x128xf32>
    %add3A_617 = arith.addf %add3A_607, %mul3A_616 : vector<128x128xf32>
    %slice3A_618 = vector.extract_strided_slice %tanh3A_528 {offsets = [0, 1152], sizes = [128, 128], strides = [1, 1]} : vector<128x2048xf32> to vector<128x128xf32>
    %get3A_619 = arith.constant 0 : index
    %get3A_620 = arith.constant 0 : index
    %get3A_621 = arith.constant 1152 : index
    %get3A_622 = vector.load %arg8[%get3A_619, %get3A_620, %get3A_621] : memref<1x1x2048xf32, #tpu.memory_space<vmem>>, vector<1x1x128xf32>
    %get3A_623 = vector.shape_cast %get3A_622 : vector<1x1x128xf32> to vector<128xf32>
    %broadcast_in_dim3A_624 = vector.shape_cast %get3A_623 : vector<128xf32> to vector<1x128xf32>
    %mul3A_625 = vector.broadcast %broadcast_in_dim3A_624 : vector<1x128xf32> to vector<128x128xf32>
    %mul3A_626 = arith.mulf %slice3A_618, %mul3A_625 : vector<128x128xf32>
    %add3A_627 = arith.addf %add3A_617, %mul3A_626 : vector<128x128xf32>
    %slice3A_628 = vector.extract_strided_slice %tanh3A_528 {offsets = [0, 1280], sizes = [128, 128], strides = [1, 1]} : vector<128x2048xf32> to vector<128x128xf32>
    %get3A_629 = arith.constant 0 : index
    %get3A_630 = arith.constant 0 : index
    %get3A_631 = arith.constant 1280 : index
    %get3A_632 = vector.load %arg8[%get3A_629, %get3A_630, %get3A_631] : memref<1x1x2048xf32, #tpu.memory_space<vmem>>, vector<1x1x128xf32>
    %get3A_633 = vector.shape_cast %get3A_632 : vector<1x1x128xf32> to vector<128xf32>
    %broadcast_in_dim3A_634 = vector.shape_cast %get3A_633 : vector<128xf32> to vector<1x128xf32>
    %mul3A_635 = vector.broadcast %broadcast_in_dim3A_634 : vector<1x128xf32> to vector<128x128xf32>
    %mul3A_636 = arith.mulf %slice3A_628, %mul3A_635 : vector<128x128xf32>
    %add3A_637 = arith.addf %add3A_627, %mul3A_636 : vector<128x128xf32>
    %slice3A_638 = vector.extract_strided_slice %tanh3A_528 {offsets = [0, 1408], sizes = [128, 128], strides = [1, 1]} : vector<128x2048xf32> to vector<128x128xf32>
    %get3A_639 = arith.constant 0 : index
    %get3A_640 = arith.constant 0 : index
    %get3A_641 = arith.constant 1408 : index
    %get3A_642 = vector.load %arg8[%get3A_639, %get3A_640, %get3A_641] : memref<1x1x2048xf32, #tpu.memory_space<vmem>>, vector<1x1x128xf32>
    %get3A_643 = vector.shape_cast %get3A_642 : vector<1x1x128xf32> to vector<128xf32>
    %broadcast_in_dim3A_644 = vector.shape_cast %get3A_643 : vector<128xf32> to vector<1x128xf32>
    %mul3A_645 = vector.broadcast %broadcast_in_dim3A_644 : vector<1x128xf32> to vector<128x128xf32>
    %mul3A_646 = arith.mulf %slice3A_638, %mul3A_645 : vector<128x128xf32>
    %add3A_647 = arith.addf %add3A_637, %mul3A_646 : vector<128x128xf32>
    %slice3A_648 = vector.extract_strided_slice %tanh3A_528 {offsets = [0, 1536], sizes = [128, 128], strides = [1, 1]} : vector<128x2048xf32> to vector<128x128xf32>
    %get3A_649 = arith.constant 0 : index
    %get3A_650 = arith.constant 0 : index
    %get3A_651 = arith.constant 1536 : index
    %get3A_652 = vector.load %arg8[%get3A_649, %get3A_650, %get3A_651] : memref<1x1x2048xf32, #tpu.memory_space<vmem>>, vector<1x1x128xf32>
    %get3A_653 = vector.shape_cast %get3A_652 : vector<1x1x128xf32> to vector<128xf32>
    %broadcast_in_dim3A_654 = vector.shape_cast %get3A_653 : vector<128xf32> to vector<1x128xf32>
    %mul3A_655 = vector.broadcast %broadcast_in_dim3A_654 : vector<1x128xf32> to vector<128x128xf32>
    %mul3A_656 = arith.mulf %slice3A_648, %mul3A_655 : vector<128x128xf32>
    %add3A_657 = arith.addf %add3A_647, %mul3A_656 : vector<128x128xf32>
    %slice3A_658 = vector.extract_strided_slice %tanh3A_528 {offsets = [0, 1664], sizes = [128, 128], strides = [1, 1]} : vector<128x2048xf32> to vector<128x128xf32>
    %get3A_659 = arith.constant 0 : index
    %get3A_660 = arith.constant 0 : index
    %get3A_661 = arith.constant 1664 : index
    %get3A_662 = vector.load %arg8[%get3A_659, %get3A_660, %get3A_661] : memref<1x1x2048xf32, #tpu.memory_space<vmem>>, vector<1x1x128xf32>
    %get3A_663 = vector.shape_cast %get3A_662 : vector<1x1x128xf32> to vector<128xf32>
    %broadcast_in_dim3A_664 = vector.shape_cast %get3A_663 : vector<128xf32> to vector<1x128xf32>
    %mul3A_665 = vector.broadcast %broadcast_in_dim3A_664 : vector<1x128xf32> to vector<128x128xf32>
    %mul3A_666 = arith.mulf %slice3A_658, %mul3A_665 : vector<128x128xf32>
    %add3A_667 = arith.addf %add3A_657, %mul3A_666 : vector<128x128xf32>
    %slice3A_668 = vector.extract_strided_slice %tanh3A_528 {offsets = [0, 1792], sizes = [128, 128], strides = [1, 1]} : vector<128x2048xf32> to vector<128x128xf32>
    %get3A_669 = arith.constant 0 : index
    %get3A_670 = arith.constant 0 : index
    %get3A_671 = arith.constant 1792 : index
    %get3A_672 = vector.load %arg8[%get3A_669, %get3A_670, %get3A_671] : memref<1x1x2048xf32, #tpu.memory_space<vmem>>, vector<1x1x128xf32>
    %get3A_673 = vector.shape_cast %get3A_672 : vector<1x1x128xf32> to vector<128xf32>
    %broadcast_in_dim3A_674 = vector.shape_cast %get3A_673 : vector<128xf32> to vector<1x128xf32>
    %mul3A_675 = vector.broadcast %broadcast_in_dim3A_674 : vector<1x128xf32> to vector<128x128xf32>
    %mul3A_676 = arith.mulf %slice3A_668, %mul3A_675 : vector<128x128xf32>
    %add3A_677 = arith.addf %add3A_667, %mul3A_676 : vector<128x128xf32>
    %slice3A_678 = vector.extract_strided_slice %tanh3A_528 {offsets = [0, 1920], sizes = [128, 128], strides = [1, 1]} : vector<128x2048xf32> to vector<128x128xf32>
    %get3A_679 = arith.constant 0 : index
    %get3A_680 = arith.constant 0 : index
    %get3A_681 = arith.constant 1920 : index
    %get3A_682 = vector.load %arg8[%get3A_679, %get3A_680, %get3A_681] : memref<1x1x2048xf32, #tpu.memory_space<vmem>>, vector<1x1x128xf32>
    %get3A_683 = vector.shape_cast %get3A_682 : vector<1x1x128xf32> to vector<128xf32>
    %broadcast_in_dim3A_684 = vector.shape_cast %get3A_683 : vector<128xf32> to vector<1x128xf32>
    %mul3A_685 = vector.broadcast %broadcast_in_dim3A_684 : vector<1x128xf32> to vector<128x128xf32>
    %mul3A_686 = arith.mulf %slice3A_678, %mul3A_685 : vector<128x128xf32>
    %add3A_687 = arith.addf %add3A_677, %mul3A_686 : vector<128x128xf32>
    %reduce_sum3A_688 = arith.constant dense<0.000000e+00> : vector<128xf32>
    %reduce_sum3A_689 = vector.multi_reduction <add>, %add3A_687, %reduce_sum3A_688 [1] : vector<128x128xf32> to vector<128xf32>
    %broadcast_in_dim3A_690 = vector.shape_cast %reduce_sum3A_689 : vector<128xf32> to vector<128x1xf32>
    %concatenate3A = tpu.concatenate %broadcast_in_dim3A_177, %broadcast_in_dim3A_348, %broadcast_in_dim3A_519, %broadcast_in_dim3A_690 in 0 : vector<128x1xf32>, vector<128x1xf32>, vector<128x1xf32>, vector<128x1xf32> -> vector<512x1xf32>
    %get3A_691 = arith.index_cast %get3A_0 : i32 to index
    %get3A_692 = memref.load %arg4[%get3A_691] : memref<16xf32, #tpu.memory_space<smem>>
    %add3A_693 = vector.broadcast %get3A_692 : f32 to vector<512x1xf32>
    %add3A_694 = arith.addf %concatenate3A, %add3A_693 : vector<512x1xf32>
    %custom_jvp_call3A = arith.constant 0.000000e+00 : f32
    %max3A = vector.broadcast %custom_jvp_call3A : f32 to vector<512x1xf32>
    %max3A_695 = arith.maximumf %add3A_694, %max3A : vector<512x1xf32>
    %sub3A = vector.broadcast %custom_jvp_call3A : f32 to vector<512x1xf32>
    %sub3A_696 = arith.subf %add3A_694, %sub3A : vector<512x1xf32>
    %ne3A = arith.cmpf one, %sub3A_696, %sub3A_696 : vector<512x1xf32>
    %add3A_697 = vector.broadcast %custom_jvp_call3A : f32 to vector<512x1xf32>
    %add3A_698 = arith.addf %add3A_694, %add3A_697 : vector<512x1xf32>
    %abs3A = math.absf %sub3A_696 : vector<512x1xf32>
    %neg3A = arith.constant 0.000000e+00 : f32
    %neg3A_699 = vector.broadcast %neg3A : f32 to vector<512x1xf32>
    %neg3A_700 = arith.subf %neg3A_699, %abs3A : vector<512x1xf32>
    %exp3A = math.exp %neg3A_700 : vector<512x1xf32>
    %log1p3A = math.log1p %exp3A : vector<512x1xf32>
    %add3A_701 = arith.addf %max3A_695, %log1p3A : vector<512x1xf32>
    %select_n3A = arith.select %ne3A, %add3A_698, %add3A_701 : vector<512x1xi1>, vector<512x1xf32>
    %mul3A_702 = arith.constant 512 : i32
    %mul3A_703 = arith.muli %get3A_2, %mul3A_702 : i32
    %iota3A = tpu.iota {dimensions = array<i32: 0>} : vector<512x1xi32>
    %add3A_704 = vector.broadcast %mul3A_703 : i32 to vector<512x1xi32>
    %add3A_705 = arith.addi %add3A_704, %iota3A : vector<512x1xi32>
    %get3A_706 = arith.index_cast %get3A_0 : i32 to index
    %get3A_707 = memref.load %arg3[%get3A_706] : memref<17xi32, #tpu.memory_space<smem>>
    %ge3A = vector.broadcast %get3A_707 : i32 to vector<512x1xi32>
    %ge3A_708 = arith.cmpi sge, %add3A_705, %ge3A : vector<512x1xi32>
    %add3A_709 = arith.constant 1 : i32
    %add3A_710 = arith.addi %get3A_0, %add3A_709 : i32
    %get3A_711 = arith.index_cast %add3A_710 : i32 to index
    %get3A_712 = memref.load %arg3[%get3A_711] : memref<17xi32, #tpu.memory_space<smem>>
    %lt3A = vector.broadcast %get3A_712 : i32 to vector<512x1xi32>
    %lt3A_713 = arith.cmpi slt, %add3A_705, %lt3A : vector<512x1xi32>
    %and3A = arith.andi %ge3A_708, %lt3A_713 : vector<512x1xi1>
    %get3A_714 = arith.constant 0 : index
    %get3A_715 = arith.constant 0 : index
    %get3A_716 = vector.load %arg9[%get3A_714, %get3A_715] : memref<512x1xf32, #tpu.memory_space<vmem>>, vector<512x1xf32>
    %select_n3A_717 = arith.select %and3A, %select_n3A, %get3A_716 : vector<512x1xi1>, vector<512x1xf32>
    %swap3A = arith.constant 0 : index
    %swap3A_718 = arith.constant 0 : index
    %swap3A_719 = vector.load %arg9[%swap3A, %swap3A_718] : memref<512x1xf32, #tpu.memory_space<vmem>>, vector<512x1xf32>
    tpu.vector_store %arg9[%swap3A, %swap3A_718], %select_n3A_717 {strides = array<i32>} : memref<512x1xf32, #tpu.memory_space<vmem>>, vector<512x1xf32>,
    return
  }
  func.func @transform_0(%arg0: i32, %arg1: memref<31xi32, #tpu.memory_space<smem>>, %arg2: memref<31xi32, #tpu.memory_space<smem>>, %arg3: memref<17xi32, #tpu.memory_space<smem>>, %arg4: memref<16xf32, #tpu.memory_space<smem>>) -> (i32, i32) {
    %get3A = arith.index_cast %arg0 : i32 to index
    %get3A_0 = memref.load %arg1[%get3A] : memref<31xi32, #tpu.memory_space<smem>>
    %c0_i32 = arith.constant 0 : i32
    %c0_i32_1 = arith.constant 0 : i32
    return %get3A_0, %c0_i32 : i32, i32
  }
  func.func @transform_1(%arg0: i32, %arg1: memref<31xi32, #tpu.memory_space<smem>>, %arg2: memref<31xi32, #tpu.memory_space<smem>>, %arg3: memref<17xi32, #tpu.memory_space<smem>>, %arg4: memref<16xf32, #tpu.memory_space<smem>>) -> (i32, i32, i32) {
    %get3A = arith.index_cast %arg0 : i32 to index
    %get3A_0 = memref.load %arg2[%get3A] : memref<31xi32, #tpu.memory_space<smem>>
    %c0_i32 = arith.constant 0 : i32
    %c0_i32_1 = arith.constant 0 : i32
    %c0_i32_2 = arith.constant 0 : i32
    return %get3A_0, %c0_i32, %c0_i32_1 : i32, i32, i32
  }
  func.func @transform_2(%arg0: i32, %arg1: memref<31xi32, #tpu.memory_space<smem>>, %arg2: memref<31xi32, #tpu.memory_space<smem>>, %arg3: memref<17xi32, #tpu.memory_space<smem>>, %arg4: memref<16xf32, #tpu.memory_space<smem>>) -> (i32, i32, i32) {
    %get3A = arith.index_cast %arg0 : i32 to index
    %get3A_0 = memref.load %arg2[%get3A] : memref<31xi32, #tpu.memory_space<smem>>
    %c0_i32 = arith.constant 0 : i32
    %c0_i32_1 = arith.constant 0 : i32
    %c0_i32_2 = arith.constant 0 : i32
    return %get3A_0, %c0_i32, %c0_i32_1 : i32, i32, i32
  }
  func.func @transform_3(%arg0: i32, %arg1: memref<31xi32, #tpu.memory_space<smem>>, %arg2: memref<31xi32, #tpu.memory_space<smem>>, %arg3: memref<17xi32, #tpu.memory_space<smem>>, %arg4: memref<16xf32, #tpu.memory_space<smem>>) -> (i32, i32, i32) {
    %get3A = arith.index_cast %arg0 : i32 to index
    %get3A_0 = memref.load %arg2[%get3A] : memref<31xi32, #tpu.memory_space<smem>>
    %c0_i32 = arith.constant 0 : i32
    %c0_i32_1 = arith.constant 0 : i32
    %c0_i32_2 = arith.constant 0 : i32
    return %get3A_0, %c0_i32, %c0_i32_1 : i32, i32, i32
  }
  func.func @transform_4(%arg0: i32, %arg1: memref<31xi32, #tpu.memory_space<smem>>, %arg2: memref<31xi32, #tpu.memory_space<smem>>, %arg3: memref<17xi32, #tpu.memory_space<smem>>, %arg4: memref<16xf32, #tpu.memory_space<smem>>) -> (i32, i32) {
    %get3A = arith.index_cast %arg0 : i32 to index
    %get3A_0 = memref.load %arg1[%get3A] : memref<31xi32, #tpu.memory_space<smem>>
    %c0_i32 = arith.constant 0 : i32
    %c0_i32_1 = arith.constant 0 : i32
    return %get3A_0, %c0_i32 : i32, i32
  }
}

</mosaic_0001>

<sc_bundles>
// kernel: kernel.6.cloned.1.call-start
scs
__scs_entry_jumppad:
0x0: {  	(pc) =	sbr.rel $0x88, $3  }
0x1: {  	(tag) =	ssettag $0x0;
	lr =	simm.s32 $0x1  }
0x2: {  	[smem:$0x3F9B] =	sst lr;
	_ =	strace $0xD0000000  }
0x3: {  	_ = 	snop  }
0x4: {  	_ = 	snop  }
0x5: {  	_ = 	snop  }
0x6: {  	_ = 	snop  }
0x7: {  	_ = 	snop  }
__scs_overlays_trampoline_lowered:
0x8: {  	[smem:$0x3FAA] =	sst s0  }
0x9: {  	[smem:$0x3FAB] =	sst s1  }
0xa: {  	[smem:$0x3FAC] =	sst s2  }
0xb: {  	[smem:$0x3FAD] =	sst s3  }
0xc: {  	[smem:$0x3FAE] =	sst s4  }
0xd: {  	[smem:$0x3FAF] =	sst s5  }
0xe: {  	[smem:$0x3FB0] =	sst s6  }
0xf: {  	[smem:$0x3FB1] =	sst s7  }
0x10: {  	[smem:$0x3FB2] =	sst s8  }
0x11: {  	[smem:$0x3FB3] =	sst s9;
	s0 =	simm.s32 @!p0 $0x0  }
0x12: {  	s1 =	sld [smem:$0x3F99];
	s0 =	simm.s32 @p0 $0x1  }
0x13: {  	[smem:$0x3FB4] =	sst s0;
	s0 =	simm.s32 @!p1 $0x0  }
0x14: {  	s2 =	sld [smem:$0x3F98];
	s0 =	simm.s32 @p1 $0x1  }
0x15: {  	[smem:$0x3FB5] =	sst s0;
	s0 =	simm.s32 @!p2 $0x0  }
0x16: {  	s3 =	sld [smem:$0x3FDB];
	s0 =	simm.s32 @p2 $0x1  }
0x17: {  	s4 =	simm.s32 $0x1BF5;
	[smem:$0x3FB7] =	sst s0  }
0x18: {  	s0 =	sld [smem:$0x3F9A];
	_ =	swait.ge [sflag:s4], $0x0  }
0x19: {  	s7 =	sld [smem:$0x3F9B]  }
0x1a: {  	s8 =	sadd.s32 $0xFFFFE003, lr  }
0x1b: {  	s9 =	sadd.s32 $0xFFFFFEF7, lr;
	s5 =	simm.s32 $0xFFFFFFFF;
	p2 =	slt.u32 s8, $0xFFFFF086  }
0x1c: {  	p1 =	slt.u32 s9, $0xF7A;
	s5 =	simm.s32 @!p2 $0x0  }
0x1d: {  	s5 =	simm.s32 @p1 $0x1;
	p0 =	seq.s32 s7, s2  }
0x1e: {  	s7 =	smul.u32 @!p0 $0xF7A, s2;
	p2 =	seq.s32 @!p0 s5, $0x0  }
0x1f: {  	s9 =	smul.u32 $0xF7A, s1;
	s8 =	simm.s32 @!p0 $0x1BF5;
	p2 =	por !p2, p0  }
0x20: {  	[sflag:s8] =	ssyncset.s32 @!p0 $0xFFFFF086;
	s6 =	sadd.s32 @!p0 s3, s7;
	s7 =	simm.s32 @!p0 $0x108  }
0x21: {  	s3 =	sadd.s32 s3, s9;
	s6 =	sadd.s32 @!p0 $0x88, s6;
	s7 =	simm.s32 @p2 $0x1082  }
0x22: {  	[simem:s7], [sflag:s8] =	dma.local @!p0 [hbm:s6], $0xF7A  }
0x23: {  	s9 =	sor.u32 $0xD0000000, s2;
	s6 =	simm.s32 $0x108;
	_ =	swait.ge @!p0 [sflag:s8], $0x0  }
0x24: {  	s3 =	sadd.s32 $0x88, s3;
	s6 =	simm.s32 @!p1 $0x1082;
	[sflag:s4] =	ssyncset.s32 $0xFFFFF086  }
0x25: {  	[simem:s6], [sflag:s4] =	dma.local [hbm:s3], $0xF7A  }
0x26: {  	[smem:$0x3F9B] =	sst s1;
	(tag) =	ssettag s2;
	_ =	strace s9  }
0x27: {  	s1 =	sld [smem:$0x3FAB]  }
0x28: {  	s2 =	sld [smem:$0x3FAC]  }
0x29: {  	s4 =	sld [smem:$0x3FAE]  }
0x2a: {  	p0 =	seq.s32 s5, $0x0;
	s5 =	sld [smem:$0x3FAF]  }
0x2b: {  	s6 =	sld [smem:$0x3FB0]  }
0x2c: {  	s7 =	sld [smem:$0x3FB1]  }
0x2d: {  	s3 =	simm.s32 $0x108;
	s8 =	sld [smem:$0x3FB2]  }
0x2e: {  	s3 =	simm.s32 @!p0 $0x1082;
	s9 =	sld [smem:$0x3FB3]  }
0x2f: {  	lr =	sadd.s32 s0, s3;
	s0 =	sld [smem:$0x3FAA]  }
0x30: {  	s3 =	sld [smem:$0x3FAD]  }
0x31: {  	[smem:$0x3FB6] =	sst s10  }
0x32: {  	s10 =	sld [smem:$0x3FB4];
	_ =	sdelay $0x3  }
0x33: {  	p0 =	seq.s32 s10, $0x1;
	s10 =	sld [smem:$0x3FB6];
	_ =	sdelay $0x3  }
0x34: {  	[smem:$0x3FB6] =	sst s10  }
0x35: {  	s10 =	sld [smem:$0x3FB5];
	_ =	sdelay $0x3  }
0x36: {  	p1 =	seq.s32 s10, $0x1;
	s10 =	sld [smem:$0x3FB6];
	_ =	sdelay $0x3  }
0x37: {  	[smem:$0x3FB6] =	sst s10  }
0x38: {  	s10 =	sld [smem:$0x3FB7]  }
0x39: {  	_ = 	snop;
	(pc) =	sbr.ind lr, $3  }
0x3a: {  	_ = 	snop  }
0x3b: {  	_ = 	snop  }
0x3c: {  	p2 =	seq.s32 s10, $0x1;
	s10 =	sld [smem:$0x3FB6]  }
0x3d: {  	_ =	shalt  }
0x3e: {  	_ =	shalt  }
0x3f: {  	_ =	shalt  }
0x40: {  	_ =	shalt  }
0x41: {  	_ =	shalt  }
0x42: {  	_ =	shalt  }
0x43: {  	_ =	shalt  }
0x44: {  	_ =	shalt  }
0x45: {  	_ =	shalt  }
0x46: {  	_ =	shalt  }
0x47: {  	_ =	shalt  }
0x48: {  	_ =	shalt  }
0x49: {  	_ =	shalt  }
0x4a: {  	_ =	shalt  }
0x4b: {  	_ =	shalt  }
0x4c: {  	_ =	shalt  }
0x4d: {  	_ =	shalt  }
0x4e: {  	_ =	shalt  }
0x4f: {  	_ =	shalt  }
0x50: {  	_ =	shalt  }
0x51: {  	_ =	shalt  }
0x52: {  	_ =	shalt  }
0x53: {  	_ =	shalt  }
0x54: {  	_ =	shalt  }
0x55: {  	_ =	shalt  }
0x56: {  	_ =	shalt  }
0x57: {  	_ =	shalt  }
0x58: {  	_ =	shalt  }
0x59: {  	_ =	shalt  }
0x5a: {  	_ =	shalt  }
0x5b: {  	_ =	shalt  }
0x5c: {  	_ =	shalt  }
0x5d: {  	_ =	shalt  }
0x5e: {  	_ =	shalt  }
0x5f: {  	_ =	shalt  }
0x60: {  	_ =	shalt  }
0x61: {  	_ =	shalt  }
0x62: {  	_ =	shalt  }
0x63: {  	_ =	shalt  }
0x64: {  	_ =	shalt  }
0x65: {  	_ =	shalt  }
0x66: {  	_ =	shalt  }
0x67: {  	_ =	shalt  }
0x68: {  	_ =	shalt  }
0x69: {  	_ =	shalt  }
0x6a: {  	_ =	shalt  }
0x6b: {  	_ =	shalt  }
0x6c: {  	_ =	shalt  }
0x6d: {  	_ =	shalt  }
0x6e: {  	_ =	shalt  }
0x6f: {  	_ =	shalt  }
0x70: {  	_ =	shalt  }
0x71: {  	_ =	shalt  }
0x72: {  	_ =	shalt  }
0x73: {  	_ =	shalt  }
0x74: {  	_ =	shalt  }
0x75: {  	_ =	shalt  }
0x76: {  	_ =	shalt  }
0x77: {  	_ =	shalt  }
0x78: {  	_ =	shalt  }
0x79: {  	_ =	shalt  }
0x7a: {  	_ =	shalt  }
0x7b: {  	_ =	shalt  }
0x7c: {  	_ =	shalt  }
0x7d: {  	_ =	shalt  }
0x7e: {  	_ =	shalt  }
0x7f: {  	_ =	shalt  }
0x80: {  	_ =	shalt  }
0x81: {  	_ =	shalt  }
0x82: {  	_ =	shalt  }
0x83: {  	_ =	shalt  }
0x84: {  	_ =	shalt  }
0x85: {  	_ =	shalt  }
0x86: {  	_ =	shalt  }
0x87: {  	_ =	shalt  }
.Lfunc_end0:
.L_simem_size_0:
called_computation_lowered:
.L_overlay_start_0:
0x88: {  	s2 =	sld [smem:$0x3FD9]  }
0x89: {  	s3 =	sld [smem:$0x3FFE];
	_ =	sdelay $0x1  }
0x8a: {  	s1 =	srdreg.scid  }
0x8b: {  	s0 =	sand.u32 $0x1, s1  }
0x8c: {  	s17 =	sshll.u32 s0, $0xA;
	s2 =	sadd.s32 s3, s2  }
0x8d: {  	s2 =	sadd.s32 s2, s17  }
0x8e: {  	[smem:$0x3FC2] =	sst s2  }
0x8f: {  	_ = 	snop  }
0x90: {  	s2 =	sld [smem:$0x3FC9];
	(tm) =	ssettm $0x1  }
0x91: {  	s18 =	sld [smem:$0x3FFB];
	_ =	sdelay $0x3  }
0x92: {  	_ =	strace s18  }
0x93: {  	s3 =	sld [smem:$0x3FFC];
	_ =	sdelay $0x3  }
0x94: {  	_ =	strace s3  }
0x95: {  	s3 =	sld [smem:$0x3FFD];
	_ =	sdelay $0x3  }
0x96: {  	_ =	strace s3  }
0x97: {  	_ =	strace $0x8FFFFFFF  }
0x98: {  	s19 =	sld [smem:$0x3FDB];
	_ =	sdelay $0x1  }
0x99: {  	s4 =	simm.s32 $_scs_section_size  }
0x9a: {  	s5 =	simm.s32 $_size__tile_overlayer_lowered;
	s6 =	simm.s32 $_tile_overlayer_lowered  }
0x9b: {  	s22 =	simm.s32 $0x1BFF;
	s21 =	sshll.u32 s6, $0x1;
	s3 =	sadd.s32 s4, s19  }
0x9c: {  	s7 =	simm.s32 $0x0;
	s20 =	sshll.u32 s5, $0x1;
	s5 =	sadd.s32 s21, s3  }
0x9d: {  	[timem:s7], [sflag:s22] =	dma.local [hbm:s5], s20  }
0x9e: {  	_ =	swait.ge [sflag:s22], s20  }
0x9f: {  	s4 =	ssub.s32 $0x0, s20;
	[sflag:s22] =	ssyncset.done $0x0  }
0xa0: {  	[sflag:s22] =	ssyncadd.s32 s4;
	_ =	sdelay $0x1  }
0xa1: {  	s23 =	simm.s32 $0x1B8B  }
0xa2: {  	_ =	swait.ge [sflag:s23], $0x1  }
0xa3: {  	[sflag:s23] =	ssyncset.done $0x0  }
0xa4: {  	s25 =	simm.s32 $0x1B8E;
	s24 =	sld [smem:$0x3FFE];
	[sflag:s23] =	ssyncadd.s32 $0xFFFFFFFF  }
0xa5: {  	s26 =	simm.s32 $execute0_lowered;
	[smem:$0x3FD2] =	sst s25  }
0xa6: {  	s5 =	sshll.u32 s26, $0x1;
	_ =	strace $0x80000046;
	[dreg:$0x1] =	wrdreg $0xFFFFFFFF  }
0xa7: {  	s28 =	simm.s32 $_size_execute0_lowered;
	s3 =	sadd.s32 s3, s5;
	[dreg:$0x0] =	wrdreg $0x0  }
0xa8: {  	s5 =	sshll.u32 s28, $0x1;
	[dreg:$0x2] =	wrdreg s3  }
0xa9: {  	[dreg:$0x3] =	wrdreg s5  }
0xaa: {  	[dreg:$0x4] =	wrdreg $0xC0  }
0xab: {  	_ =	task [dreg:s7], $0x5FFFF  }
0xac: {  	[dreg:$0x1] =	wrdreg $0xFFFFFFFF  }
0xad: {  	[dreg:$0x0] =	wrdreg $0x60  }
0xae: {  	[dreg:$0x2] =	wrdreg s2  }
0xaf: {  	[dreg:$0x3] =	wrdreg s24  }
0xb0: {  	[dreg:$0x4] =	wrdreg $0x9  }
0xb1: {  	_ =	task.clear_ibuf [dreg:s7], $0x5FFFF;
	_ =	strace $0x90000046  }
0xb2: {  	s29 =	simm.s32 $0x9;
	_ =	strace $0x80000048  }
0xb3: {  	_ =	swait.ge [sflag:s29], $0x1  }
0xb4: {  	[sflag:s29] =	ssyncadd.s32 $0xFFFFFFFF  }
0xb5: {  	_ =	strace $0x90000048  }
0xb6: {  	_ =	sfence  }
0xb7: {  	s30 =	sld [smem:$0x0];
	_ =	sdelay $0x2  }
0xb8: {  	s31 =	sshll.u32 s1, $0xD;
	s1 =	sshrl.u32 s1, $0x2  }
0xb9: {  	s3 =	sand.u32 $0x4000, s31;
	s1 =	sadd.s32 s1, s30  }
0xba: {  	s0 =	sor.u32 s3, s0;
	s1 =	sshll.u32 s1, $0x11  }
0xbb: {  	s0 =	sor.u32 s1, s0  }
0xbc: {  	s0 =	sadd.s32 $0x8F2B, s0  }
0xbd: {  	[sflag:s0] =	ssyncadd.remote.s32 $0x1  }
0xbe: {  	_ =	sfence.sel $0xFFFF  }
0xbf: {  	[dreg:$0x0] =	wrdreg $0xFFFFFFFF;
	(pc) =	sbr.abs _section_cstart, $3  }
0xc0: {  	[dreg:$0x1] =	wrdreg $0xFFFFFFFF  }
0xc1: {  	_ =	task.clear_ibuf [dreg:s7], $0x2FFFF;
	_ =	strace $0x9FFFFFFF  }
0xc2: {  	(tm) =	ssettm $0x7FFFFFFF  }
0xc3: {  	_ =	shalt  }
tec
execute0_lowered:
.L_overlay_start_1:
0x0: {  	(tag) =	ssettag $0x1  }
0x1: {  	s0 =	rddreg [dreg:$0x0]  }
0x2: {  	s1 =	rddreg [dreg:$0x1];
	s2 =	simm.s32 $0x0  }
0x3: {  	s3 =	srdreg.scid;
	s5 =	stileid.u32;
	s9 =	simm.s32 $0x2  }
0x4: {  	s24 =	simm.s32 $0x200;
	s4 =	sand.u32 $0x1, s3;
	s5 =	sshll.u32 s5, $0x1  }
0x5: {  	s19 =	simm.s32 $0x1;
	s6 =	ssub.s32 $0x2, s4;
	s4 =	sor.u32 s4, s5  }
0x6: {  	[smem:$0x7FF] =	sst s2;
	s3 =	sadd.s32 $0x800, s1;
	s7 =	sshll.u32 s4, $0x6  }
0x7: {  	_ =	strace $0x80000047;
	s4 =	sshll.u32 s4, $0xF;
	s29 =	sadd.s32 s1, s7  }
0x8: {  	s5 =	sadd.s32 $0x900, s1;
	s4 =	sadd.s32 s0, s4;
	[dreg:$0x3] =	wrdreg s29  }
0x9: {  	s28 =	sshrl.u32 s6, $0x1;
	s0 =	sadd.s32 $0x2000, s4;
	[dreg:$0x7] =	wrdreg s4  }
0xa: {  	v2 =	vlaneseq.u32;
	s8 =	ssub.s32 s6, s28;
	s30 =	sadd.s32 $0x4000, s4;
	[dreg:$0x4] =	wrdreg s0  }
0xb: {  	vm0 =	vmmov $0xffff;
	v1 =	vshrl.u32 v2, $0x3;
	s6 =	sadd.s32 $0xA00, s1;
	s31 =	sadd.s32 $0x6000, s4;
	[dreg:$0x5] =	wrdreg s30  }
0xc: {  	v0 =	vand.u32 $0x7, v2;
	v2 =	vor.u32 $0x8, v2;
	v1 =	vmul.u32 $0x8, v1;
	s7 =	sadd.s32 $0xB00, s1;
	s8 =	smax.u32 s8, $0x1;
	[dreg:$0x6] =	wrdreg s31  }
.LBB2_1:
0xd: {  	s20 =	rddreg [dreg:$0x3]  }
0xe: {  	[tilespmem:s2], [sflag:$0x2] =	stream.linear.gather [hbm4b:s20+s2], $0x200, $0x38;
	[tilespmem:$0x10200] =	vst v63  }
0xf: {  	_ =	swait.ge [sflag:s9], $0x200  }
0x10: {  	[sflag:s9] =	ssyncset.done $0x0  }
0x11: {  	s18 =	rddreg [dreg:$0x7];
	[sflag:s9] =	ssyncadd.s32 $0xFFFFFE00  }
0x12: {  	[tilespmem:s24], [sflag:$0x2] =	stream.linear.gather [hbm4b:s18+s2], $0x10000, $0x38;
	[tilespmem:$0x10200] =	vst v63  }
0x13: {  	_ =	swait.ge [sflag:s9], $0x10000  }
0x14: {  	[sflag:s9] =	ssyncset.done $0x0  }
0x15: {  	[sflag:s9] =	ssyncadd.s32 $0xFFFF0000  }
0x16: {  	v3 =	vld [tilespmem:$0x0];
	_ =	sdelay $0x4  }
0x17: {  	v4 =	vshll.u32 v3, $0x3  }
0x18: {  	v3 =	vand.u32 $0x7, v3;
	v4 =	vand.u32 $0xFFFFFFC0, v4  }
0x19: {  	v3 =	vor.u32 v3, v4  }
0x1a: {  	v4 =	vperm.xlane v3, v0;
	_ =	sdelay $0x1  }
0x1b: {  	v4 =	vadd.s32 v1, v4;
	_ =	sdelay $0x4  }
0x1c: {  	[hbm4b:s3+s2] =	stream.indirect_vreg.scatter [tilespmem:s24], [sflag:$0x1], $0x80, v4, vm0, $0xb8;
	[tilespmem:$0x10200] =	vst v63  }
0x1d: {  	s0 =	simm.s32 $0xA00;
	v3 =	vperm.xlane v3, v2  }
0x1e: {  	[hbm4b:s5+s2] =	stream.indirect_vreg.scatter [tilespmem:s0], [sflag:$0x1], $0x80, v4, vm0, $0xb8;
	[tilespmem:$0x10200] =	vst v63  }
0x1f: {  	s21 =	simm.s32 $0x1200;
	v3 =	vadd.s32 v1, v3  }
0x20: {  	[hbm4b:s6+s2] =	stream.indirect_vreg.scatter [tilespmem:s21], [sflag:$0x1], $0x80, v4, vm0, $0xb8;
	[tilespmem:$0x10200] =	vst v63  }
0x21: {  	s22 =	simm.s32 $0x1A00  }
0x22: {  	[hbm4b:s7+s2] =	stream.indirect_vreg.scatter [tilespmem:s22], [sflag:$0x1], $0x80, v4, vm0, $0xb8;
	[tilespmem:$0x10200] =	vst v63  }
0x23: {  	s23 =	simm.s32 $0x2200  }
0x24: {  	[hbm4b:s3+s2] =	stream.indirect_vreg.scatter [tilespmem:s23], [sflag:$0x1], $0x80, v3, vm0, $0xb8;
	[tilespmem:$0x10200] =	vst v63  }
0x25: {  	s25 =	simm.s32 $0x2A00  }
0x26: {  	[hbm4b:s5+s2] =	stream.indirect_vreg.scatter [tilespmem:s25], [sflag:$0x1], $0x80, v3, vm0, $0xb8;
	[tilespmem:$0x10200] =	vst v63  }
0x27: {  	s26 =	simm.s32 $0x3200  }
0x28: {  	[hbm4b:s6+s2] =	stream.indirect_vreg.scatter [tilespmem:s26], [sflag:$0x1], $0x80, v3, vm0, $0xb8;
	[tilespmem:$0x10200] =	vst v63  }
0x29: {  	s28 =	simm.s32 $0x3A00  }
0x2a: {  	[hbm4b:s7+s2] =	stream.indirect_vreg.scatter [tilespmem:s28], [sflag:$0x1], $0x80, v3, vm0, $0xb8;
	[tilespmem:$0x10200] =	vst v63  }
0x2b: {  	v3 =	vld [tilespmem:$0x10];
	_ =	sdelay $0x4  }
0x2c: {  	v49 =	vshll.u32 v3, $0x3  }
0x2d: {  	v3 =	vand.u32 $0x7, v3;
	v4 =	vand.u32 $0xFFFFFFC0, v49  }
0x2e: {  	v3 =	vor.u32 v3, v4  }
0x2f: {  	v4 =	vperm.xlane v3, v0;
	_ =	sdelay $0x1  }
0x30: {  	v4 =	vadd.s32 v1, v4;
	_ =	sdelay $0x3  }
0x31: {  	s29 =	simm.s32 $0x4200  }
0x32: {  	[hbm4b:s3+s2] =	stream.indirect_vreg.scatter [tilespmem:s29], [sflag:$0x1], $0x80, v4, vm0, $0xb8;
	[tilespmem:$0x10200] =	vst v63  }
0x33: {  	s30 =	simm.s32 $0x4A00;
	v3 =	vperm.xlane v3, v2  }
0x34: {  	[hbm4b:s5+s2] =	stream.indirect_vreg.scatter [tilespmem:s30], [sflag:$0x1], $0x80, v4, vm0, $0xb8;
	[tilespmem:$0x10200] =	vst v63  }
0x35: {  	s31 =	simm.s32 $0x5200;
	v3 =	vadd.s32 v1, v3  }
0x36: {  	[hbm4b:s6+s2] =	stream.indirect_vreg.scatter [tilespmem:s31], [sflag:$0x1], $0x80, v4, vm0, $0xb8;
	[tilespmem:$0x10200] =	vst v63  }
0x37: {  	s13 =	simm.s32 $0x5A00  }
0x38: {  	[hbm4b:s7+s2] =	stream.indirect_vreg.scatter [tilespmem:s13], [sflag:$0x1], $0x80, v4, vm0, $0xb8;
	[tilespmem:$0x10200] =	vst v63  }
0x39: {  	s16 =	simm.s32 $0x6200  }
0x3a: {  	[hbm4b:s3+s2] =	stream.indirect_vreg.scatter [tilespmem:s16], [sflag:$0x1], $0x80, v3, vm0, $0xb8;
	[tilespmem:$0x10200] =	vst v63  }
0x3b: {  	s18 =	simm.s32 $0x6A00  }
0x3c: {  	[hbm4b:s5+s2] =	stream.indirect_vreg.scatter [tilespmem:s18], [sflag:$0x1], $0x80, v3, vm0, $0xb8;
	[tilespmem:$0x10200] =	vst v63  }
0x3d: {  	s20 =	simm.s32 $0x7200  }
0x3e: {  	[hbm4b:s6+s2] =	stream.indirect_vreg.scatter [tilespmem:s20], [sflag:$0x1], $0x80, v3, vm0, $0xb8;
	[tilespmem:$0x10200] =	vst v63  }
0x3f: {  	s21 =	simm.s32 $0x7A00  }
0x40: {  	[hbm4b:s7+s2] =	stream.indirect_vreg.scatter [tilespmem:s21], [sflag:$0x1], $0x80, v3, vm0, $0xb8;
	[tilespmem:$0x10200] =	vst v63  }
0x41: {  	v3 =	vld [tilespmem:$0x20];
	_ =	sdelay $0x4  }
0x42: {  	v50 =	vshll.u32 v3, $0x3  }
0x43: {  	v3 =	vand.u32 $0x7, v3;
	v4 =	vand.u32 $0xFFFFFFC0, v50  }
0x44: {  	v3 =	vor.u32 v3, v4  }
0x45: {  	v4 =	vperm.xlane v3, v0;
	_ =	sdelay $0x1  }
0x46: {  	v4 =	vadd.s32 v1, v4;
	_ =	sdelay $0x3  }
0x47: {  	s22 =	simm.s32 $0x8200  }
0x48: {  	[hbm4b:s3+s2] =	stream.indirect_vreg.scatter [tilespmem:s22], [sflag:$0x1], $0x80, v4, vm0, $0xb8;
	[tilespmem:$0x10200] =	vst v63  }
0x49: {  	s23 =	simm.s32 $0x8A00;
	v3 =	vperm.xlane v3, v2  }
0x4a: {  	[hbm4b:s5+s2] =	stream.indirect_vreg.scatter [tilespmem:s23], [sflag:$0x1], $0x80, v4, vm0, $0xb8;
	[tilespmem:$0x10200] =	vst v63  }
0x4b: {  	s25 =	simm.s32 $0x9200;
	v3 =	vadd.s32 v1, v3  }
0x4c: {  	[hbm4b:s6+s2] =	stream.indirect_vreg.scatter [tilespmem:s25], [sflag:$0x1], $0x80, v4, vm0, $0xb8;
	[tilespmem:$0x10200] =	vst v63  }
0x4d: {  	s26 =	simm.s32 $0x9A00  }
0x4e: {  	[hbm4b:s7+s2] =	stream.indirect_vreg.scatter [tilespmem:s26], [sflag:$0x1], $0x80, v4, vm0, $0xb8;
	[tilespmem:$0x10200] =	vst v63  }
0x4f: {  	s28 =	simm.s32 $0xA200  }
0x50: {  	[hbm4b:s3+s2] =	stream.indirect_vreg.scatter [tilespmem:s28], [sflag:$0x1], $0x80, v3, vm0, $0xb8;
	[tilespmem:$0x10200] =	vst v63  }
0x51: {  	s29 =	simm.s32 $0xAA00  }
0x52: {  	[hbm4b:s5+s2] =	stream.indirect_vreg.scatter [tilespmem:s29], [sflag:$0x1], $0x80, v3, vm0, $0xb8;
	[tilespmem:$0x10200] =	vst v63  }
0x53: {  	s30 =	simm.s32 $0xB200  }
0x54: {  	[hbm4b:s6+s2] =	stream.indirect_vreg.scatter [tilespmem:s30], [sflag:$0x1], $0x80, v3, vm0, $0xb8;
	[tilespmem:$0x10200] =	vst v63  }
0x55: {  	s31 =	simm.s32 $0xBA00  }
0x56: {  	[hbm4b:s7+s2] =	stream.indirect_vreg.scatter [tilespmem:s31], [sflag:$0x1], $0x80, v3, vm0, $0xb8;
	[tilespmem:$0x10200] =	vst v63  }
0x57: {  	v3 =	vld [tilespmem:$0x30];
	_ =	sdelay $0x4  }
0x58: {  	v51 =	vshll.u32 v3, $0x3  }
0x59: {  	v3 =	vand.u32 $0x7, v3;
	v4 =	vand.u32 $0xFFFFFFC0, v51  }
0x5a: {  	v3 =	vor.u32 v3, v4  }
0x5b: {  	v4 =	vperm.xlane v3, v0;
	_ =	sdelay $0x1  }
0x5c: {  	v4 =	vadd.s32 v1, v4;
	_ =	sdelay $0x3  }
0x5d: {  	s0 =	simm.s32 $0xC200  }
0x5e: {  	[hbm4b:s3+s2] =	stream.indirect_vreg.scatter [tilespmem:s0], [sflag:$0x1], $0x80, v4, vm0, $0xb8;
	[tilespmem:$0x10200] =	vst v63  }
0x5f: {  	s16 =	simm.s32 $0xCA00;
	v3 =	vperm.xlane v3, v2  }
0x60: {  	[hbm4b:s5+s2] =	stream.indirect_vreg.scatter [tilespmem:s16], [sflag:$0x1], $0x80, v4, vm0, $0xb8;
	[tilespmem:$0x10200] =	vst v63  }
0x61: {  	s18 =	simm.s32 $0xD200;
	v3 =	vadd.s32 v1, v3  }
0x62: {  	[hbm4b:s6+s2] =	stream.indirect_vreg.scatter [tilespmem:s18], [sflag:$0x1], $0x80, v4, vm0, $0xb8;
	[tilespmem:$0x10200] =	vst v63  }
0x63: {  	s26 =	simm.s32 $0xDA00  }
0x64: {  	[hbm4b:s7+s2] =	stream.indirect_vreg.scatter [tilespmem:s26], [sflag:$0x1], $0x80, v4, vm0, $0xb8;
	[tilespmem:$0x10200] =	vst v63  }
0x65: {  	s29 =	simm.s32 $0xE200  }
0x66: {  	[hbm4b:s3+s2] =	stream.indirect_vreg.scatter [tilespmem:s29], [sflag:$0x1], $0x80, v3, vm0, $0xb8;
	[tilespmem:$0x10200] =	vst v63  }
0x67: {  	s30 =	simm.s32 $0xEA00  }
0x68: {  	[hbm4b:s5+s2] =	stream.indirect_vreg.scatter [tilespmem:s30], [sflag:$0x1], $0x80, v3, vm0, $0xb8;
	[tilespmem:$0x10200] =	vst v63  }
0x69: {  	s31 =	simm.s32 $0xF200  }
0x6a: {  	[hbm4b:s6+s2] =	stream.indirect_vreg.scatter [tilespmem:s31], [sflag:$0x1], $0x80, v3, vm0, $0xb8;
	[tilespmem:$0x10200] =	vst v63  }
0x6b: {  	s0 =	simm.s32 $0xFA00  }
0x6c: {  	[hbm4b:s7+s2] =	stream.indirect_vreg.scatter [tilespmem:s0], [sflag:$0x1], $0x80, v3, vm0, $0xb8;
	[tilespmem:$0x10200] =	vst v63  }
0x6d: {  	_ =	swait.ge [sflag:s19], $0x10000  }
0x6e: {  	[sflag:s19] =	ssyncset.done $0x0  }
0x6f: {  	s16 =	rddreg [dreg:$0x4];
	[sflag:s19] =	ssyncadd.s32 $0xFFFF0000  }
0x70: {  	[tilespmem:s24], [sflag:$0x2] =	stream.linear.gather [hbm4b:s16+s2], $0x10000, $0x38;
	[tilespmem:$0x10200] =	vst v63  }
0x71: {  	_ =	swait.ge [sflag:s9], $0x10000  }
0x72: {  	[sflag:s9] =	ssyncset.done $0x0  }
0x73: {  	[sflag:s9] =	ssyncadd.s32 $0xFFFF0000  }
0x74: {  	v3 =	vld [tilespmem:$0x80];
	_ =	sdelay $0x4  }
0x75: {  	v52 =	vshll.u32 v3, $0x3  }
0x76: {  	v3 =	vand.u32 $0x7, v3;
	v4 =	vand.u32 $0xFFFFFFC0, v52  }
0x77: {  	v3 =	vor.u32 v3, v4  }
0x78: {  	v4 =	vperm.xlane v3, v0;
	_ =	sdelay $0x1  }
0x79: {  	v4 =	vadd.s32 v1, v4;
	_ =	sdelay $0x4  }
0x7a: {  	[hbm4b:s3+s2] =	stream.indirect_vreg.scatter [tilespmem:s24], [sflag:$0x1], $0x80, v4, vm0, $0xb8;
	[tilespmem:$0x10200] =	vst v63  }
0x7b: {  	s14 =	simm.s32 $0xA00;
	v3 =	vperm.xlane v3, v2  }
0x7c: {  	[hbm4b:s5+s2] =	stream.indirect_vreg.scatter [tilespmem:s14], [sflag:$0x1], $0x80, v4, vm0, $0xb8;
	[tilespmem:$0x10200] =	vst v63  }
0x7d: {  	s1 =	simm.s32 $0x1200;
	v3 =	vadd.s32 v1, v3  }
0x7e: {  	[hbm4b:s6+s2] =	stream.indirect_vreg.scatter [tilespmem:s1], [sflag:$0x1], $0x80, v4, vm0, $0xb8;
	[tilespmem:$0x10200] =	vst v63  }
0x7f: {  	s4 =	simm.s32 $0x1A00  }
0x80: {  	[hbm4b:s7+s2] =	stream.indirect_vreg.scatter [tilespmem:s4], [sflag:$0x1], $0x80, v4, vm0, $0xb8;
	[tilespmem:$0x10200] =	vst v63  }
0x81: {  	s10 =	simm.s32 $0x2200  }
0x82: {  	[hbm4b:s3+s2] =	stream.indirect_vreg.scatter [tilespmem:s10], [sflag:$0x1], $0x80, v3, vm0, $0xb8;
	[tilespmem:$0x10200] =	vst v63  }
0x83: {  	s11 =	simm.s32 $0x2A00  }
0x84: {  	[hbm4b:s5+s2] =	stream.indirect_vreg.scatter [tilespmem:s11], [sflag:$0x1], $0x80, v3, vm0, $0xb8;
	[tilespmem:$0x10200] =	vst v63  }
0x85: {  	s12 =	simm.s32 $0x3200  }
0x86: {  	[hbm4b:s6+s2] =	stream.indirect_vreg.scatter [tilespmem:s12], [sflag:$0x1], $0x80, v3, vm0, $0xb8;
	[tilespmem:$0x10200] =	vst v63  }
0x87: {  	s15 =	simm.s32 $0x3A00  }
0x88: {  	[hbm4b:s7+s2] =	stream.indirect_vreg.scatter [tilespmem:s15], [sflag:$0x1], $0x80, v3, vm0, $0xb8;
	[tilespmem:$0x10200] =	vst v63  }
0x89: {  	v3 =	vld [tilespmem:$0x90];
	_ =	sdelay $0x4  }
0x8a: {  	v53 =	vshll.u32 v3, $0x3  }
0x8b: {  	v3 =	vand.u32 $0x7, v3;
	v4 =	vand.u32 $0xFFFFFFC0, v53  }
0x8c: {  	v3 =	vor.u32 v3, v4  }
0x8d: {  	v4 =	vperm.xlane v3, v0;
	_ =	sdelay $0x1  }
0x8e: {  	v4 =	vadd.s32 v1, v4;
	_ =	sdelay $0x3  }
0x8f: {  	s16 =	simm.s32 $0x4200  }
0x90: {  	[hbm4b:s3+s2] =	stream.indirect_vreg.scatter [tilespmem:s16], [sflag:$0x1], $0x80, v4, vm0, $0xb8;
	[tilespmem:$0x10200] =	vst v63  }
0x91: {  	s17 =	simm.s32 $0x4A00;
	v3 =	vperm.xlane v3, v2  }
0x92: {  	[hbm4b:s5+s2] =	stream.indirect_vreg.scatter [tilespmem:s17], [sflag:$0x1], $0x80, v4, vm0, $0xb8;
	[tilespmem:$0x10200] =	vst v63  }
0x93: {  	v3 =	vadd.s32 v1, v3;
	s17 =	simm.s32 $0x5200  }
0x94: {  	[hbm4b:s6+s2] =	stream.indirect_vreg.scatter [tilespmem:s17], [sflag:$0x1], $0x80, v4, vm0, $0xb8;
	[tilespmem:$0x10200] =	vst v63  }
0x95: {  	s0 =	simm.s32 $0x5A00  }
0x96: {  	[hbm4b:s7+s2] =	stream.indirect_vreg.scatter [tilespmem:s0], [sflag:$0x1], $0x80, v4, vm0, $0xb8;
	[tilespmem:$0x10200] =	vst v63  }
0x97: {  	s1 =	simm.s32 $0x6200  }
0x98: {  	[hbm4b:s3+s2] =	stream.indirect_vreg.scatter [tilespmem:s1], [sflag:$0x1], $0x80, v3, vm0, $0xb8;
	[tilespmem:$0x10200] =	vst v63  }
0x99: {  	s4 =	simm.s32 $0x6A00  }
0x9a: {  	[hbm4b:s5+s2] =	stream.indirect_vreg.scatter [tilespmem:s4], [sflag:$0x1], $0x80, v3, vm0, $0xb8;
	[tilespmem:$0x10200] =	vst v63  }
0x9b: {  	s10 =	simm.s32 $0x7200  }
0x9c: {  	[hbm4b:s6+s2] =	stream.indirect_vreg.scatter [tilespmem:s10], [sflag:$0x1], $0x80, v3, vm0, $0xb8;
	[tilespmem:$0x10200] =	vst v63  }
0x9d: {  	s13 =	simm.s32 $0x7A00  }
0x9e: {  	[hbm4b:s7+s2] =	stream.indirect_vreg.scatter [tilespmem:s13], [sflag:$0x1], $0x80, v3, vm0, $0xb8;
	[tilespmem:$0x10200] =	vst v63  }
0x9f: {  	v3 =	vld [tilespmem:$0xA0];
	_ =	sdelay $0x4  }
0xa0: {  	v54 =	vshll.u32 v3, $0x3  }
0xa1: {  	v3 =	vand.u32 $0x7, v3;
	v4 =	vand.u32 $0xFFFFFFC0, v54  }
0xa2: {  	v3 =	vor.u32 v3, v4  }
0xa3: {  	v4 =	vperm.xlane v3, v0;
	_ =	sdelay $0x1  }
0xa4: {  	v4 =	vadd.s32 v1, v4;
	_ =	sdelay $0x3  }
0xa5: {  	s14 =	simm.s32 $0x8200  }
0xa6: {  	[hbm4b:s3+s2] =	stream.indirect_vreg.scatter [tilespmem:s14], [sflag:$0x1], $0x80, v4, vm0, $0xb8;
	[tilespmem:$0x10200] =	vst v63  }
0xa7: {  	s15 =	simm.s32 $0x8A00;
	v3 =	vperm.xlane v3, v2  }
0xa8: {  	[hbm4b:s5+s2] =	stream.indirect_vreg.scatter [tilespmem:s15], [sflag:$0x1], $0x80, v4, vm0, $0xb8;
	[tilespmem:$0x10200] =	vst v63  }
0xa9: {  	s11 =	simm.s32 $0x9200;
	v3 =	vadd.s32 v1, v3  }
0xaa: {  	[hbm4b:s6+s2] =	stream.indirect_vreg.scatter [tilespmem:s11], [sflag:$0x1], $0x80, v4, vm0, $0xb8;
	[tilespmem:$0x10200] =	vst v63  }
0xab: {  	s12 =	simm.s32 $0x9A00  }
0xac: {  	[hbm4b:s7+s2] =	stream.indirect_vreg.scatter [tilespmem:s12], [sflag:$0x1], $0x80, v4, vm0, $0xb8;
	[tilespmem:$0x10200] =	vst v63  }
0xad: {  	s13 =	simm.s32 $0xA200  }
0xae: {  	[hbm4b:s3+s2] =	stream.indirect_vreg.scatter [tilespmem:s13], [sflag:$0x1], $0x80, v3, vm0, $0xb8;
	[tilespmem:$0x10200] =	vst v63  }
0xaf: {  	s25 =	simm.s32 $0xAA00  }
0xb0: {  	[hbm4b:s5+s2] =	stream.indirect_vreg.scatter [tilespmem:s25], [sflag:$0x1], $0x80, v3, vm0, $0xb8;
	[tilespmem:$0x10200] =	vst v63  }
0xb1: {  	s28 =	simm.s32 $0xB200  }
0xb2: {  	[hbm4b:s6+s2] =	stream.indirect_vreg.scatter [tilespmem:s28], [sflag:$0x1], $0x80, v3, vm0, $0xb8;
	[tilespmem:$0x10200] =	vst v63  }
0xb3: {  	s21 =	simm.s32 $0xBA00  }
0xb4: {  	[hbm4b:s7+s2] =	stream.indirect_vreg.scatter [tilespmem:s21], [sflag:$0x1], $0x80, v3, vm0, $0xb8;
	[tilespmem:$0x10200] =	vst v63  }
0xb5: {  	v3 =	vld [tilespmem:$0xB0];
	_ =	sdelay $0x4  }
0xb6: {  	v55 =	vshll.u32 v3, $0x3  }
0xb7: {  	v3 =	vand.u32 $0x7, v3;
	v4 =	vand.u32 $0xFFFFFFC0, v55  }
0xb8: {  	v3 =	vor.u32 v3, v4  }
0xb9: {  	v4 =	vperm.xlane v3, v0;
	_ =	sdelay $0x1  }
0xba: {  	v4 =	vadd.s32 v1, v4;
	_ =	sdelay $0x3  }
0xbb: {  	s22 =	simm.s32 $0xC200  }
0xbc: {  	[hbm4b:s3+s2] =	stream.indirect_vreg.scatter [tilespmem:s22], [sflag:$0x1], $0x80, v4, vm0, $0xb8;
	[tilespmem:$0x10200] =	vst v63  }
0xbd: {  	s23 =	simm.s32 $0xCA00;
	v3 =	vperm.xlane v3, v2  }
0xbe: {  	[hbm4b:s5+s2] =	stream.indirect_vreg.scatter [tilespmem:s23], [sflag:$0x1], $0x80, v4, vm0, $0xb8;
	[tilespmem:$0x10200] =	vst v63  }
0xbf: {  	v3 =	vadd.s32 v1, v3;
	s23 =	simm.s32 $0xD200  }
0xc0: {  	[hbm4b:s6+s2] =	stream.indirect_vreg.scatter [tilespmem:s23], [sflag:$0x1], $0x80, v4, vm0, $0xb8;
	[tilespmem:$0x10200] =	vst v63  }
0xc1: {  	s28 =	simm.s32 $0xDA00  }
0xc2: {  	[hbm4b:s7+s2] =	stream.indirect_vreg.scatter [tilespmem:s28], [sflag:$0x1], $0x80, v4, vm0, $0xb8;
	[tilespmem:$0x10200] =	vst v63  }
0xc3: {  	s22 =	simm.s32 $0xE200  }
0xc4: {  	[hbm4b:s3+s2] =	stream.indirect_vreg.scatter [tilespmem:s22], [sflag:$0x1], $0x80, v3, vm0, $0xb8;
	[tilespmem:$0x10200] =	vst v63  }
0xc5: {  	s29 =	simm.s32 $0xEA00  }
0xc6: {  	[hbm4b:s5+s2] =	stream.indirect_vreg.scatter [tilespmem:s29], [sflag:$0x1], $0x80, v3, vm0, $0xb8;
	[tilespmem:$0x10200] =	vst v63  }
0xc7: {  	s23 =	simm.s32 $0xF200  }
0xc8: {  	[hbm4b:s6+s2] =	stream.indirect_vreg.scatter [tilespmem:s23], [sflag:$0x1], $0x80, v3, vm0, $0xb8;
	[tilespmem:$0x10200] =	vst v63  }
0xc9: {  	s18 =	simm.s32 $0xFA00  }
0xca: {  	[hbm4b:s7+s2] =	stream.indirect_vreg.scatter [tilespmem:s18], [sflag:$0x1], $0x80, v3, vm0, $0xb8;
	[tilespmem:$0x10200] =	vst v63  }
0xcb: {  	_ =	swait.ge [sflag:s19], $0x10000  }
0xcc: {  	[sflag:s19] =	ssyncset.done $0x0  }
0xcd: {  	s18 =	rddreg [dreg:$0x5];
	[sflag:s19] =	ssyncadd.s32 $0xFFFF0000  }
0xce: {  	[tilespmem:s24], [sflag:$0x2] =	stream.linear.gather [hbm4b:s18+s2], $0x10000, $0x38;
	[tilespmem:$0x10200] =	vst v63  }
0xcf: {  	_ =	swait.ge [sflag:s9], $0x10000  }
0xd0: {  	[sflag:s9] =	ssyncset.done $0x0  }
0xd1: {  	[sflag:s9] =	ssyncadd.s32 $0xFFFF0000  }
0xd2: {  	v3 =	vld [tilespmem:$0x100];
	_ =	sdelay $0x4  }
0xd3: {  	v56 =	vshll.u32 v3, $0x3  }
0xd4: {  	v3 =	vand.u32 $0x7, v3;
	v4 =	vand.u32 $0xFFFFFFC0, v56  }
0xd5: {  	v3 =	vor.u32 v3, v4  }
0xd6: {  	v4 =	vperm.xlane v3, v0;
	_ =	sdelay $0x1  }
0xd7: {  	v4 =	vadd.s32 v1, v4;
	_ =	sdelay $0x4  }
0xd8: {  	[hbm4b:s3+s2] =	stream.indirect_vreg.scatter [tilespmem:s24], [sflag:$0x1], $0x80, v4, vm0, $0xb8;
	[tilespmem:$0x10200] =	vst v63  }
0xd9: {  	s31 =	simm.s32 $0xA00;
	v3 =	vperm.xlane v3, v2  }
0xda: {  	[hbm4b:s5+s2] =	stream.indirect_vreg.scatter [tilespmem:s31], [sflag:$0x1], $0x80, v4, vm0, $0xb8;
	[tilespmem:$0x10200] =	vst v63  }
0xdb: {  	s30 =	simm.s32 $0x1200;
	v3 =	vadd.s32 v1, v3  }
0xdc: {  	[hbm4b:s6+s2] =	stream.indirect_vreg.scatter [tilespmem:s30], [sflag:$0x1], $0x80, v4, vm0, $0xb8;
	[tilespmem:$0x10200] =	vst v63  }
0xdd: {  	s20 =	simm.s32 $0x1A00  }
0xde: {  	[hbm4b:s7+s2] =	stream.indirect_vreg.scatter [tilespmem:s20], [sflag:$0x1], $0x80, v4, vm0, $0xb8;
	[tilespmem:$0x10200] =	vst v63  }
0xdf: {  	s30 =	simm.s32 $0x2200  }
0xe0: {  	[hbm4b:s3+s2] =	stream.indirect_vreg.scatter [tilespmem:s30], [sflag:$0x1], $0x80, v3, vm0, $0xb8;
	[tilespmem:$0x10200] =	vst v63  }
0xe1: {  	s20 =	simm.s32 $0x2A00  }
0xe2: {  	[hbm4b:s5+s2] =	stream.indirect_vreg.scatter [tilespmem:s20], [sflag:$0x1], $0x80, v3, vm0, $0xb8;
	[tilespmem:$0x10200] =	vst v63  }
0xe3: {  	s30 =	simm.s32 $0x3200  }
0xe4: {  	[hbm4b:s6+s2] =	stream.indirect_vreg.scatter [tilespmem:s30], [sflag:$0x1], $0x80, v3, vm0, $0xb8;
	[tilespmem:$0x10200] =	vst v63  }
0xe5: {  	s20 =	simm.s32 $0x3A00  }
0xe6: {  	[hbm4b:s7+s2] =	stream.indirect_vreg.scatter [tilespmem:s20], [sflag:$0x1], $0x80, v3, vm0, $0xb8;
	[tilespmem:$0x10200] =	vst v63  }
0xe7: {  	v3 =	vld [tilespmem:$0x110];
	_ =	sdelay $0x4  }
0xe8: {  	v57 =	vshll.u32 v3, $0x3  }
0xe9: {  	v3 =	vand.u32 $0x7, v3;
	v4 =	vand.u32 $0xFFFFFFC0, v57  }
0xea: {  	v3 =	vor.u32 v3, v4  }
0xeb: {  	v4 =	vperm.xlane v3, v0;
	_ =	sdelay $0x1  }
0xec: {  	v4 =	vadd.s32 v1, v4;
	_ =	sdelay $0x4  }
0xed: {  	[hbm4b:s3+s2] =	stream.indirect_vreg.scatter [tilespmem:s16], [sflag:$0x1], $0x80, v4, vm0, $0xb8;
	[tilespmem:$0x10200] =	vst v63  }
0xee: {  	s30 =	simm.s32 $0x4A00;
	v3 =	vperm.xlane v3, v2  }
0xef: {  	[hbm4b:s5+s2] =	stream.indirect_vreg.scatter [tilespmem:s30], [sflag:$0x1], $0x80, v4, vm0, $0xb8;
	[tilespmem:$0x10200] =	vst v63  }
0xf0: {  	v3 =	vadd.s32 v1, v3  }
0xf1: {  	[hbm4b:s6+s2] =	stream.indirect_vreg.scatter [tilespmem:s17], [sflag:$0x1], $0x80, v4, vm0, $0xb8;
	[tilespmem:$0x10200] =	vst v63  }
0xf2: {  	_ = 	snop  }
0xf3: {  	[hbm4b:s7+s2] =	stream.indirect_vreg.scatter [tilespmem:s0], [sflag:$0x1], $0x80, v4, vm0, $0xb8;
	[tilespmem:$0x10200] =	vst v63  }
0xf4: {  	_ = 	snop  }
0xf5: {  	[hbm4b:s3+s2] =	stream.indirect_vreg.scatter [tilespmem:s1], [sflag:$0x1], $0x80, v3, vm0, $0xb8;
	[tilespmem:$0x10200] =	vst v63  }
0xf6: {  	_ = 	snop  }
0xf7: {  	[hbm4b:s5+s2] =	stream.indirect_vreg.scatter [tilespmem:s4], [sflag:$0x1], $0x80, v3, vm0, $0xb8;
	[tilespmem:$0x10200] =	vst v63  }
0xf8: {  	_ = 	snop  }
0xf9: {  	[hbm4b:s6+s2] =	stream.indirect_vreg.scatter [tilespmem:s10], [sflag:$0x1], $0x80, v3, vm0, $0xb8;
	[tilespmem:$0x10200] =	vst v63  }
0xfa: {  	s20 =	simm.s32 $0x7A00  }
0xfb: {  	[hbm4b:s7+s2] =	stream.indirect_vreg.scatter [tilespmem:s20], [sflag:$0x1], $0x80, v3, vm0, $0xb8;
	[tilespmem:$0x10200] =	vst v63  }
0xfc: {  	v3 =	vld [tilespmem:$0x120];
	_ =	sdelay $0x4  }
0xfd: {  	v58 =	vshll.u32 v3, $0x3  }
0xfe: {  	v3 =	vand.u32 $0x7, v3;
	v4 =	vand.u32 $0xFFFFFFC0, v58  }
0xff: {  	v3 =	vor.u32 v3, v4  }
0x100: {  	v4 =	vperm.xlane v3, v0;
	_ =	sdelay $0x1  }
0x101: {  	v4 =	vadd.s32 v1, v4;
	_ =	sdelay $0x4  }
0x102: {  	[hbm4b:s3+s2] =	stream.indirect_vreg.scatter [tilespmem:s14], [sflag:$0x1], $0x80, v4, vm0, $0xb8;
	[tilespmem:$0x10200] =	vst v63  }
0x103: {  	v3 =	vperm.xlane v3, v2  }
0x104: {  	[hbm4b:s5+s2] =	stream.indirect_vreg.scatter [tilespmem:s15], [sflag:$0x1], $0x80, v4, vm0, $0xb8;
	[tilespmem:$0x10200] =	vst v63  }
0x105: {  	v3 =	vadd.s32 v1, v3  }
0x106: {  	[hbm4b:s6+s2] =	stream.indirect_vreg.scatter [tilespmem:s11], [sflag:$0x1], $0x80, v4, vm0, $0xb8;
	[tilespmem:$0x10200] =	vst v63  }
0x107: {  	_ = 	snop  }
0x108: {  	[hbm4b:s7+s2] =	stream.indirect_vreg.scatter [tilespmem:s12], [sflag:$0x1], $0x80, v4, vm0, $0xb8;
	[tilespmem:$0x10200] =	vst v63  }
0x109: {  	_ = 	snop  }
0x10a: {  	[hbm4b:s3+s2] =	stream.indirect_vreg.scatter [tilespmem:s13], [sflag:$0x1], $0x80, v3, vm0, $0xb8;
	[tilespmem:$0x10200] =	vst v63  }
0x10b: {  	s26 =	simm.s32 $0xAA00  }
0x10c: {  	[hbm4b:s5+s2] =	stream.indirect_vreg.scatter [tilespmem:s26], [sflag:$0x1], $0x80, v3, vm0, $0xb8;
	[tilespmem:$0x10200] =	vst v63  }
0x10d: {  	s25 =	simm.s32 $0xB200  }
0x10e: {  	[hbm4b:s6+s2] =	stream.indirect_vreg.scatter [tilespmem:s25], [sflag:$0x1], $0x80, v3, vm0, $0xb8;
	[tilespmem:$0x10200] =	vst v63  }
0x10f: {  	s26 =	simm.s32 $0xBA00  }
0x110: {  	[hbm4b:s7+s2] =	stream.indirect_vreg.scatter [tilespmem:s26], [sflag:$0x1], $0x80, v3, vm0, $0xb8;
	[tilespmem:$0x10200] =	vst v63  }
0x111: {  	v3 =	vld [tilespmem:$0x130];
	_ =	sdelay $0x4  }
0x112: {  	v59 =	vshll.u32 v3, $0x3  }
0x113: {  	v3 =	vand.u32 $0x7, v3;
	v4 =	vand.u32 $0xFFFFFFC0, v59  }
0x114: {  	v3 =	vor.u32 v3, v4  }
0x115: {  	v4 =	vperm.xlane v3, v0;
	_ =	sdelay $0x1  }
0x116: {  	v4 =	vadd.s32 v1, v4;
	_ =	sdelay $0x3  }
0x117: {  	s25 =	simm.s32 $0xC200  }
0x118: {  	[hbm4b:s3+s2] =	stream.indirect_vreg.scatter [tilespmem:s25], [sflag:$0x1], $0x80, v4, vm0, $0xb8;
	[tilespmem:$0x10200] =	vst v63  }
0x119: {  	s26 =	simm.s32 $0xCA00;
	v3 =	vperm.xlane v3, v2  }
0x11a: {  	[hbm4b:s5+s2] =	stream.indirect_vreg.scatter [tilespmem:s26], [sflag:$0x1], $0x80, v4, vm0, $0xb8;
	[tilespmem:$0x10200] =	vst v63  }
0x11b: {  	s21 =	simm.s32 $0xD200;
	v3 =	vadd.s32 v1, v3  }
0x11c: {  	[hbm4b:s6+s2] =	stream.indirect_vreg.scatter [tilespmem:s21], [sflag:$0x1], $0x80, v4, vm0, $0xb8;
	[tilespmem:$0x10200] =	vst v63  }
0x11d: {  	s28 =	simm.s32 $0xDA00  }
0x11e: {  	[hbm4b:s7+s2] =	stream.indirect_vreg.scatter [tilespmem:s28], [sflag:$0x1], $0x80, v4, vm0, $0xb8;
	[tilespmem:$0x10200] =	vst v63  }
0x11f: {  	s22 =	simm.s32 $0xE200  }
0x120: {  	[hbm4b:s3+s2] =	stream.indirect_vreg.scatter [tilespmem:s22], [sflag:$0x1], $0x80, v3, vm0, $0xb8;
	[tilespmem:$0x10200] =	vst v63  }
0x121: {  	s29 =	simm.s32 $0xEA00  }
0x122: {  	[hbm4b:s5+s2] =	stream.indirect_vreg.scatter [tilespmem:s29], [sflag:$0x1], $0x80, v3, vm0, $0xb8;
	[tilespmem:$0x10200] =	vst v63  }
0x123: {  	s23 =	simm.s32 $0xF200  }
0x124: {  	[hbm4b:s6+s2] =	stream.indirect_vreg.scatter [tilespmem:s23], [sflag:$0x1], $0x80, v3, vm0, $0xb8;
	[tilespmem:$0x10200] =	vst v63  }
0x125: {  	s23 =	simm.s32 $0xFA00  }
0x126: {  	[hbm4b:s7+s2] =	stream.indirect_vreg.scatter [tilespmem:s23], [sflag:$0x1], $0x80, v3, vm0, $0xb8;
	[tilespmem:$0x10200] =	vst v63  }
0x127: {  	_ =	swait.ge [sflag:s19], $0x10000  }
0x128: {  	[sflag:s19] =	ssyncset.done $0x0  }
0x129: {  	s29 =	rddreg [dreg:$0x6];
	[sflag:s19] =	ssyncadd.s32 $0xFFFF0000  }
0x12a: {  	[tilespmem:s24], [sflag:$0x2] =	stream.linear.gather [hbm4b:s29+s2], $0x10000, $0x38;
	[tilespmem:$0x10200] =	vst v63  }
0x12b: {  	_ =	swait.ge [sflag:s9], $0x10000  }
0x12c: {  	[sflag:s9] =	ssyncset.done $0x0  }
0x12d: {  	[sflag:s9] =	ssyncadd.s32 $0xFFFF0000  }
0x12e: {  	v3 =	vld [tilespmem:$0x180];
	_ =	sdelay $0x4  }
0x12f: {  	v60 =	vshll.u32 v3, $0x3  }
0x130: {  	v3 =	vand.u32 $0x7, v3;
	v4 =	vand.u32 $0xFFFFFFC0, v60  }
0x131: {  	v3 =	vor.u32 v3, v4  }
0x132: {  	v4 =	vperm.xlane v3, v0;
	_ =	sdelay $0x1  }
0x133: {  	v4 =	vadd.s32 v1, v4;
	_ =	sdelay $0x4  }
0x134: {  	[hbm4b:s3+s2] =	stream.indirect_vreg.scatter [tilespmem:s24], [sflag:$0x1], $0x80, v4, vm0, $0xb8;
	[tilespmem:$0x10200] =	vst v63  }
0x135: {  	s29 =	simm.s32 $0xA00;
	v3 =	vperm.xlane v3, v2  }
0x136: {  	[hbm4b:s5+s2] =	stream.indirect_vreg.scatter [tilespmem:s29], [sflag:$0x1], $0x80, v4, vm0, $0xb8;
	[tilespmem:$0x10200] =	vst v63  }
0x137: {  	s31 =	simm.s32 $0x1200;
	v3 =	vadd.s32 v1, v3  }
0x138: {  	[hbm4b:s6+s2] =	stream.indirect_vreg.scatter [tilespmem:s31], [sflag:$0x1], $0x80, v4, vm0, $0xb8;
	[tilespmem:$0x10200] =	vst v63  }
0x139: {  	s29 =	simm.s32 $0x1A00  }
0x13a: {  	[hbm4b:s7+s2] =	stream.indirect_vreg.scatter [tilespmem:s29], [sflag:$0x1], $0x80, v4, vm0, $0xb8;
	[tilespmem:$0x10200] =	vst v63  }
0x13b: {  	s31 =	simm.s32 $0x2200  }
0x13c: {  	[hbm4b:s3+s2] =	stream.indirect_vreg.scatter [tilespmem:s31], [sflag:$0x1], $0x80, v3, vm0, $0xb8;
	[tilespmem:$0x10200] =	vst v63  }
0x13d: {  	s29 =	simm.s32 $0x2A00  }
0x13e: {  	[hbm4b:s5+s2] =	stream.indirect_vreg.scatter [tilespmem:s29], [sflag:$0x1], $0x80, v3, vm0, $0xb8;
	[tilespmem:$0x10200] =	vst v63  }
0x13f: {  	s31 =	simm.s32 $0x3200  }
0x140: {  	[hbm4b:s6+s2] =	stream.indirect_vreg.scatter [tilespmem:s31], [sflag:$0x1], $0x80, v3, vm0, $0xb8;
	[tilespmem:$0x10200] =	vst v63  }
0x141: {  	s29 =	simm.s32 $0x3A00  }
0x142: {  	[hbm4b:s7+s2] =	stream.indirect_vreg.scatter [tilespmem:s29], [sflag:$0x1], $0x80, v3, vm0, $0xb8;
	[tilespmem:$0x10200] =	vst v63  }
0x143: {  	v3 =	vld [tilespmem:$0x190];
	_ =	sdelay $0x4  }
0x144: {  	v61 =	vshll.u32 v3, $0x3  }
0x145: {  	v3 =	vand.u32 $0x7, v3;
	v4 =	vand.u32 $0xFFFFFFC0, v61  }
0x146: {  	v3 =	vor.u32 v3, v4  }
0x147: {  	v4 =	vperm.xlane v3, v0;
	_ =	sdelay $0x1  }
0x148: {  	v4 =	vadd.s32 v1, v4;
	_ =	sdelay $0x3  }
0x149: {  	s16 =	simm.s32 $0x4200  }
0x14a: {  	[hbm4b:s3+s2] =	stream.indirect_vreg.scatter [tilespmem:s16], [sflag:$0x1], $0x80, v4, vm0, $0xb8;
	[tilespmem:$0x10200] =	vst v63  }
0x14b: {  	s31 =	simm.s32 $0x4A00;
	v3 =	vperm.xlane v3, v2  }
0x14c: {  	[hbm4b:s5+s2] =	stream.indirect_vreg.scatter [tilespmem:s31], [sflag:$0x1], $0x80, v4, vm0, $0xb8;
	[tilespmem:$0x10200] =	vst v63  }
0x14d: {  	s17 =	simm.s32 $0x5200;
	v3 =	vadd.s32 v1, v3  }
0x14e: {  	[hbm4b:s6+s2] =	stream.indirect_vreg.scatter [tilespmem:s17], [sflag:$0x1], $0x80, v4, vm0, $0xb8;
	[tilespmem:$0x10200] =	vst v63  }
0x14f: {  	s0 =	simm.s32 $0x5A00  }
0x150: {  	[hbm4b:s7+s2] =	stream.indirect_vreg.scatter [tilespmem:s0], [sflag:$0x1], $0x80, v4, vm0, $0xb8;
	[tilespmem:$0x10200] =	vst v63  }
0x151: {  	s1 =	simm.s32 $0x6200  }
0x152: {  	[hbm4b:s3+s2] =	stream.indirect_vreg.scatter [tilespmem:s1], [sflag:$0x1], $0x80, v3, vm0, $0xb8;
	[tilespmem:$0x10200] =	vst v63  }
0x153: {  	s4 =	simm.s32 $0x6A00  }
0x154: {  	[hbm4b:s5+s2] =	stream.indirect_vreg.scatter [tilespmem:s4], [sflag:$0x1], $0x80, v3, vm0, $0xb8;
	[tilespmem:$0x10200] =	vst v63  }
0x155: {  	s10 =	simm.s32 $0x7200  }
0x156: {  	[hbm4b:s6+s2] =	stream.indirect_vreg.scatter [tilespmem:s10], [sflag:$0x1], $0x80, v3, vm0, $0xb8;
	[tilespmem:$0x10200] =	vst v63  }
0x157: {  	s20 =	simm.s32 $0x7A00  }
0x158: {  	[hbm4b:s7+s2] =	stream.indirect_vreg.scatter [tilespmem:s20], [sflag:$0x1], $0x80, v3, vm0, $0xb8;
	[tilespmem:$0x10200] =	vst v63  }
0x159: {  	v3 =	vld [tilespmem:$0x1A0];
	_ =	sdelay $0x4  }
0x15a: {  	v62 =	vshll.u32 v3, $0x3  }
0x15b: {  	v3 =	vand.u32 $0x7, v3;
	v4 =	vand.u32 $0xFFFFFFC0, v62  }
0x15c: {  	v3 =	vor.u32 v3, v4  }
0x15d: {  	v4 =	vperm.xlane v3, v0;
	_ =	sdelay $0x1  }
0x15e: {  	v4 =	vadd.s32 v1, v4;
	_ =	sdelay $0x3  }
0x15f: {  	s14 =	simm.s32 $0x8200  }
0x160: {  	[hbm4b:s3+s2] =	stream.indirect_vreg.scatter [tilespmem:s14], [sflag:$0x1], $0x80, v4, vm0, $0xb8;
	[tilespmem:$0x10200] =	vst v63  }
0x161: {  	s15 =	simm.s32 $0x8A00;
	v3 =	vperm.xlane v3, v2  }
0x162: {  	[hbm4b:s5+s2] =	stream.indirect_vreg.scatter [tilespmem:s15], [sflag:$0x1], $0x80, v4, vm0, $0xb8;
	[tilespmem:$0x10200] =	vst v63  }
0x163: {  	s11 =	simm.s32 $0x9200;
	v3 =	vadd.s32 v1, v3  }
0x164: {  	[hbm4b:s6+s2] =	stream.indirect_vreg.scatter [tilespmem:s11], [sflag:$0x1], $0x80, v4, vm0, $0xb8;
	[tilespmem:$0x10200] =	vst v63  }
0x165: {  	s12 =	simm.s32 $0x9A00  }
0x166: {  	[hbm4b:s7+s2] =	stream.indirect_vreg.scatter [tilespmem:s12], [sflag:$0x1], $0x80, v4, vm0, $0xb8;
	[tilespmem:$0x10200] =	vst v63  }
0x167: {  	s13 =	simm.s32 $0xA200  }
0x168: {  	[hbm4b:s3+s2] =	stream.indirect_vreg.scatter [tilespmem:s13], [sflag:$0x1], $0x80, v3, vm0, $0xb8;
	[tilespmem:$0x10200] =	vst v63  }
0x169: {  	s30 =	simm.s32 $0xAA00  }
0x16a: {  	[hbm4b:s5+s2] =	stream.indirect_vreg.scatter [tilespmem:s30], [sflag:$0x1], $0x80, v3, vm0, $0xb8;
	[tilespmem:$0x10200] =	vst v63  }
0x16b: {  	s18 =	simm.s32 $0xB200  }
0x16c: {  	[hbm4b:s6+s2] =	stream.indirect_vreg.scatter [tilespmem:s18], [sflag:$0x1], $0x80, v3, vm0, $0xb8;
	[tilespmem:$0x10200] =	vst v63  }
0x16d: {  	s29 =	simm.s32 $0xBA00  }
0x16e: {  	[hbm4b:s7+s2] =	stream.indirect_vreg.scatter [tilespmem:s29], [sflag:$0x1], $0x80, v3, vm0, $0xb8;
	[tilespmem:$0x10200] =	vst v63  }
0x16f: {  	v3 =	vld [tilespmem:$0x1B0];
	_ =	sdelay $0x4  }
0x170: {  	v63 =	vshll.u32 v3, $0x3  }
0x171: {  	v3 =	vand.u32 $0x7, v3;
	v4 =	vand.u32 $0xFFFFFFC0, v63  }
0x172: {  	v3 =	vor.u32 v3, v4  }
0x173: {  	v4 =	vperm.xlane v3, v0;
	_ =	sdelay $0x1  }
0x174: {  	v4 =	vadd.s32 v1, v4;
	_ =	sdelay $0x3  }
0x175: {  	s30 =	simm.s32 $0xC200  }
0x176: {  	[hbm4b:s3+s2] =	stream.indirect_vreg.scatter [tilespmem:s30], [sflag:$0x1], $0x80, v4, vm0, $0xb8;
	[tilespmem:$0x10200] =	vst v63  }
0x177: {  	s31 =	simm.s32 $0xCA00;
	v3 =	vperm.xlane v3, v2  }
0x178: {  	[hbm4b:s5+s2] =	stream.indirect_vreg.scatter [tilespmem:s31], [sflag:$0x1], $0x80, v4, vm0, $0xb8;
	[tilespmem:$0x10200] =	vst v63  }
0x179: {  	s25 =	simm.s32 $0xD200;
	v3 =	vadd.s32 v1, v3  }
0x17a: {  	[hbm4b:s6+s2] =	stream.indirect_vreg.scatter [tilespmem:s25], [sflag:$0x1], $0x80, v4, vm0, $0xb8;
	[tilespmem:$0x10200] =	vst v63  }
0x17b: {  	s26 =	simm.s32 $0xDA00  }
0x17c: {  	[hbm4b:s7+s2] =	stream.indirect_vreg.scatter [tilespmem:s26], [sflag:$0x1], $0x80, v4, vm0, $0xb8;
	[tilespmem:$0x10200] =	vst v63  }
0x17d: {  	s21 =	simm.s32 $0xE200  }
0x17e: {  	[hbm4b:s3+s2] =	stream.indirect_vreg.scatter [tilespmem:s21], [sflag:$0x1], $0x80, v3, vm0, $0xb8;
	[tilespmem:$0x10200] =	vst v63  }
0x17f: {  	s28 =	simm.s32 $0xEA00  }
0x180: {  	[hbm4b:s5+s2] =	stream.indirect_vreg.scatter [tilespmem:s28], [sflag:$0x1], $0x80, v3, vm0, $0xb8;
	[tilespmem:$0x10200] =	vst v63  }
0x181: {  	p0 =	sne.s32 s8, $0x1;
	s22 =	simm.s32 $0xF200  }
0x182: {  	[hbm4b:s6+s2] =	stream.indirect_vreg.scatter [tilespmem:s22], [sflag:$0x1], $0x80, v3, vm0, $0xb8;
	[tilespmem:$0x10200] =	vst v63  }
.Ltmp0:
0x183: {  	s23 =	simm.s32 $0xFA00;
	(pc) =	sbr.rel @p0 .LBB2_1-.Ltmp0, $4  }
0x184: {  	[hbm4b:s7+s2] =	stream.indirect_vreg.scatter [tilespmem:s23], [sflag:$0x1], $0x80, v3, vm0, $0xb8;
	[tilespmem:$0x10200] =	vst v63  }
0x185: {  	_ =	swait.ge [sflag:s19], $0x10000  }
0x186: {  	[sflag:s19] =	ssyncset.done $0x0  }
0x187: {  	s8 =	sadd.s32 $0xFFFFFFFF, s8;
	[sflag:s19] =	ssyncadd.s32 $0xFFFF0000  }
0x188: {  	_ =	sfence.sel $0x180000  }
0x189: {  	[bflag:$0x0] =	sbarrier.arrive $0xFFFF  }
0x18a: {  	_ =	strace $0x90000047  }
0x18b: {  	s0 =	stileid.u32;
	[bflag:$0x2] =	sbarrier.arrive $0xFFFF  }
0x18c: {  	p0 =	sne.s32 s0, $0x0;
	s0 =	rddreg [dreg:$0x2]  }
0x18d: {  	s0 =	sadd.s32 @!p0 $0x100000, s0  }
0x18e: {  	[sflag:s0] =	ssyncadd.tile.s32 @!p0 $0x1;
	_ =	shalt  }
.Lfunc_end2:
_tile_overlayer_lowered:
.L_overlay_start_2:
0x18f: {  	(tag) =	ssettag $0x2  }
0x190: {  	s0 =	rddreg [dreg:$0x0];
	s2 =	stileid.u32  }
0x191: {  	s1 =	rddreg [dreg:$0x1];
	p0 =	sne.s32 s2, $0x0  }
0x192: {  	s3 =	rddreg [dreg:$0x2];
	[bflag:$0x3] =	sbarrier.arrive $0xFFFF;
	s2 =	simm.s32 @!p0 $0x1C02  }
0x193: {  	[timem:s3], [sflag:s2] =	dma.local @!p0 [hbm:s0], s1  }
0x194: {  	s0 =	simm.s32 @!p0 $0x2  }
0x195: {  	_ =	swait.ge @!p0 [sflag:s0], s1  }
0x196: {  	s1 =	ssub.s32 @!p0 $0x0, s1;
	[sflag:s0] =	ssyncset.done @!p0 $0x0  }
0x197: {  	[sflag:s0] =	ssyncadd.s32 @!p0 s1  }
0x198: {  	[bflag:$0x3] =	sbarrier.arrive $0xFFFF  }
0x199: {  	_ =	shalt  }

// kernel: kernel.9.cloned.1.call-start
scs
__scs_entry_jumppad:
0x0: {  	(pc) =	sbr.rel $0x88, $3  }
0x1: {  	(tag) =	ssettag $0x0;
	lr =	simm.s32 $0x1  }
0x2: {  	[smem:$0x3F9B] =	sst lr;
	_ =	strace $0xD0000000  }
0x3: {  	_ = 	snop  }
0x4: {  	_ = 	snop  }
0x5: {  	_ = 	snop  }
0x6: {  	_ = 	snop  }
0x7: {  	_ = 	snop  }
__scs_overlays_trampoline_lowered:
0x8: {  	[smem:$0x3FAA] =	sst s0  }
0x9: {  	[smem:$0x3FAB] =	sst s1  }
0xa: {  	[smem:$0x3FAC] =	sst s2  }
0xb: {  	[smem:$0x3FAD] =	sst s3  }
0xc: {  	[smem:$0x3FAE] =	sst s4  }
0xd: {  	[smem:$0x3FAF] =	sst s5  }
0xe: {  	[smem:$0x3FB0] =	sst s6  }
0xf: {  	[smem:$0x3FB1] =	sst s7  }
0x10: {  	[smem:$0x3FB2] =	sst s8  }
0x11: {  	[smem:$0x3FB3] =	sst s9;
	s0 =	simm.s32 @!p0 $0x0  }
0x12: {  	s1 =	sld [smem:$0x3F99];
	s0 =	simm.s32 @p0 $0x1  }
0x13: {  	[smem:$0x3FB4] =	sst s0;
	s0 =	simm.s32 @!p1 $0x0  }
0x14: {  	s2 =	sld [smem:$0x3F98];
	s0 =	simm.s32 @p1 $0x1  }
0x15: {  	[smem:$0x3FB5] =	sst s0;
	s0 =	simm.s32 @!p2 $0x0  }
0x16: {  	s3 =	sld [smem:$0x3FDB];
	s0 =	simm.s32 @p2 $0x1  }
0x17: {  	s4 =	simm.s32 $0x1BF5;
	[smem:$0x3FB7] =	sst s0  }
0x18: {  	s0 =	sld [smem:$0x3F9A];
	_ =	swait.ge [sflag:s4], $0x0  }
0x19: {  	s7 =	sld [smem:$0x3F9B]  }
0x1a: {  	s8 =	sadd.s32 $0xFFFFE003, lr  }
0x1b: {  	s9 =	sadd.s32 $0xFFFFFEF7, lr;
	s5 =	simm.s32 $0xFFFFFFFF;
	p2 =	slt.u32 s8, $0xFFFFF086  }
0x1c: {  	p1 =	slt.u32 s9, $0xF7A;
	s5 =	simm.s32 @!p2 $0x0  }
0x1d: {  	s5 =	simm.s32 @p1 $0x1;
	p0 =	seq.s32 s7, s2  }
0x1e: {  	s7 =	smul.u32 @!p0 $0xF7A, s2;
	p2 =	seq.s32 @!p0 s5, $0x0  }
0x1f: {  	s9 =	smul.u32 $0xF7A, s1;
	s8 =	simm.s32 @!p0 $0x1BF5;
	p2 =	por !p2, p0  }
0x20: {  	[sflag:s8] =	ssyncset.s32 @!p0 $0xFFFFF086;
	s6 =	sadd.s32 @!p0 s3, s7;
	s7 =	simm.s32 @!p0 $0x108  }
0x21: {  	s3 =	sadd.s32 s3, s9;
	s6 =	sadd.s32 @!p0 $0x88, s6;
	s7 =	simm.s32 @p2 $0x1082  }
0x22: {  	[simem:s7], [sflag:s8] =	dma.local @!p0 [hbm:s6], $0xF7A  }
0x23: {  	s9 =	sor.u32 $0xD0000000, s2;
	s6 =	simm.s32 $0x108;
	_ =	swait.ge @!p0 [sflag:s8], $0x0  }
0x24: {  	s3 =	sadd.s32 $0x88, s3;
	s6 =	simm.s32 @!p1 $0x1082;
	[sflag:s4] =	ssyncset.s32 $0xFFFFF086  }
0x25: {  	[simem:s6], [sflag:s4] =	dma.local [hbm:s3], $0xF7A  }
0x26: {  	[smem:$0x3F9B] =	sst s1;
	(tag) =	ssettag s2;
	_ =	strace s9  }
0x27: {  	s1 =	sld [smem:$0x3FAB]  }
0x28: {  	s2 =	sld [smem:$0x3FAC]  }
0x29: {  	s4 =	sld [smem:$0x3FAE]  }
0x2a: {  	p0 =	seq.s32 s5, $0x0;
	s5 =	sld [smem:$0x3FAF]  }
0x2b: {  	s6 =	sld [smem:$0x3FB0]  }
0x2c: {  	s7 =	sld [smem:$0x3FB1]  }
0x2d: {  	s3 =	simm.s32 $0x108;
	s8 =	sld [smem:$0x3FB2]  }
0x2e: {  	s3 =	simm.s32 @!p0 $0x1082;
	s9 =	sld [smem:$0x3FB3]  }
0x2f: {  	lr =	sadd.s32 s0, s3;
	s0 =	sld [smem:$0x3FAA]  }
0x30: {  	s3 =	sld [smem:$0x3FAD]  }
0x31: {  	[smem:$0x3FB6] =	sst s10  }
0x32: {  	s10 =	sld [smem:$0x3FB4];
	_ =	sdelay $0x3  }
0x33: {  	p0 =	seq.s32 s10, $0x1;
	s10 =	sld [smem:$0x3FB6];
	_ =	sdelay $0x3  }
0x34: {  	[smem:$0x3FB6] =	sst s10  }
0x35: {  	s10 =	sld [smem:$0x3FB5];
	_ =	sdelay $0x3  }
0x36: {  	p1 =	seq.s32 s10, $0x1;
	s10 =	sld [smem:$0x3FB6];
	_ =	sdelay $0x3  }
0x37: {  	[smem:$0x3FB6] =	sst s10  }
0x38: {  	s10 =	sld [smem:$0x3FB7]  }
0x39: {  	_ = 	snop;
	(pc) =	sbr.ind lr, $3  }
0x3a: {  	_ = 	snop  }
0x3b: {  	_ = 	snop  }
0x3c: {  	p2 =	seq.s32 s10, $0x1;
	s10 =	sld [smem:$0x3FB6]  }
0x3d: {  	_ =	shalt  }
0x3e: {  	_ =	shalt  }
0x3f: {  	_ =	shalt  }
0x40: {  	_ =	shalt  }
0x41: {  	_ =	shalt  }
0x42: {  	_ =	shalt  }
0x43: {  	_ =	shalt  }
0x44: {  	_ =	shalt  }
0x45: {  	_ =	shalt  }
0x46: {  	_ =	shalt  }
0x47: {  	_ =	shalt  }
0x48: {  	_ =	shalt  }
0x49: {  	_ =	shalt  }
0x4a: {  	_ =	shalt  }
0x4b: {  	_ =	shalt  }
0x4c: {  	_ =	shalt  }
0x4d: {  	_ =	shalt  }
0x4e: {  	_ =	shalt  }
0x4f: {  	_ =	shalt  }
0x50: {  	_ =	shalt  }
0x51: {  	_ =	shalt  }
0x52: {  	_ =	shalt  }
0x53: {  	_ =	shalt  }
0x54: {  	_ =	shalt  }
0x55: {  	_ =	shalt  }
0x56: {  	_ =	shalt  }
0x57: {  	_ =	shalt  }
0x58: {  	_ =	shalt  }
0x59: {  	_ =	shalt  }
0x5a: {  	_ =	shalt  }
0x5b: {  	_ =	shalt  }
0x5c: {  	_ =	shalt  }
0x5d: {  	_ =	shalt  }
0x5e: {  	_ =	shalt  }
0x5f: {  	_ =	shalt  }
0x60: {  	_ =	shalt  }
0x61: {  	_ =	shalt  }
0x62: {  	_ =	shalt  }
0x63: {  	_ =	shalt  }
0x64: {  	_ =	shalt  }
0x65: {  	_ =	shalt  }
0x66: {  	_ =	shalt  }
0x67: {  	_ =	shalt  }
0x68: {  	_ =	shalt  }
0x69: {  	_ =	shalt  }
0x6a: {  	_ =	shalt  }
0x6b: {  	_ =	shalt  }
0x6c: {  	_ =	shalt  }
0x6d: {  	_ =	shalt  }
0x6e: {  	_ =	shalt  }
0x6f: {  	_ =	shalt  }
0x70: {  	_ =	shalt  }
0x71: {  	_ =	shalt  }
0x72: {  	_ =	shalt  }
0x73: {  	_ =	shalt  }
0x74: {  	_ =	shalt  }
0x75: {  	_ =	shalt  }
0x76: {  	_ =	shalt  }
0x77: {  	_ =	shalt  }
0x78: {  	_ =	shalt  }
0x79: {  	_ =	shalt  }
0x7a: {  	_ =	shalt  }
0x7b: {  	_ =	shalt  }
0x7c: {  	_ =	shalt  }
0x7d: {  	_ =	shalt  }
0x7e: {  	_ =	shalt  }
0x7f: {  	_ =	shalt  }
0x80: {  	_ =	shalt  }
0x81: {  	_ =	shalt  }
0x82: {  	_ =	shalt  }
0x83: {  	_ =	shalt  }
0x84: {  	_ =	shalt  }
0x85: {  	_ =	shalt  }
0x86: {  	_ =	shalt  }
0x87: {  	_ =	shalt  }
.Lfunc_end0:
.L_simem_size_0:
called_computation.1_lowered:
.L_overlay_start_0:
0x88: {  	s2 =	sld [smem:$0x3FD9]  }
0x89: {  	s3 =	sld [smem:$0x3FFE];
	_ =	sdelay $0x1  }
0x8a: {  	s1 =	srdreg.scid  }
0x8b: {  	s0 =	sand.u32 $0x1, s1  }
0x8c: {  	s17 =	sshll.u32 s0, $0xA;
	s2 =	sadd.s32 s3, s2  }
0x8d: {  	s2 =	sadd.s32 s2, s17  }
0x8e: {  	[smem:$0x3FC2] =	sst s2  }
0x8f: {  	_ = 	snop  }
0x90: {  	s2 =	sld [smem:$0x3FD0];
	(tm) =	ssettm $0x1  }
0x91: {  	s18 =	sld [smem:$0x3FFB];
	_ =	sdelay $0x3  }
0x92: {  	_ =	strace s18  }
0x93: {  	s3 =	sld [smem:$0x3FFC];
	_ =	sdelay $0x3  }
0x94: {  	_ =	strace s3  }
0x95: {  	s3 =	sld [smem:$0x3FFD];
	_ =	sdelay $0x3  }
0x96: {  	_ =	strace s3  }
0x97: {  	_ =	strace $0x8FFFFFFF  }
0x98: {  	s19 =	sld [smem:$0x3FDB];
	_ =	sdelay $0x1  }
0x99: {  	s4 =	simm.s32 $_scs_section_size  }
0x9a: {  	s5 =	simm.s32 $_size__tile_overlayer_lowered;
	s6 =	simm.s32 $_tile_overlayer_lowered  }
0x9b: {  	s22 =	simm.s32 $0x1BFF;
	s21 =	sshll.u32 s6, $0x1;
	s3 =	sadd.s32 s4, s19  }
0x9c: {  	s7 =	simm.s32 $0x0;
	s20 =	sshll.u32 s5, $0x1;
	s5 =	sadd.s32 s21, s3  }
0x9d: {  	[timem:s7], [sflag:s22] =	dma.local [hbm:s5], s20  }
0x9e: {  	_ =	swait.ge [sflag:s22], s20  }
0x9f: {  	s4 =	ssub.s32 $0x0, s20;
	[sflag:s22] =	ssyncset.done $0x0  }
0xa0: {  	[sflag:s22] =	ssyncadd.s32 s4;
	_ =	sdelay $0x1  }
0xa1: {  	s23 =	simm.s32 $0x1B8B  }
0xa2: {  	_ =	swait.ge [sflag:s23], $0x1  }
0xa3: {  	[sflag:s23] =	ssyncset.done $0x0  }
0xa4: {  	s25 =	simm.s32 $0x1B8E;
	s24 =	sld [smem:$0x3FFE];
	[sflag:s23] =	ssyncadd.s32 $0xFFFFFFFF  }
0xa5: {  	s26 =	simm.s32 $execute0_lowered;
	[smem:$0x3FD2] =	sst s25  }
0xa6: {  	s5 =	sshll.u32 s26, $0x1;
	_ =	strace $0x80000049;
	[dreg:$0x1] =	wrdreg $0xFFFFFFFF  }
0xa7: {  	s28 =	simm.s32 $_size_execute0_lowered;
	s3 =	sadd.s32 s3, s5;
	[dreg:$0x0] =	wrdreg $0x0  }
0xa8: {  	s5 =	sshll.u32 s28, $0x1;
	[dreg:$0x2] =	wrdreg s3  }
0xa9: {  	[dreg:$0x3] =	wrdreg s5  }
0xaa: {  	[dreg:$0x4] =	wrdreg $0xC0  }
0xab: {  	_ =	task [dreg:s7], $0x5FFFF  }
0xac: {  	[dreg:$0x1] =	wrdreg $0xFFFFFFFF  }
0xad: {  	[dreg:$0x0] =	wrdreg $0x60  }
0xae: {  	[dreg:$0x2] =	wrdreg s2  }
0xaf: {  	[dreg:$0x3] =	wrdreg s24  }
0xb0: {  	[dreg:$0x4] =	wrdreg $0x9  }
0xb1: {  	_ =	task.clear_ibuf [dreg:s7], $0x5FFFF;
	_ =	strace $0x90000049  }
0xb2: {  	s29 =	simm.s32 $0x9;
	_ =	strace $0x8000004B  }
0xb3: {  	_ =	swait.ge [sflag:s29], $0x1  }
0xb4: {  	[sflag:s29] =	ssyncadd.s32 $0xFFFFFFFF  }
0xb5: {  	_ =	strace $0x9000004B  }
0xb6: {  	_ =	sfence  }
0xb7: {  	s30 =	sld [smem:$0x0];
	_ =	sdelay $0x2  }
0xb8: {  	s31 =	sshll.u32 s1, $0xD;
	s1 =	sshrl.u32 s1, $0x2  }
0xb9: {  	s3 =	sand.u32 $0x4000, s31;
	s1 =	sadd.s32 s1, s30  }
0xba: {  	s0 =	sor.u32 s3, s0;
	s1 =	sshll.u32 s1, $0x11  }
0xbb: {  	s0 =	sor.u32 s1, s0  }
0xbc: {  	s0 =	sadd.s32 $0x8F2B, s0  }
0xbd: {  	[sflag:s0] =	ssyncadd.remote.s32 $0x1  }
0xbe: {  	_ =	sfence.sel $0xFFFF  }
0xbf: {  	[dreg:$0x0] =	wrdreg $0xFFFFFFFF;
	(pc) =	sbr.abs _section_cstart, $3  }
0xc0: {  	[dreg:$0x1] =	wrdreg $0xFFFFFFFF  }
0xc1: {  	_ =	task.clear_ibuf [dreg:s7], $0x2FFFF;
	_ =	strace $0x9FFFFFFF  }
0xc2: {  	(tm) =	ssettm $0x7FFFFFFF  }
0xc3: {  	_ =	shalt  }
tec
execute0_lowered:
.L_overlay_start_1:
0x0: {  	(tag) =	ssettag $0x1  }
0x1: {  	s2 =	srdreg.scid;
	s1 =	rddreg [dreg:$0x0]  }
0x2: {  	s0 =	stileid.u32;
	s5 =	rddreg [dreg:$0x1]  }
0x3: {  	s8 =	simm.s32 $0x400;
	s9 =	sand.u32 $0x1, s2;
	s31 =	sshll.u32 s0, $0x5  }
0x4: {  	s3 =	sshll.u32 s0, $0x6;
	s4 =	sshll.u32 s9, $0x4;
	s2 =	sand.u32 $0x60, s31  }
0x5: {  	s7 =	simm.s32 $0x2;
	s6 =	sand.u32 $0x300, s3;
	s4 =	sor.u32 s4, s2  }
0x6: {  	s3 =	simm.s32 $0x0;
	s2 =	rddreg [dreg:$0x2];
	s4 =	sor.u32 s6, s4  }
0x7: {  	s11 =	ssub.s32 $0x2, s9;
	[smem:$0x7FF] =	sst s3;
	s4 =	sadd.s32 s5, s4  }
0x8: {  	_ =	strace $0x8000004A;
	s6 =	simm.s32 $0x80;
	s5 =	sadd.s32 $0x100800, s4  }
0x9: {  	[tilespmem:s3], [sflag:$0x2] =	stream.strided.gather [hbm4b:s5+s6], $0x100, s8, s6, $0x38;
	[tilespmem:$0x200] =	vst v63  }
0xa: {  	s12 =	sshrl.u32 s11, $0x1;
	_ =	swait.ge [sflag:s7], $0x100  }
0xb: {  	s10 =	simm.s32 $0x1;
	s11 =	ssub.s32 s11, s12;
	[sflag:s7] =	ssyncset.done $0x0  }
0xc: {  	s9 =	simm.s32 $0x100;
	s11 =	smax.u32 s11, $0x1;
	[sflag:s7] =	ssyncadd.s32 $0xFFFFFF00  }
0xd: {  	[tilespmem:s9], [sflag:$0x1] =	stream.indirect.gather [hbm4b:s1+s9], $0x1, s3, s9, $0xb8;
	[tilespmem:$0x200] =	vst v63  }
0xe: {  	p0 =	sne.s32 s11, $0x1;
	_ =	swait.ge [sflag:s10], $0x100  }
.Ltmp0:
0xf: {  	[sflag:s10] =	ssyncset.done $0x0;
	(pc) =	sbr.rel @!p0 .LBB2_2-.Ltmp0, $4  }
0x10: {  	[sflag:s10] =	ssyncadd.s32 $0xFFFFFF00  }
0x11: {  	[hbm4b:s4+s6] =	stream.strided.scatter [tilespmem:s9], [sflag:$0x2], $0x100, s8, s6, $0x38;
	[tilespmem:$0x200] =	vst v63  }
0x12: {  	_ =	swait.ge [sflag:s7], $0x100  }
0x13: {  	s11 =	sadd.s32 $0xFFFFFFFF, s11;
	[sflag:s7] =	ssyncset.done $0x0  }
.LBB2_1:
0x14: {  	p0 =	sne.s32 s11, $0x1;
	s11 =	sadd.s32 $0xFFFFFFFF, s11;
	[sflag:s7] =	ssyncadd.s32 $0xFFFFFF00  }
0x15: {  	[tilespmem:s3], [sflag:$0x2] =	stream.strided.gather [hbm4b:s5+s6], $0x100, s8, s6, $0x38;
	[tilespmem:$0x200] =	vst v63  }
0x16: {  	_ =	swait.ge [sflag:s7], $0x100  }
0x17: {  	[sflag:s7] =	ssyncset.done $0x0  }
0x18: {  	[sflag:s7] =	ssyncadd.s32 $0xFFFFFF00  }
0x19: {  	[tilespmem:s9], [sflag:$0x1] =	stream.indirect.gather [hbm4b:s1+s9], $0x1, s3, s9, $0xb8;
	[tilespmem:$0x200] =	vst v63  }
0x1a: {  	_ =	swait.ge [sflag:s10], $0x100  }
.Ltmp1:
0x1b: {  	[sflag:s10] =	ssyncset.done $0x0;
	(pc) =	sbr.rel @p0 .LBB2_1-.Ltmp1, $4  }
0x1c: {  	[sflag:s10] =	ssyncadd.s32 $0xFFFFFF00  }
0x1d: {  	[hbm4b:s4+s6] =	stream.strided.scatter [tilespmem:s9], [sflag:$0x2], $0x100, s8, s6, $0x38;
	[tilespmem:$0x200] =	vst v63  }
0x1e: {  	_ =	swait.ge [sflag:s7], $0x100  }
0x1f: {  	[sflag:s7] =	ssyncset.done $0x0  }
.LBB2_2:
0x20: {  	[sflag:s7] =	ssyncadd.s32 $0xFFFFFF00  }
0x21: {  	_ =	sfence.sel $0x180000  }
0x22: {  	[bflag:$0x0] =	sbarrier.arrive $0xFFFF  }
0x23: {  	p0 =	sne.s32 s0, $0x0;
	_ =	strace $0x9000004A  }
0x24: {  	s0 =	sadd.s32 @!p0 $0x100000, s2;
	[bflag:$0x2] =	sbarrier.arrive $0xFFFF  }
0x25: {  	[sflag:s0] =	ssyncadd.tile.s32 @!p0 $0x1;
	_ =	shalt  }
.Lfunc_end2:
_tile_overlayer_lowered:
.L_overlay_start_2:
0x26: {  	(tag) =	ssettag $0x2  }
0x27: {  	s0 =	rddreg [dreg:$0x0];
	s2 =	stileid.u32  }
0x28: {  	s1 =	rddreg [dreg:$0x1];
	p0 =	sne.s32 s2, $0x0  }
0x29: {  	s3 =	rddreg [dreg:$0x2];
	[bflag:$0x3] =	sbarrier.arrive $0xFFFF;
	s2 =	simm.s32 @!p0 $0x1C02  }
0x2a: {  	[timem:s3], [sflag:s2] =	dma.local @!p0 [hbm:s0], s1  }
0x2b: {  	s0 =	simm.s32 @!p0 $0x2  }
0x2c: {  	_ =	swait.ge @!p0 [sflag:s0], s1  }
0x2d: {  	s1 =	ssub.s32 @!p0 $0x0, s1;
	[sflag:s0] =	ssyncset.done @!p0 $0x0  }
0x2e: {  	[sflag:s0] =	ssyncadd.s32 @!p0 s1  }
0x2f: {  	[bflag:$0x3] =	sbarrier.arrive $0xFFFF  }
0x30: {  	_ =	shalt  }

</sc_bundles>
